<compile_context>
chip_gen: v7x
topology: tpu7x:2x2x1
jax: 0.10.2.dev20260603
libtpu: 0.0.44.dev20260713+nightly
codegen_flags: <defaults>
</compile_context>

<pallas_src>
import functools

import jax
import jax.numpy as jnp
from jax import lax
from jax.experimental import pallas as pl
from jax.experimental.pallas import tpu as pltpu
from jax.experimental.pallas import tpu_sc as plsc

_N = 10000
_E = 160000
_TILES = 16
_WB = 640
_CH = 128

_R = 10000
_G = _N // _R

_CPT = 40
_CPC = _TILES * _CPT
_EPAD = 2 * _CPC * _CH - _E
_NPAD = _N + 240

_mesh = plsc.VectorSubcoreMesh(core_axis_name="c", subcore_axis_name="s")


def _zero_table(z_ref, table, t):
    start = pl.multiple_of(t * _WB, 8)
    pltpu.sync_copy(z_ref, table.at[pl.ds(start, _WB)])


def _write_table(table, out_ref, c, t):
    start = pl.multiple_of(t * _WB, 8)

    @pl.when(t < _TILES - 1)
    def _():
        pltpu.sync_copy(table.at[pl.ds(start, _WB)], out_ref.at[c, pl.ds(start, _WB)])

    @pl.when(t == _TILES - 1)
    def _():
        last = _N - (_TILES - 1) * _WB
        pltpu.sync_copy(table.at[pl.ds(start, last)], out_ref.at[c, pl.ds(start, last)])


def _sc_deg(w=128):

    @functools.partial(
        pl.kernel,
        out_type=jax.ShapeDtypeStruct((2, _N, w), jnp.float32),
        mesh=_mesh,
        scratch_types=[
            pltpu.VMEM((8, _CH), jnp.int32),
            pltpu.VMEM((_CH, w), jnp.float32),
            pltpu.VMEM_SHARED((_NPAD, w), jnp.float32),
        ],
    )
    def k(dst2_ref, oh_ref, z_ref, out_ref, didx8, ones_v, table):
        c = lax.axis_index("c")
        t = lax.axis_index("s")
        pltpu.sync_copy(oh_ref, ones_v)
        _zero_table(z_ref, table, t)
        plsc.subcore_barrier()

        def body(i, carry):
            row0 = pl.multiple_of((c * _CPC + t * _CPT) + 8 * i, 8)
            pltpu.sync_copy(dst2_ref.at[pl.ds(row0, 8)], didx8)
            for k8 in range(8):
                pltpu.sync_copy(ones_v, table.at[didx8.at[k8]], add=True)
            return carry

        lax.fori_loop(0, _CPT // 8, body, 0)
        plsc.subcore_barrier()
        _write_table(table, out_ref, c, t)

    return k


def _sc_agg(d):

    @functools.partial(
        pl.kernel,
        out_type=jax.ShapeDtypeStruct((2, _N, d), jnp.float32),
        mesh=_mesh,
        scratch_types=[
            pltpu.VMEM((_CH,), jnp.int32),
            pltpu.VMEM((_CH,), jnp.int32),
            pltpu.VMEM((_CH,), jnp.int32),
            pltpu.VMEM((_CH,), jnp.int32),
            pltpu.VMEM((_CH, d), jnp.float32),
            pltpu.VMEM((_CH, d), jnp.float32),
            pltpu.VMEM_SHARED((_NPAD, d), jnp.float32),
            pltpu.SemaphoreType.DMA,
            pltpu.SemaphoreType.DMA,
        ],
    )
    def k(src_ref, dst_ref, s_ref, z_ref, out_ref, sa, da, sb, db, ra, rb, table, ma, mb):
        c = lax.axis_index("c")
        t = lax.axis_index("s")
        _zero_table(z_ref, table, t)
        plsc.subcore_barrier()
        base0 = (c * _CPC + t * _CPT) * _CH

        def body(i, carry):
            b0 = pl.multiple_of(base0 + (2 * i) * _CH, _CH)
            b1 = pl.multiple_of(base0 + (2 * i + 1) * _CH, _CH)
            pltpu.sync_copy(src_ref.at[pl.ds(b0, _CH)], sa)
            pltpu.sync_copy(dst_ref.at[pl.ds(b0, _CH)], da)
            h0 = pltpu.async_copy(s_ref.at[sa], ra, ma)
            pltpu.sync_copy(src_ref.at[pl.ds(b1, _CH)], sb)
            pltpu.sync_copy(dst_ref.at[pl.ds(b1, _CH)], db)
            h1 = pltpu.async_copy(s_ref.at[sb], rb, mb)
            h0.wait()
            pltpu.sync_copy(ra, table.at[da], add=True)
            h1.wait()
            pltpu.sync_copy(rb, table.at[db], add=True)
            return carry

        lax.fori_loop(0, _CPT // 2, body, 0)
        plsc.subcore_barrier()
        _write_table(table, out_ref, c, t)

    return k


def _tc_pre1(x, W, degtab):
    din, dout = W.shape

    def body(x_ref, w_ref, dg_ref, dinv_ref, s_ref):
        dinv = lax.rsqrt(1.0 + dg_ref[0, :, 0:1] + dg_ref[1, :, 0:1])
        h = jnp.dot(x_ref[...], w_ref[...], preferred_element_type=jnp.float32)
        dinv_ref[...] = dinv
        s_ref[...] = dinv * h

    return pl.pallas_call(
        body,
        grid=(_G,),
        in_specs=[
            pl.BlockSpec((_R, din), lambda i: (i, 0)),
            pl.BlockSpec((din, dout), lambda i: (0, 0)),
            pl.BlockSpec((2, _R, 128), lambda i: (0, i, 0)),
        ],
        out_specs=[
            pl.BlockSpec((_R, 1), lambda i: (i, 0)),
            pl.BlockSpec((_R, dout), lambda i: (i, 0)),
        ],
        out_shape=[
            jax.ShapeDtypeStruct((_N, 1), jnp.float32),
            jax.ShapeDtypeStruct((_N, dout), jnp.float32),
        ],
    )(x, W, degtab)


def _tc_mid(p, s_prev, dinv, b, W, mode, stack_out=False, take=None, pad_to=None):
    if W is None:
        din = dout = b.shape[1]
    else:
        din, dout = W.shape
    sin = s_prev.shape[1]

    def body(*refs):
        if W is None:
            p_ref, s_ref, dv_ref, b_ref, o_ref = refs
        else:
            p_ref, s_ref, dv_ref, b_ref, w_ref, o_ref = refs
        dv = dv_ref[...]
        agg = p_ref[0] + p_ref[1] + s_ref[...]
        if take is not None:
            agg = agg[:, :take]
        h = dv * agg + b_ref[...]
        if mode == "relu":
            h = jnp.maximum(h, 0.0)
        elif mode == "norm":
            n = jnp.sqrt(jnp.sum(h * h, axis=1, keepdims=True))
            h = h / jnp.maximum(n, 1e-12)
        if W is None:
            s_next = dv * h
        else:
            s_next = dv * jnp.dot(h, w_ref[...], preferred_element_type=jnp.float32)
        if stack_out:
            o_ref[0] = s_next[:, : dout // 2]
            o_ref[1] = s_next[:, dout // 2 :]
        elif pad_to is not None:
            o_ref[...] = jnp.concatenate(
                [s_next, jnp.zeros((_R, pad_to - dout), jnp.float32)], axis=1
            )
        else:
            o_ref[...] = s_next

    if stack_out:
        out_spec = pl.BlockSpec((2, _R, dout // 2), lambda i: (0, i, 0))
        out_shape = jax.ShapeDtypeStruct((2, _N, dout // 2), jnp.float32)
    else:
        ocols = pad_to if pad_to is not None else dout
        out_spec = pl.BlockSpec((_R, ocols), lambda i: (i, 0))
        out_shape = jax.ShapeDtypeStruct((_N, ocols), jnp.float32)

    in_specs = [
        pl.BlockSpec((2, _R, sin), lambda i: (0, i, 0)),
        pl.BlockSpec((_R, sin), lambda i: (i, 0)),
        pl.BlockSpec((_R, 1), lambda i: (i, 0)),
        pl.BlockSpec((1, din), lambda i: (0, 0)),
    ]
    args = [p, s_prev, dinv, b]
    if W is not None:
        in_specs.append(pl.BlockSpec((din, dout), lambda i: (0, 0)))
        args.append(W)

    return pl.pallas_call(
        body,
        grid=(_G,),
        in_specs=in_specs,
        out_specs=out_spec,
        out_shape=out_shape,
    )(*args)


def _tc_post(p4, h3t, dinv, b, W):
    din, dout = W.shape

    def body(p_ref, s_ref, dv_ref, b_ref, w_ref, o_ref):
        tot = p_ref[0] + p_ref[1] + s_ref[...]
        mm = jnp.dot(tot, w_ref[...], preferred_element_type=jnp.float32)
        o_ref[...] = dv_ref[...] * mm + b_ref[...]

    return pl.pallas_call(
        body,
        grid=(_G,),
        in_specs=[
            pl.BlockSpec((2, _R, din), lambda i: (0, i, 0)),
            pl.BlockSpec((_R, din), lambda i: (i, 0)),
            pl.BlockSpec((_R, 1), lambda i: (i, 0)),
            pl.BlockSpec((1, dout), lambda i: (0, 0)),
            pl.BlockSpec((din, dout), lambda i: (0, 0)),
        ],
        out_specs=pl.BlockSpec((_R, dout), lambda i: (i, 0)),
        out_shape=jax.ShapeDtypeStruct((_N, dout), jnp.float32),
    )(p4, h3t, dinv, b, W)


def kernel(x, edge_index, W_e1, b_e1, W_e2, b_e2, W_d1, b_d1, W_d2, b_d2):
    ramp = jnp.arange(_EPAD, dtype=edge_index.dtype)
    pad_src = ramp % _N
    pad_dst = _N + ramp % (_NPAD - _N)
    srcf = jnp.concatenate([edge_index[0], pad_src])
    dstf = jnp.concatenate([edge_index[1], pad_dst])
    dst2d = dstf.reshape(2 * _CPC, _CH)
    onehot = jnp.zeros((_CH, 128), jnp.float32).at[:, 0].set(1.0)
    z128 = jnp.zeros((_WB, 128), jnp.float32)

    degtab = _sc_deg()(dst2d, onehot, z128)
    dinv, s1 = _tc_pre1(x, W_e1, degtab)
    p1 = _sc_agg(128)(srcf, dstf, s1, z128)
    s2 = _tc_mid(p1, s1, dinv, b_e1.reshape(1, -1), W_e2, "relu", pad_to=128)
    p2 = _sc_agg(128)(srcf, dstf, s2, z128)
    s3 = _tc_mid(p2, s2, dinv, b_e2.reshape(1, -1), W_d1, "norm", take=64)
    p3 = _sc_agg(128)(srcf, dstf, s3, z128)
    h3t = _tc_mid(p3, s3, dinv, b_d1.reshape(1, -1), None, "relu")
    p4 = _sc_agg(128)(srcf, dstf, h3t, z128)
    x_hat = _tc_post(p4, h3t, dinv, b_d2.reshape(1, -1), W_d2)
    return x_hat

# --- scband reference (transcript-rebuilt; emitter-appended) ---
"""Pipeline reference for scband-graph-autoencoder-12120397709531 (READ-ONLY COPY).

The authoritative reference and input builder live on the scoring server;
editing this copy changes nothing except your own understanding.
"""

import jax, jax.numpy as jnp
import numpy as np

N_NODES = 10000
N_EDGES = 160000
DIMS = [256, 128, 64]


def _prep(edge_index, n):
    # GCN symmetric normalization with added self loops (PyG GCNConv defaults)
    loop = jnp.arange(n, dtype=edge_index.dtype)
    src = jnp.concatenate([edge_index[0], loop])
    dst = jnp.concatenate([edge_index[1], loop])
    deg = jnp.zeros((n,), dtype=jnp.float32).at[dst].add(1.0)
    dinv = jnp.where(deg > 0, jax.lax.rsqrt(deg), 0.0)
    norm = dinv[src] * dinv[dst]
    return src, dst, norm


def gcn_conv(x, src, dst, norm, W, b):
    h = x @ W
    msg = h[src] * norm[:, None]
    out = jnp.zeros((x.shape[0], W.shape[1]), dtype=h.dtype).at[dst].add(msg)
    return out + b


def _glorot(key, fan_in, fan_out):
    s = jnp.sqrt(6.0 / (fan_in + fan_out))
    return jax.random.uniform(key, (fan_in, fan_out), dtype=jnp.float32, minval=-s, maxval=s)


def setup_inputs(seed: int = 0) -> dict:
    key = jax.random.key(seed)
    ks = jax.random.split(key, 8)
    x = jax.random.normal(ks[0], (N_NODES, DIMS[0]), dtype=jnp.float32)
    edge_index = jax.random.randint(ks[1], (2, N_EDGES), 0, N_NODES, dtype=jnp.int32)
    return {
        'x': x,
        'edge_index': edge_index,
        'W_e1': _glorot(ks[2], DIMS[0], DIMS[1]), 'b_e1': jnp.zeros((DIMS[1],), jnp.float32),
        'W_e2': _glorot(ks[3], DIMS[1], DIMS[2]), 'b_e2': jnp.zeros((DIMS[2],), jnp.float32),
        'W_d1': _glorot(ks[4], DIMS[2], DIMS[1]), 'b_d1': jnp.zeros((DIMS[1],), jnp.float32),
        'W_d2': _glorot(ks[5], DIMS[1], DIMS[0]), 'b_d2': jnp.zeros((DIMS[0],), jnp.float32),
    }


def reference(x, edge_index, W_e1, b_e1, W_e2, b_e2, W_d1, b_d1, W_d2, b_d2):
    src, dst, norm = _prep(edge_index, x.shape[0])
    # encoder
    h = jax.nn.relu(gcn_conv(x, src, dst, norm, W_e1, b_e1))
    z = gcn_conv(h, src, dst, norm, W_e2, b_e2)
    # F.normalize(z, p=2, dim=1) with eps=1e-12
    z = z / jnp.clip(jnp.linalg.norm(z, axis=1, keepdims=True), 1e-12)
    # decoder
    h = jax.nn.relu(gcn_conv(z, src, dst, norm, W_d1, b_d1))
    x_hat = gcn_conv(h, src, dst, norm, W_d2, b_d2)
    return x_hat

if __name__ == "__main__":
    import jax
    _d = setup_inputs()
    print(jax.jit(kernel)(*tuple(_d.values())))

</pallas_src>

<mosaic_0001>
#map = affine_map<(d0, d1) -> (0)>
#map1 = affine_map<(d0, d1) -> (0, 0)>
#map2 = affine_map<(d0, d1) -> (0, 0, 0)>
module attributes {stable_mosaic.version = 14 : i64} {
  func.func @k(%arg0: i32, %arg1: i32, %arg2: memref<163840xi32, #tpu.memory_space<hbm>>, %arg3: memref<163840xi32, #tpu.memory_space<hbm>>, %arg4: memref<10000x128xf32, #tpu.memory_space<hbm>>, %arg5: memref<640x128xf32, #tpu.memory_space<hbm>>, %arg6: memref<2x10000x128xf32, #tpu.memory_space<hbm>>, %arg7: memref<128xi32, #tpu.memory_space<vmem>>, %arg8: memref<128xi32, #tpu.memory_space<vmem>>, %arg9: memref<128xi32, #tpu.memory_space<vmem>>, %arg10: memref<128xi32, #tpu.memory_space<vmem>>, %arg11: memref<128x128xf32, #tpu.memory_space<vmem>>, %arg12: memref<128x128xf32, #tpu.memory_space<vmem>>, %arg13: memref<10240x128xf32, #tpu.memory_space<vmem_shared>>, %arg14: memref<!tpu.dma_semaphore, #tpu.memory_space<semaphore_mem>>, %arg15: memref<!tpu.dma_semaphore, #tpu.memory_space<semaphore_mem>>) attributes {dimension_semantics = [#tpu.dimension_semantics<core_parallel>, #tpu.dimension_semantics<subcore_parallel>], iteration_bounds = array<i64: 2, 16>, scalar_prefetch = 0 : i64, scratch_operands = 9 : i64, tpu.core_type = #tpu.core_type<sc_vector_subcore>, window_params = [{transform_indices = #map}, {transform_indices = #map}, {transform_indices = #map1}, {transform_indices = #map1}, {transform_indices = #map2}]} {
    %mul3A = arith.constant 640 : i32
    %mul3A_0 = arith.muli %arg1, %mul3A : i32
    %multiple_of3A = tpu.assume_multiple %mul3A_0, 8 : i32
    "tpu.region"() ({
      %run_scoped3A = tpu.sem_alloc : memref<!tpu.dma_semaphore, #tpu.memory_space<semaphore_mem>>
      %dma_start3A = arith.constant 0 : i32
      %dma_start3A_22 = tpu.memref_slice %arg13[%multiple_of3A, %dma_start3A] : memref<10240x128xf32, #tpu.memory_space<vmem_shared>> -> memref<640x128xf32, #tpu.memory_space<vmem_shared>>
      tpu.enqueue_dma source(%arg5 : memref<640x128xf32, #tpu.memory_space<hbm>>) target(%dma_start3A_22 : memref<640x128xf32, #tpu.memory_space<vmem_shared>>) target_semaphore(%run_scoped3A : memref<!tpu.dma_semaphore, #tpu.memory_space<semaphore_mem>>)
      %dma_wait3A = arith.constant 0 : i32
      %dma_wait3A_23 = tpu.memref_slice %arg13[%multiple_of3A, %dma_wait3A] : memref<10240x128xf32, #tpu.memory_space<vmem_shared>> -> memref<640x128xf32, #tpu.memory_space<vmem_shared>>
      tpu.wait_dma2 semaphore(%run_scoped3A : memref<!tpu.dma_semaphore, #tpu.memory_space<semaphore_mem>>) src(%arg5 : memref<640x128xf32, #tpu.memory_space<hbm>>) dst(%dma_wait3A_23 : memref<640x128xf32, #tpu.memory_space<vmem_shared>>)
      tpu.yield
    }) : () -> ()
    %barrier3A = arith.constant 0 : index
    tpu.barrier barrier_id(%barrier3A)
    %mul3A_1 = arith.constant 640 : i32
    %mul3A_2 = arith.muli %arg0, %mul3A_1 : i32
    %mul3A_3 = arith.constant 40 : i32
    %mul3A_4 = arith.muli %arg1, %mul3A_3 : i32
    %add3A = arith.addi %mul3A_2, %mul3A_4 : i32
    %mul3A_5 = arith.constant 128 : i32
    %mul3A_6 = arith.muli %add3A, %mul3A_5 : i32
    %scan3A = arith.constant 0 : i32
    %scan3A_7 = arith.constant 0 : i32
    %scan3A_8 = arith.constant 20 : i32
    %scan3A_9 = arith.addi %scan3A_7, %scan3A_8 : i32
    %scan3A_10 = arith.constant 1 : i32
    scf.for %scan3A_22 = %scan3A_7 to %scan3A_9 step %scan3A_10  : i32 {
      %mul3A_23 = arith.constant 2 : i32
      %mul3A_24 = arith.muli %mul3A_23, %scan3A_22 : i32
      %mul3A_25 = arith.constant 128 : i32
      %mul3A_26 = arith.muli %mul3A_24, %mul3A_25 : i32
      %add3A_27 = arith.addi %mul3A_6, %mul3A_26 : i32
      %multiple_of3A_28 = tpu.assume_multiple %add3A_27, 128 : i32
      %mul3A_29 = arith.constant 2 : i32
      %mul3A_30 = arith.muli %mul3A_29, %scan3A_22 : i32
      %add3A_31 = arith.constant 1 : i32
      %add3A_32 = arith.addi %mul3A_30, %add3A_31 : i32
      %mul3A_33 = arith.constant 128 : i32
      %mul3A_34 = arith.muli %add3A_32, %mul3A_33 : i32
      %add3A_35 = arith.addi %mul3A_6, %mul3A_34 : i32
      %multiple_of3A_36 = tpu.assume_multiple %add3A_35, 128 : i32
      "tpu.region"() ({
        %run_scoped3A = tpu.sem_alloc : memref<!tpu.dma_semaphore, #tpu.memory_space<semaphore_mem>>
        %dma_start3A_47 = tpu.memref_slice %arg2[%multiple_of3A_28] : memref<163840xi32, #tpu.memory_space<hbm>> -> memref<128xi32, #tpu.memory_space<hbm>>
        %dma_start3A_48 = tpu.memref_slice %arg2[%multiple_of3A_28] : memref<163840xi32, #tpu.memory_space<hbm>> -> memref<128xi32, #tpu.memory_space<hbm>>
        tpu.enqueue_dma source(%dma_start3A_48 : memref<128xi32, #tpu.memory_space<hbm>>) target(%arg7 : memref<128xi32, #tpu.memory_space<vmem>>) target_semaphore(%run_scoped3A : memref<!tpu.dma_semaphore, #tpu.memory_space<semaphore_mem>>)
        %dma_wait3A_49 = tpu.memref_slice %arg2[%multiple_of3A_28] : memref<163840xi32, #tpu.memory_space<hbm>> -> memref<128xi32, #tpu.memory_space<hbm>>
        %dma_wait3A_50 = tpu.memref_slice %arg2[%multiple_of3A_28] : memref<163840xi32, #tpu.memory_space<hbm>> -> memref<128xi32, #tpu.memory_space<hbm>>
        tpu.wait_dma2 semaphore(%run_scoped3A : memref<!tpu.dma_semaphore, #tpu.memory_space<semaphore_mem>>) src(%dma_wait3A_50 : memref<128xi32, #tpu.memory_space<hbm>>) dst(%arg7 : memref<128xi32, #tpu.memory_space<vmem>>)
        tpu.yield
      }) : () -> ()
      "tpu.region"() ({
        %run_scoped3A = tpu.sem_alloc : memref<!tpu.dma_semaphore, #tpu.memory_space<semaphore_mem>>
        %dma_start3A_47 = tpu.memref_slice %arg3[%multiple_of3A_28] : memref<163840xi32, #tpu.memory_space<hbm>> -> memref<128xi32, #tpu.memory_space<hbm>>
        %dma_start3A_48 = tpu.memref_slice %arg3[%multiple_of3A_28] : memref<163840xi32, #tpu.memory_space<hbm>> -> memref<128xi32, #tpu.memory_space<hbm>>
        tpu.enqueue_dma source(%dma_start3A_48 : memref<128xi32, #tpu.memory_space<hbm>>) target(%arg8 : memref<128xi32, #tpu.memory_space<vmem>>) target_semaphore(%run_scoped3A : memref<!tpu.dma_semaphore, #tpu.memory_space<semaphore_mem>>)
        %dma_wait3A_49 = tpu.memref_slice %arg3[%multiple_of3A_28] : memref<163840xi32, #tpu.memory_space<hbm>> -> memref<128xi32, #tpu.memory_space<hbm>>
        %dma_wait3A_50 = tpu.memref_slice %arg3[%multiple_of3A_28] : memref<163840xi32, #tpu.memory_space<hbm>> -> memref<128xi32, #tpu.memory_space<hbm>>
        tpu.wait_dma2 semaphore(%run_scoped3A : memref<!tpu.dma_semaphore, #tpu.memory_space<semaphore_mem>>) src(%dma_wait3A_50 : memref<128xi32, #tpu.memory_space<hbm>>) dst(%arg8 : memref<128xi32, #tpu.memory_space<vmem>>)
        tpu.yield
      }) : () -> ()
      %dma_start3A = arith.constant 0 : i32
      %dma_start3A_37 = arith.constant 0 : i32
      %dma_start3A_38 = tpu.memref_slice %arg4[%dma_start3A, %dma_start3A_37] : memref<10000x128xf32, #tpu.memory_space<hbm>> -> memref<10000x128xf32, #tpu.memory_space<hbm>>
      tpu.enqueue_indirect_dma source(%dma_start3A_38 : memref<10000x128xf32, #tpu.memory_space<hbm>>) target(%arg11 : memref<128x128xf32, #tpu.memory_space<vmem>>) offsets(%arg7 : memref<128xi32, #tpu.memory_space<vmem>>) semaphore(%arg14 : memref<!tpu.dma_semaphore, #tpu.memory_space<semaphore_mem>>)
      "tpu.region"() ({
        %run_scoped3A = tpu.sem_alloc : memref<!tpu.dma_semaphore, #tpu.memory_space<semaphore_mem>>
        %dma_start3A_47 = tpu.memref_slice %arg2[%multiple_of3A_36] : memref<163840xi32, #tpu.memory_space<hbm>> -> memref<128xi32, #tpu.memory_space<hbm>>
        %dma_start3A_48 = tpu.memref_slice %arg2[%multiple_of3A_36] : memref<163840xi32, #tpu.memory_space<hbm>> -> memref<128xi32, #tpu.memory_space<hbm>>
        tpu.enqueue_dma source(%dma_start3A_48 : memref<128xi32, #tpu.memory_space<hbm>>) target(%arg9 : memref<128xi32, #tpu.memory_space<vmem>>) target_semaphore(%run_scoped3A : memref<!tpu.dma_semaphore, #tpu.memory_space<semaphore_mem>>)
        %dma_wait3A_49 = tpu.memref_slice %arg2[%multiple_of3A_36] : memref<163840xi32, #tpu.memory_space<hbm>> -> memref<128xi32, #tpu.memory_space<hbm>>
        %dma_wait3A_50 = tpu.memref_slice %arg2[%multiple_of3A_36] : memref<163840xi32, #tpu.memory_space<hbm>> -> memref<128xi32, #tpu.memory_space<hbm>>
        tpu.wait_dma2 semaphore(%run_scoped3A : memref<!tpu.dma_semaphore, #tpu.memory_space<semaphore_mem>>) src(%dma_wait3A_50 : memref<128xi32, #tpu.memory_space<hbm>>) dst(%arg9 : memref<128xi32, #tpu.memory_space<vmem>>)
        tpu.yield
      }) : () -> ()
      "tpu.region"() ({
        %run_scoped3A = tpu.sem_alloc : memref<!tpu.dma_semaphore, #tpu.memory_space<semaphore_mem>>
        %dma_start3A_47 = tpu.memref_slice %arg3[%multiple_of3A_36] : memref<163840xi32, #tpu.memory_space<hbm>> -> memref<128xi32, #tpu.memory_space<hbm>>
        %dma_start3A_48 = tpu.memref_slice %arg3[%multiple_of3A_36] : memref<163840xi32, #tpu.memory_space<hbm>> -> memref<128xi32, #tpu.memory_space<hbm>>
        tpu.enqueue_dma source(%dma_start3A_48 : memref<128xi32, #tpu.memory_space<hbm>>) target(%arg10 : memref<128xi32, #tpu.memory_space<vmem>>) target_semaphore(%run_scoped3A : memref<!tpu.dma_semaphore, #tpu.memory_space<semaphore_mem>>)
        %dma_wait3A_49 = tpu.memref_slice %arg3[%multiple_of3A_36] : memref<163840xi32, #tpu.memory_space<hbm>> -> memref<128xi32, #tpu.memory_space<hbm>>
        %dma_wait3A_50 = tpu.memref_slice %arg3[%multiple_of3A_36] : memref<163840xi32, #tpu.memory_space<hbm>> -> memref<128xi32, #tpu.memory_space<hbm>>
        tpu.wait_dma2 semaphore(%run_scoped3A : memref<!tpu.dma_semaphore, #tpu.memory_space<semaphore_mem>>) src(%dma_wait3A_50 : memref<128xi32, #tpu.memory_space<hbm>>) dst(%arg10 : memref<128xi32, #tpu.memory_space<vmem>>)
        tpu.yield
      }) : () -> ()
      %dma_start3A_39 = arith.constant 0 : i32
      %dma_start3A_40 = arith.constant 0 : i32
      %dma_start3A_41 = tpu.memref_slice %arg4[%dma_start3A_39, %dma_start3A_40] : memref<10000x128xf32, #tpu.memory_space<hbm>> -> memref<10000x128xf32, #tpu.memory_space<hbm>>
      tpu.enqueue_indirect_dma source(%dma_start3A_41 : memref<10000x128xf32, #tpu.memory_space<hbm>>) target(%arg12 : memref<128x128xf32, #tpu.memory_space<vmem>>) offsets(%arg9 : memref<128xi32, #tpu.memory_space<vmem>>) semaphore(%arg15 : memref<!tpu.dma_semaphore, #tpu.memory_space<semaphore_mem>>)
      %dma_wait3A = arith.constant 0 : i32
      %dma_wait3A_42 = arith.constant 0 : i32
      %dma_wait3A_43 = tpu.memref_slice %arg4[%dma_wait3A, %dma_wait3A_42] : memref<10000x128xf32, #tpu.memory_space<hbm>> -> memref<10000x128xf32, #tpu.memory_space<hbm>>
      tpu.wait_indirect_dma semaphore(%arg14 : memref<!tpu.dma_semaphore, #tpu.memory_space<semaphore_mem>>) src(%dma_wait3A_43 : memref<10000x128xf32, #tpu.memory_space<hbm>>) dst(%arg11 : memref<128x128xf32, #tpu.memory_space<vmem>>)
      "tpu.region"() ({
        %run_scoped3A = tpu.sem_alloc : memref<!tpu.dma_semaphore, #tpu.memory_space<semaphore_mem>>
        %dma_start3A_47 = arith.constant 0 : i32
        %dma_start3A_48 = arith.constant 0 : i32
        %dma_start3A_49 = tpu.memref_slice %arg13[%dma_start3A_47, %dma_start3A_48] : memref<10240x128xf32, #tpu.memory_space<vmem_shared>> -> memref<10240x128xf32, #tpu.memory_space<vmem_shared>>
        tpu.enqueue_indirect_dma source(%arg11 : memref<128x128xf32, #tpu.memory_space<vmem>>) target(%dma_start3A_49 : memref<10240x128xf32, #tpu.memory_space<vmem_shared>>) offsets(%arg8 : memref<128xi32, #tpu.memory_space<vmem>>) semaphore(%run_scoped3A : memref<!tpu.dma_semaphore, #tpu.memory_space<semaphore_mem>>) {add = true}
        %dma_wait3A_50 = arith.constant 0 : i32
        %dma_wait3A_51 = arith.constant 0 : i32
        %dma_wait3A_52 = tpu.memref_slice %arg13[%dma_wait3A_50, %dma_wait3A_51] : memref<10240x128xf32, #tpu.memory_space<vmem_shared>> -> memref<10240x128xf32, #tpu.memory_space<vmem_shared>>
        tpu.wait_indirect_dma semaphore(%run_scoped3A : memref<!tpu.dma_semaphore, #tpu.memory_space<semaphore_mem>>) src(%arg11 : memref<128x128xf32, #tpu.memory_space<vmem>>) dst(%dma_wait3A_52 : memref<10240x128xf32, #tpu.memory_space<vmem_shared>>)
        tpu.yield
      }) : () -> ()
      %dma_wait3A_44 = arith.constant 0 : i32
      %dma_wait3A_45 = arith.constant 0 : i32
      %dma_wait3A_46 = tpu.memref_slice %arg4[%dma_wait3A_44, %dma_wait3A_45] : memref<10000x128xf32, #tpu.memory_space<hbm>> -> memref<10000x128xf32, #tpu.memory_space<hbm>>
      tpu.wait_indirect_dma semaphore(%arg15 : memref<!tpu.dma_semaphore, #tpu.memory_space<semaphore_mem>>) src(%dma_wait3A_46 : memref<10000x128xf32, #tpu.memory_space<hbm>>) dst(%arg12 : memref<128x128xf32, #tpu.memory_space<vmem>>)
      "tpu.region"() ({
        %run_scoped3A = tpu.sem_alloc : memref<!tpu.dma_semaphore, #tpu.memory_space<semaphore_mem>>
        %dma_start3A_47 = arith.constant 0 : i32
        %dma_start3A_48 = arith.constant 0 : i32
        %dma_start3A_49 = tpu.memref_slice %arg13[%dma_start3A_47, %dma_start3A_48] : memref<10240x128xf32, #tpu.memory_space<vmem_shared>> -> memref<10240x128xf32, #tpu.memory_space<vmem_shared>>
        tpu.enqueue_indirect_dma source(%arg12 : memref<128x128xf32, #tpu.memory_space<vmem>>) target(%dma_start3A_49 : memref<10240x128xf32, #tpu.memory_space<vmem_shared>>) offsets(%arg10 : memref<128xi32, #tpu.memory_space<vmem>>) semaphore(%run_scoped3A : memref<!tpu.dma_semaphore, #tpu.memory_space<semaphore_mem>>) {add = true}
        %dma_wait3A_50 = arith.constant 0 : i32
        %dma_wait3A_51 = arith.constant 0 : i32
        %dma_wait3A_52 = tpu.memref_slice %arg13[%dma_wait3A_50, %dma_wait3A_51] : memref<10240x128xf32, #tpu.memory_space<vmem_shared>> -> memref<10240x128xf32, #tpu.memory_space<vmem_shared>>
        tpu.wait_indirect_dma semaphore(%run_scoped3A : memref<!tpu.dma_semaphore, #tpu.memory_space<semaphore_mem>>) src(%arg12 : memref<128x128xf32, #tpu.memory_space<vmem>>) dst(%dma_wait3A_52 : memref<10240x128xf32, #tpu.memory_space<vmem_shared>>)
        tpu.yield
      }) : () -> ()
    }
    %scan3A_11 = arith.constant 20 : i32
    %barrier3A_12 = arith.constant 0 : index
    tpu.barrier barrier_id(%barrier3A_12)
    %mul3A_13 = arith.constant 640 : i32
    %mul3A_14 = arith.muli %arg1, %mul3A_13 : i32
    %multiple_of3A_15 = tpu.assume_multiple %mul3A_14, 8 : i32
    %lt3A = arith.constant 15 : i32
    %lt3A_16 = arith.cmpi slt, %arg1, %lt3A : i32
    %convert_element_type3A = arith.extui %lt3A_16 : i1 to i32
    %cond3A = arith.constant 0 : i32
    %cond3A_17 = arith.cmpi ne, %convert_element_type3A, %cond3A : i32
    scf.if %cond3A_17 {
      "tpu.region"() ({
        %run_scoped3A = tpu.sem_alloc : memref<!tpu.dma_semaphore, #tpu.memory_space<semaphore_mem>>
        %dma_start3A = arith.constant 0 : i32
        %dma_start3A_22 = tpu.memref_slice %arg6[%arg0, %multiple_of3A_15, %dma_start3A] : memref<2x10000x128xf32, #tpu.memory_space<hbm>> -> memref<1x640x128xf32, #tpu.memory_space<hbm>>
        %dma_start3A_23 = tpu.memref_squeeze %dma_start3A_22 : memref<1x640x128xf32, #tpu.memory_space<hbm>> -> memref<640x128xf32, #tpu.memory_space<hbm>>
        %dma_start3A_24 = arith.constant 0 : i32
        %dma_start3A_25 = tpu.memref_slice %arg13[%multiple_of3A_15, %dma_start3A_24] : memref<10240x128xf32, #tpu.memory_space<vmem_shared>> -> memref<640x128xf32, #tpu.memory_space<vmem_shared>>
        tpu.enqueue_dma source(%dma_start3A_25 : memref<640x128xf32, #tpu.memory_space<vmem_shared>>) target(%dma_start3A_23 : memref<640x128xf32, #tpu.memory_space<hbm>>) target_semaphore(%run_scoped3A : memref<!tpu.dma_semaphore, #tpu.memory_space<semaphore_mem>>)
        %dma_wait3A = arith.constant 0 : i32
        %dma_wait3A_26 = tpu.memref_slice %arg6[%arg0, %multiple_of3A_15, %dma_wait3A] : memref<2x10000x128xf32, #tpu.memory_space<hbm>> -> memref<1x640x128xf32, #tpu.memory_space<hbm>>
        %dma_wait3A_27 = tpu.memref_squeeze %dma_wait3A_26 : memref<1x640x128xf32, #tpu.memory_space<hbm>> -> memref<640x128xf32, #tpu.memory_space<hbm>>
        %dma_wait3A_28 = arith.constant 0 : i32
        %dma_wait3A_29 = tpu.memref_slice %arg13[%multiple_of3A_15, %dma_wait3A_28] : memref<10240x128xf32, #tpu.memory_space<vmem_shared>> -> memref<640x128xf32, #tpu.memory_space<vmem_shared>>
        tpu.wait_dma2 semaphore(%run_scoped3A : memref<!tpu.dma_semaphore, #tpu.memory_space<semaphore_mem>>) src(%dma_wait3A_29 : memref<640x128xf32, #tpu.memory_space<vmem_shared>>) dst(%dma_wait3A_27 : memref<640x128xf32, #tpu.memory_space<hbm>>)
        tpu.yield
      }) : () -> ()
    } else {
    }
    %eq3A = arith.constant 15 : i32
    %eq3A_18 = arith.cmpi eq, %arg1, %eq3A : i32
    %convert_element_type3A_19 = arith.extui %eq3A_18 : i1 to i32
    %cond3A_20 = arith.constant 0 : i32
    %cond3A_21 = arith.cmpi ne, %convert_element_type3A_19, %cond3A_20 : i32
    scf.if %cond3A_21 {
      "tpu.region"() ({
        %run_scoped3A = tpu.sem_alloc : memref<!tpu.dma_semaphore, #tpu.memory_space<semaphore_mem>>
        %dma_start3A = arith.constant 0 : i32
        %dma_start3A_22 = tpu.memref_slice %arg6[%arg0, %multiple_of3A_15, %dma_start3A] : memref<2x10000x128xf32, #tpu.memory_space<hbm>> -> memref<1x400x128xf32, #tpu.memory_space<hbm>>
        %dma_start3A_23 = tpu.memref_squeeze %dma_start3A_22 : memref<1x400x128xf32, #tpu.memory_space<hbm>> -> memref<400x128xf32, #tpu.memory_space<hbm>>
        %dma_start3A_24 = arith.constant 0 : i32
        %dma_start3A_25 = tpu.memref_slice %arg13[%multiple_of3A_15, %dma_start3A_24] : memref<10240x128xf32, #tpu.memory_space<vmem_shared>> -> memref<400x128xf32, #tpu.memory_space<vmem_shared>>
        tpu.enqueue_dma source(%dma_start3A_25 : memref<400x128xf32, #tpu.memory_space<vmem_shared>>) target(%dma_start3A_23 : memref<400x128xf32, #tpu.memory_space<hbm>>) target_semaphore(%run_scoped3A : memref<!tpu.dma_semaphore, #tpu.memory_space<semaphore_mem>>)
        %dma_wait3A = arith.constant 0 : i32
        %dma_wait3A_26 = tpu.memref_slice %arg6[%arg0, %multiple_of3A_15, %dma_wait3A] : memref<2x10000x128xf32, #tpu.memory_space<hbm>> -> memref<1x400x128xf32, #tpu.memory_space<hbm>>
        %dma_wait3A_27 = tpu.memref_squeeze %dma_wait3A_26 : memref<1x400x128xf32, #tpu.memory_space<hbm>> -> memref<400x128xf32, #tpu.memory_space<hbm>>
        %dma_wait3A_28 = arith.constant 0 : i32
        %dma_wait3A_29 = tpu.memref_slice %arg13[%multiple_of3A_15, %dma_wait3A_28] : memref<10240x128xf32, #tpu.memory_space<vmem_shared>> -> memref<400x128xf32, #tpu.memory_space<vmem_shared>>
        tpu.wait_dma2 semaphore(%run_scoped3A : memref<!tpu.dma_semaphore, #tpu.memory_space<semaphore_mem>>) src(%dma_wait3A_29 : memref<400x128xf32, #tpu.memory_space<vmem_shared>>) dst(%dma_wait3A_27 : memref<400x128xf32, #tpu.memory_space<hbm>>)
        tpu.yield
      }) : () -> ()
    } else {
    }
    return
  }
}

#map = affine_map<(d0, d1) -> (0, 0)>
#map1 = affine_map<(d0, d1) -> (0, 0, 0)>
module attributes {stable_mosaic.version = 14 : i64} {
  func.func @k(%arg0: i32, %arg1: i32, %arg2: memref<1280x128xi32, #tpu.memory_space<hbm>>, %arg3: memref<128x128xf32, #tpu.memory_space<hbm>>, %arg4: memref<640x128xf32, #tpu.memory_space<hbm>>, %arg5: memref<2x10000x128xf32, #tpu.memory_space<hbm>>, %arg6: memref<8x128xi32, #tpu.memory_space<vmem>>, %arg7: memref<128x128xf32, #tpu.memory_space<vmem>>, %arg8: memref<10240x128xf32, #tpu.memory_space<vmem_shared>>) attributes {dimension_semantics = [#tpu.dimension_semantics<core_parallel>, #tpu.dimension_semantics<subcore_parallel>], iteration_bounds = array<i64: 2, 16>, scalar_prefetch = 0 : i64, scratch_operands = 3 : i64, tpu.core_type = #tpu.core_type<sc_vector_subcore>, window_params = [{transform_indices = #map}, {transform_indices = #map}, {transform_indices = #map}, {transform_indices = #map1}]} {
    "tpu.region"() ({
      %run_scoped3A = tpu.sem_alloc : memref<!tpu.dma_semaphore, #tpu.memory_space<semaphore_mem>>
      tpu.enqueue_dma source(%arg3 : memref<128x128xf32, #tpu.memory_space<hbm>>) target(%arg7 : memref<128x128xf32, #tpu.memory_space<vmem>>) target_semaphore(%run_scoped3A : memref<!tpu.dma_semaphore, #tpu.memory_space<semaphore_mem>>)
      tpu.wait_dma2 semaphore(%run_scoped3A : memref<!tpu.dma_semaphore, #tpu.memory_space<semaphore_mem>>) src(%arg3 : memref<128x128xf32, #tpu.memory_space<hbm>>) dst(%arg7 : memref<128x128xf32, #tpu.memory_space<vmem>>)
      tpu.yield
    }) : () -> ()
    %mul3A = arith.constant 640 : i32
    %mul3A_0 = arith.muli %arg1, %mul3A : i32
    %multiple_of3A = tpu.assume_multiple %mul3A_0, 8 : i32
    "tpu.region"() ({
      %run_scoped3A = tpu.sem_alloc : memref<!tpu.dma_semaphore, #tpu.memory_space<semaphore_mem>>
      %dma_start3A = arith.constant 0 : i32
      %dma_start3A_16 = tpu.memref_slice %arg8[%multiple_of3A, %dma_start3A] : memref<10240x128xf32, #tpu.memory_space<vmem_shared>> -> memref<640x128xf32, #tpu.memory_space<vmem_shared>>
      tpu.enqueue_dma source(%arg4 : memref<640x128xf32, #tpu.memory_space<hbm>>) target(%dma_start3A_16 : memref<640x128xf32, #tpu.memory_space<vmem_shared>>) target_semaphore(%run_scoped3A : memref<!tpu.dma_semaphore, #tpu.memory_space<semaphore_mem>>)
      %dma_wait3A = arith.constant 0 : i32
      %dma_wait3A_17 = tpu.memref_slice %arg8[%multiple_of3A, %dma_wait3A] : memref<10240x128xf32, #tpu.memory_space<vmem_shared>> -> memref<640x128xf32, #tpu.memory_space<vmem_shared>>
      tpu.wait_dma2 semaphore(%run_scoped3A : memref<!tpu.dma_semaphore, #tpu.memory_space<semaphore_mem>>) src(%arg4 : memref<640x128xf32, #tpu.memory_space<hbm>>) dst(%dma_wait3A_17 : memref<640x128xf32, #tpu.memory_space<vmem_shared>>)
      tpu.yield
    }) : () -> ()
    %barrier3A = arith.constant 0 : index
    tpu.barrier barrier_id(%barrier3A)
    %scan3A = arith.constant 0 : i32
    %scan3A_1 = arith.constant 0 : i32
    %scan3A_2 = arith.constant 5 : i32
    %scan3A_3 = arith.addi %scan3A_1, %scan3A_2 : i32
    %scan3A_4 = arith.constant 1 : i32
    scf.for %scan3A_16 = %scan3A_1 to %scan3A_3 step %scan3A_4  : i32 {
      %mul3A_17 = arith.constant 640 : i32
      %mul3A_18 = arith.muli %arg0, %mul3A_17 : i32
      %mul3A_19 = arith.constant 40 : i32
      %mul3A_20 = arith.muli %arg1, %mul3A_19 : i32
      %add3A = arith.addi %mul3A_18, %mul3A_20 : i32
      %mul3A_21 = arith.constant 8 : i32
      %mul3A_22 = arith.muli %mul3A_21, %scan3A_16 : i32
      %add3A_23 = arith.addi %add3A, %mul3A_22 : i32
      %multiple_of3A_24 = tpu.assume_multiple %add3A_23, 8 : i32
      "tpu.region"() ({
        %run_scoped3A_32 = tpu.sem_alloc : memref<!tpu.dma_semaphore, #tpu.memory_space<semaphore_mem>>
        %dma_start3A = arith.constant 0 : i32
        %dma_start3A_33 = tpu.memref_slice %arg2[%multiple_of3A_24, %dma_start3A] : memref<1280x128xi32, #tpu.memory_space<hbm>> -> memref<8x128xi32, #tpu.memory_space<hbm>>
        %dma_start3A_34 = arith.constant 0 : i32
        %dma_start3A_35 = tpu.memref_slice %arg2[%multiple_of3A_24, %dma_start3A_34] : memref<1280x128xi32, #tpu.memory_space<hbm>> -> memref<8x128xi32, #tpu.memory_space<hbm>>
        tpu.enqueue_dma source(%dma_start3A_35 : memref<8x128xi32, #tpu.memory_space<hbm>>) target(%arg6 : memref<8x128xi32, #tpu.memory_space<vmem>>) target_semaphore(%run_scoped3A_32 : memref<!tpu.dma_semaphore, #tpu.memory_space<semaphore_mem>>)
        %dma_wait3A = arith.constant 0 : i32
        %dma_wait3A_36 = tpu.memref_slice %arg2[%multiple_of3A_24, %dma_wait3A] : memref<1280x128xi32, #tpu.memory_space<hbm>> -> memref<8x128xi32, #tpu.memory_space<hbm>>
        %dma_wait3A_37 = arith.constant 0 : i32
        %dma_wait3A_38 = tpu.memref_slice %arg2[%multiple_of3A_24, %dma_wait3A_37] : memref<1280x128xi32, #tpu.memory_space<hbm>> -> memref<8x128xi32, #tpu.memory_space<hbm>>
        tpu.wait_dma2 semaphore(%run_scoped3A_32 : memref<!tpu.dma_semaphore, #tpu.memory_space<semaphore_mem>>) src(%dma_wait3A_38 : memref<8x128xi32, #tpu.memory_space<hbm>>) dst(%arg6 : memref<8x128xi32, #tpu.memory_space<vmem>>)
        tpu.yield
      }) : () -> ()
      %run_scoped3A = arith.constant 0 : i32
      "tpu.region"() ({
        %run_scoped3A_32 = tpu.sem_alloc : memref<!tpu.dma_semaphore, #tpu.memory_space<semaphore_mem>>
        %dma_start3A = arith.constant 0 : i32
        %dma_start3A_33 = tpu.memref_slice %arg6[%run_scoped3A, %dma_start3A] : memref<8x128xi32, #tpu.memory_space<vmem>> -> memref<1x128xi32, #tpu.memory_space<vmem>>
        %dma_start3A_34 = tpu.memref_squeeze %dma_start3A_33 : memref<1x128xi32, #tpu.memory_space<vmem>> -> memref<128xi32, #tpu.memory_space<vmem>>
        %dma_start3A_35 = arith.constant 0 : i32
        %dma_start3A_36 = arith.constant 0 : i32
        %dma_start3A_37 = tpu.memref_slice %arg8[%dma_start3A_35, %dma_start3A_36] : memref<10240x128xf32, #tpu.memory_space<vmem_shared>> -> memref<10240x128xf32, #tpu.memory_space<vmem_shared>>
        tpu.enqueue_indirect_dma source(%arg7 : memref<128x128xf32, #tpu.memory_space<vmem>>) target(%dma_start3A_37 : memref<10240x128xf32, #tpu.memory_space<vmem_shared>>) offsets(%dma_start3A_34 : memref<128xi32, #tpu.memory_space<vmem>>) semaphore(%run_scoped3A_32 : memref<!tpu.dma_semaphore, #tpu.memory_space<semaphore_mem>>) {add = true}
        %dma_wait3A = arith.constant 0 : i32
        %dma_wait3A_38 = tpu.memref_slice %arg6[%run_scoped3A, %dma_wait3A] : memref<8x128xi32, #tpu.memory_space<vmem>> -> memref<1x128xi32, #tpu.memory_space<vmem>>
        %dma_wait3A_39 = tpu.memref_squeeze %dma_wait3A_38 : memref<1x128xi32, #tpu.memory_space<vmem>> -> memref<128xi32, #tpu.memory_space<vmem>>
        %dma_wait3A_40 = arith.constant 0 : i32
        %dma_wait3A_41 = arith.constant 0 : i32
        %dma_wait3A_42 = tpu.memref_slice %arg8[%dma_wait3A_40, %dma_wait3A_41] : memref<10240x128xf32, #tpu.memory_space<vmem_shared>> -> memref<10240x128xf32, #tpu.memory_space<vmem_shared>>
        tpu.wait_indirect_dma semaphore(%run_scoped3A_32 : memref<!tpu.dma_semaphore, #tpu.memory_space<semaphore_mem>>) src(%arg7 : memref<128x128xf32, #tpu.memory_space<vmem>>) dst(%dma_wait3A_42 : memref<10240x128xf32, #tpu.memory_space<vmem_shared>>)
        tpu.yield
      }) : () -> ()
      %run_scoped3A_25 = arith.constant 1 : i32
      "tpu.region"() ({
        %run_scoped3A_32 = tpu.sem_alloc : memref<!tpu.dma_semaphore, #tpu.memory_space<semaphore_mem>>
        %dma_start3A = arith.constant 0 : i32
        %dma_start3A_33 = tpu.memref_slice %arg6[%run_scoped3A_25, %dma_start3A] : memref<8x128xi32, #tpu.memory_space<vmem>> -> memref<1x128xi32, #tpu.memory_space<vmem>>
        %dma_start3A_34 = tpu.memref_squeeze %dma_start3A_33 : memref<1x128xi32, #tpu.memory_space<vmem>> -> memref<128xi32, #tpu.memory_space<vmem>>
        %dma_start3A_35 = arith.constant 0 : i32
        %dma_start3A_36 = arith.constant 0 : i32
        %dma_start3A_37 = tpu.memref_slice %arg8[%dma_start3A_35, %dma_start3A_36] : memref<10240x128xf32, #tpu.memory_space<vmem_shared>> -> memref<10240x128xf32, #tpu.memory_space<vmem_shared>>
        tpu.enqueue_indirect_dma source(%arg7 : memref<128x128xf32, #tpu.memory_space<vmem>>) target(%dma_start3A_37 : memref<10240x128xf32, #tpu.memory_space<vmem_shared>>) offsets(%dma_start3A_34 : memref<128xi32, #tpu.memory_space<vmem>>) semaphore(%run_scoped3A_32 : memref<!tpu.dma_semaphore, #tpu.memory_space<semaphore_mem>>) {add = true}
        %dma_wait3A = arith.constant 0 : i32
        %dma_wait3A_38 = tpu.memref_slice %arg6[%run_scoped3A_25, %dma_wait3A] : memref<8x128xi32, #tpu.memory_space<vmem>> -> memref<1x128xi32, #tpu.memory_space<vmem>>
        %dma_wait3A_39 = tpu.memref_squeeze %dma_wait3A_38 : memref<1x128xi32, #tpu.memory_space<vmem>> -> memref<128xi32, #tpu.memory_space<vmem>>
        %dma_wait3A_40 = arith.constant 0 : i32
        %dma_wait3A_41 = arith.constant 0 : i32
        %dma_wait3A_42 = tpu.memref_slice %arg8[%dma_wait3A_40, %dma_wait3A_41] : memref<10240x128xf32, #tpu.memory_space<vmem_shared>> -> memref<10240x128xf32, #tpu.memory_space<vmem_shared>>
        tpu.wait_indirect_dma semaphore(%run_scoped3A_32 : memref<!tpu.dma_semaphore, #tpu.memory_space<semaphore_mem>>) src(%arg7 : memref<128x128xf32, #tpu.memory_space<vmem>>) dst(%dma_wait3A_42 : memref<10240x128xf32, #tpu.memory_space<vmem_shared>>)
        tpu.yield
      }) : () -> ()
      %run_scoped3A_26 = arith.constant 2 : i32
      "tpu.region"() ({
        %run_scoped3A_32 = tpu.sem_alloc : memref<!tpu.dma_semaphore, #tpu.memory_space<semaphore_mem>>
        %dma_start3A = arith.constant 0 : i32
        %dma_start3A_33 = tpu.memref_slice %arg6[%run_scoped3A_26, %dma_start3A] : memref<8x128xi32, #tpu.memory_space<vmem>> -> memref<1x128xi32, #tpu.memory_space<vmem>>
        %dma_start3A_34 = tpu.memref_squeeze %dma_start3A_33 : memref<1x128xi32, #tpu.memory_space<vmem>> -> memref<128xi32, #tpu.memory_space<vmem>>
        %dma_start3A_35 = arith.constant 0 : i32
        %dma_start3A_36 = arith.constant 0 : i32
        %dma_start3A_37 = tpu.memref_slice %arg8[%dma_start3A_35, %dma_start3A_36] : memref<10240x128xf32, #tpu.memory_space<vmem_shared>> -> memref<10240x128xf32, #tpu.memory_space<vmem_shared>>
        tpu.enqueue_indirect_dma source(%arg7 : memref<128x128xf32, #tpu.memory_space<vmem>>) target(%dma_start3A_37 : memref<10240x128xf32, #tpu.memory_space<vmem_shared>>) offsets(%dma_start3A_34 : memref<128xi32, #tpu.memory_space<vmem>>) semaphore(%run_scoped3A_32 : memref<!tpu.dma_semaphore, #tpu.memory_space<semaphore_mem>>) {add = true}
        %dma_wait3A = arith.constant 0 : i32
        %dma_wait3A_38 = tpu.memref_slice %arg6[%run_scoped3A_26, %dma_wait3A] : memref<8x128xi32, #tpu.memory_space<vmem>> -> memref<1x128xi32, #tpu.memory_space<vmem>>
        %dma_wait3A_39 = tpu.memref_squeeze %dma_wait3A_38 : memref<1x128xi32, #tpu.memory_space<vmem>> -> memref<128xi32, #tpu.memory_space<vmem>>
        %dma_wait3A_40 = arith.constant 0 : i32
        %dma_wait3A_41 = arith.constant 0 : i32
        %dma_wait3A_42 = tpu.memref_slice %arg8[%dma_wait3A_40, %dma_wait3A_41] : memref<10240x128xf32, #tpu.memory_space<vmem_shared>> -> memref<10240x128xf32, #tpu.memory_space<vmem_shared>>
        tpu.wait_indirect_dma semaphore(%run_scoped3A_32 : memref<!tpu.dma_semaphore, #tpu.memory_space<semaphore_mem>>) src(%arg7 : memref<128x128xf32, #tpu.memory_space<vmem>>) dst(%dma_wait3A_42 : memref<10240x128xf32, #tpu.memory_space<vmem_shared>>)
        tpu.yield
      }) : () -> ()
      %run_scoped3A_27 = arith.constant 3 : i32
      "tpu.region"() ({
        %run_scoped3A_32 = tpu.sem_alloc : memref<!tpu.dma_semaphore, #tpu.memory_space<semaphore_mem>>
        %dma_start3A = arith.constant 0 : i32
        %dma_start3A_33 = tpu.memref_slice %arg6[%run_scoped3A_27, %dma_start3A] : memref<8x128xi32, #tpu.memory_space<vmem>> -> memref<1x128xi32, #tpu.memory_space<vmem>>
        %dma_start3A_34 = tpu.memref_squeeze %dma_start3A_33 : memref<1x128xi32, #tpu.memory_space<vmem>> -> memref<128xi32, #tpu.memory_space<vmem>>
        %dma_start3A_35 = arith.constant 0 : i32
        %dma_start3A_36 = arith.constant 0 : i32
        %dma_start3A_37 = tpu.memref_slice %arg8[%dma_start3A_35, %dma_start3A_36] : memref<10240x128xf32, #tpu.memory_space<vmem_shared>> -> memref<10240x128xf32, #tpu.memory_space<vmem_shared>>
        tpu.enqueue_indirect_dma source(%arg7 : memref<128x128xf32, #tpu.memory_space<vmem>>) target(%dma_start3A_37 : memref<10240x128xf32, #tpu.memory_space<vmem_shared>>) offsets(%dma_start3A_34 : memref<128xi32, #tpu.memory_space<vmem>>) semaphore(%run_scoped3A_32 : memref<!tpu.dma_semaphore, #tpu.memory_space<semaphore_mem>>) {add = true}
        %dma_wait3A = arith.constant 0 : i32
        %dma_wait3A_38 = tpu.memref_slice %arg6[%run_scoped3A_27, %dma_wait3A] : memref<8x128xi32, #tpu.memory_space<vmem>> -> memref<1x128xi32, #tpu.memory_space<vmem>>
        %dma_wait3A_39 = tpu.memref_squeeze %dma_wait3A_38 : memref<1x128xi32, #tpu.memory_space<vmem>> -> memref<128xi32, #tpu.memory_space<vmem>>
        %dma_wait3A_40 = arith.constant 0 : i32
        %dma_wait3A_41 = arith.constant 0 : i32
        %dma_wait3A_42 = tpu.memref_slice %arg8[%dma_wait3A_40, %dma_wait3A_41] : memref<10240x128xf32, #tpu.memory_space<vmem_shared>> -> memref<10240x128xf32, #tpu.memory_space<vmem_shared>>
        tpu.wait_indirect_dma semaphore(%run_scoped3A_32 : memref<!tpu.dma_semaphore, #tpu.memory_space<semaphore_mem>>) src(%arg7 : memref<128x128xf32, #tpu.memory_space<vmem>>) dst(%dma_wait3A_42 : memref<10240x128xf32, #tpu.memory_space<vmem_shared>>)
        tpu.yield
      }) : () -> ()
      %run_scoped3A_28 = arith.constant 4 : i32
      "tpu.region"() ({
        %run_scoped3A_32 = tpu.sem_alloc : memref<!tpu.dma_semaphore, #tpu.memory_space<semaphore_mem>>
        %dma_start3A = arith.constant 0 : i32
        %dma_start3A_33 = tpu.memref_slice %arg6[%run_scoped3A_28, %dma_start3A] : memref<8x128xi32, #tpu.memory_space<vmem>> -> memref<1x128xi32, #tpu.memory_space<vmem>>
        %dma_start3A_34 = tpu.memref_squeeze %dma_start3A_33 : memref<1x128xi32, #tpu.memory_space<vmem>> -> memref<128xi32, #tpu.memory_space<vmem>>
        %dma_start3A_35 = arith.constant 0 : i32
        %dma_start3A_36 = arith.constant 0 : i32
        %dma_start3A_37 = tpu.memref_slice %arg8[%dma_start3A_35, %dma_start3A_36] : memref<10240x128xf32, #tpu.memory_space<vmem_shared>> -> memref<10240x128xf32, #tpu.memory_space<vmem_shared>>
        tpu.enqueue_indirect_dma source(%arg7 : memref<128x128xf32, #tpu.memory_space<vmem>>) target(%dma_start3A_37 : memref<10240x128xf32, #tpu.memory_space<vmem_shared>>) offsets(%dma_start3A_34 : memref<128xi32, #tpu.memory_space<vmem>>) semaphore(%run_scoped3A_32 : memref<!tpu.dma_semaphore, #tpu.memory_space<semaphore_mem>>) {add = true}
        %dma_wait3A = arith.constant 0 : i32
        %dma_wait3A_38 = tpu.memref_slice %arg6[%run_scoped3A_28, %dma_wait3A] : memref<8x128xi32, #tpu.memory_space<vmem>> -> memref<1x128xi32, #tpu.memory_space<vmem>>
        %dma_wait3A_39 = tpu.memref_squeeze %dma_wait3A_38 : memref<1x128xi32, #tpu.memory_space<vmem>> -> memref<128xi32, #tpu.memory_space<vmem>>
        %dma_wait3A_40 = arith.constant 0 : i32
        %dma_wait3A_41 = arith.constant 0 : i32
        %dma_wait3A_42 = tpu.memref_slice %arg8[%dma_wait3A_40, %dma_wait3A_41] : memref<10240x128xf32, #tpu.memory_space<vmem_shared>> -> memref<10240x128xf32, #tpu.memory_space<vmem_shared>>
        tpu.wait_indirect_dma semaphore(%run_scoped3A_32 : memref<!tpu.dma_semaphore, #tpu.memory_space<semaphore_mem>>) src(%arg7 : memref<128x128xf32, #tpu.memory_space<vmem>>) dst(%dma_wait3A_42 : memref<10240x128xf32, #tpu.memory_space<vmem_shared>>)
        tpu.yield
      }) : () -> ()
      %run_scoped3A_29 = arith.constant 5 : i32
      "tpu.region"() ({
        %run_scoped3A_32 = tpu.sem_alloc : memref<!tpu.dma_semaphore, #tpu.memory_space<semaphore_mem>>
        %dma_start3A = arith.constant 0 : i32
        %dma_start3A_33 = tpu.memref_slice %arg6[%run_scoped3A_29, %dma_start3A] : memref<8x128xi32, #tpu.memory_space<vmem>> -> memref<1x128xi32, #tpu.memory_space<vmem>>
        %dma_start3A_34 = tpu.memref_squeeze %dma_start3A_33 : memref<1x128xi32, #tpu.memory_space<vmem>> -> memref<128xi32, #tpu.memory_space<vmem>>
        %dma_start3A_35 = arith.constant 0 : i32
        %dma_start3A_36 = arith.constant 0 : i32
        %dma_start3A_37 = tpu.memref_slice %arg8[%dma_start3A_35, %dma_start3A_36] : memref<10240x128xf32, #tpu.memory_space<vmem_shared>> -> memref<10240x128xf32, #tpu.memory_space<vmem_shared>>
        tpu.enqueue_indirect_dma source(%arg7 : memref<128x128xf32, #tpu.memory_space<vmem>>) target(%dma_start3A_37 : memref<10240x128xf32, #tpu.memory_space<vmem_shared>>) offsets(%dma_start3A_34 : memref<128xi32, #tpu.memory_space<vmem>>) semaphore(%run_scoped3A_32 : memref<!tpu.dma_semaphore, #tpu.memory_space<semaphore_mem>>) {add = true}
        %dma_wait3A = arith.constant 0 : i32
        %dma_wait3A_38 = tpu.memref_slice %arg6[%run_scoped3A_29, %dma_wait3A] : memref<8x128xi32, #tpu.memory_space<vmem>> -> memref<1x128xi32, #tpu.memory_space<vmem>>
        %dma_wait3A_39 = tpu.memref_squeeze %dma_wait3A_38 : memref<1x128xi32, #tpu.memory_space<vmem>> -> memref<128xi32, #tpu.memory_space<vmem>>
        %dma_wait3A_40 = arith.constant 0 : i32
        %dma_wait3A_41 = arith.constant 0 : i32
        %dma_wait3A_42 = tpu.memref_slice %arg8[%dma_wait3A_40, %dma_wait3A_41] : memref<10240x128xf32, #tpu.memory_space<vmem_shared>> -> memref<10240x128xf32, #tpu.memory_space<vmem_shared>>
        tpu.wait_indirect_dma semaphore(%run_scoped3A_32 : memref<!tpu.dma_semaphore, #tpu.memory_space<semaphore_mem>>) src(%arg7 : memref<128x128xf32, #tpu.memory_space<vmem>>) dst(%dma_wait3A_42 : memref<10240x128xf32, #tpu.memory_space<vmem_shared>>)
        tpu.yield
      }) : () -> ()
      %run_scoped3A_30 = arith.constant 6 : i32
      "tpu.region"() ({
        %run_scoped3A_32 = tpu.sem_alloc : memref<!tpu.dma_semaphore, #tpu.memory_space<semaphore_mem>>
        %dma_start3A = arith.constant 0 : i32
        %dma_start3A_33 = tpu.memref_slice %arg6[%run_scoped3A_30, %dma_start3A] : memref<8x128xi32, #tpu.memory_space<vmem>> -> memref<1x128xi32, #tpu.memory_space<vmem>>
        %dma_start3A_34 = tpu.memref_squeeze %dma_start3A_33 : memref<1x128xi32, #tpu.memory_space<vmem>> -> memref<128xi32, #tpu.memory_space<vmem>>
        %dma_start3A_35 = arith.constant 0 : i32
        %dma_start3A_36 = arith.constant 0 : i32
        %dma_start3A_37 = tpu.memref_slice %arg8[%dma_start3A_35, %dma_start3A_36] : memref<10240x128xf32, #tpu.memory_space<vmem_shared>> -> memref<10240x128xf32, #tpu.memory_space<vmem_shared>>
        tpu.enqueue_indirect_dma source(%arg7 : memref<128x128xf32, #tpu.memory_space<vmem>>) target(%dma_start3A_37 : memref<10240x128xf32, #tpu.memory_space<vmem_shared>>) offsets(%dma_start3A_34 : memref<128xi32, #tpu.memory_space<vmem>>) semaphore(%run_scoped3A_32 : memref<!tpu.dma_semaphore, #tpu.memory_space<semaphore_mem>>) {add = true}
        %dma_wait3A = arith.constant 0 : i32
        %dma_wait3A_38 = tpu.memref_slice %arg6[%run_scoped3A_30, %dma_wait3A] : memref<8x128xi32, #tpu.memory_space<vmem>> -> memref<1x128xi32, #tpu.memory_space<vmem>>
        %dma_wait3A_39 = tpu.memref_squeeze %dma_wait3A_38 : memref<1x128xi32, #tpu.memory_space<vmem>> -> memref<128xi32, #tpu.memory_space<vmem>>
        %dma_wait3A_40 = arith.constant 0 : i32
        %dma_wait3A_41 = arith.constant 0 : i32
        %dma_wait3A_42 = tpu.memref_slice %arg8[%dma_wait3A_40, %dma_wait3A_41] : memref<10240x128xf32, #tpu.memory_space<vmem_shared>> -> memref<10240x128xf32, #tpu.memory_space<vmem_shared>>
        tpu.wait_indirect_dma semaphore(%run_scoped3A_32 : memref<!tpu.dma_semaphore, #tpu.memory_space<semaphore_mem>>) src(%arg7 : memref<128x128xf32, #tpu.memory_space<vmem>>) dst(%dma_wait3A_42 : memref<10240x128xf32, #tpu.memory_space<vmem_shared>>)
        tpu.yield
      }) : () -> ()
      %run_scoped3A_31 = arith.constant 7 : i32
      "tpu.region"() ({
        %run_scoped3A_32 = tpu.sem_alloc : memref<!tpu.dma_semaphore, #tpu.memory_space<semaphore_mem>>
        %dma_start3A = arith.constant 0 : i32
        %dma_start3A_33 = tpu.memref_slice %arg6[%run_scoped3A_31, %dma_start3A] : memref<8x128xi32, #tpu.memory_space<vmem>> -> memref<1x128xi32, #tpu.memory_space<vmem>>
        %dma_start3A_34 = tpu.memref_squeeze %dma_start3A_33 : memref<1x128xi32, #tpu.memory_space<vmem>> -> memref<128xi32, #tpu.memory_space<vmem>>
        %dma_start3A_35 = arith.constant 0 : i32
        %dma_start3A_36 = arith.constant 0 : i32
        %dma_start3A_37 = tpu.memref_slice %arg8[%dma_start3A_35, %dma_start3A_36] : memref<10240x128xf32, #tpu.memory_space<vmem_shared>> -> memref<10240x128xf32, #tpu.memory_space<vmem_shared>>
        tpu.enqueue_indirect_dma source(%arg7 : memref<128x128xf32, #tpu.memory_space<vmem>>) target(%dma_start3A_37 : memref<10240x128xf32, #tpu.memory_space<vmem_shared>>) offsets(%dma_start3A_34 : memref<128xi32, #tpu.memory_space<vmem>>) semaphore(%run_scoped3A_32 : memref<!tpu.dma_semaphore, #tpu.memory_space<semaphore_mem>>) {add = true}
        %dma_wait3A = arith.constant 0 : i32
        %dma_wait3A_38 = tpu.memref_slice %arg6[%run_scoped3A_31, %dma_wait3A] : memref<8x128xi32, #tpu.memory_space<vmem>> -> memref<1x128xi32, #tpu.memory_space<vmem>>
        %dma_wait3A_39 = tpu.memref_squeeze %dma_wait3A_38 : memref<1x128xi32, #tpu.memory_space<vmem>> -> memref<128xi32, #tpu.memory_space<vmem>>
        %dma_wait3A_40 = arith.constant 0 : i32
        %dma_wait3A_41 = arith.constant 0 : i32
        %dma_wait3A_42 = tpu.memref_slice %arg8[%dma_wait3A_40, %dma_wait3A_41] : memref<10240x128xf32, #tpu.memory_space<vmem_shared>> -> memref<10240x128xf32, #tpu.memory_space<vmem_shared>>
        tpu.wait_indirect_dma semaphore(%run_scoped3A_32 : memref<!tpu.dma_semaphore, #tpu.memory_space<semaphore_mem>>) src(%arg7 : memref<128x128xf32, #tpu.memory_space<vmem>>) dst(%dma_wait3A_42 : memref<10240x128xf32, #tpu.memory_space<vmem_shared>>)
        tpu.yield
      }) : () -> ()
    }
    %scan3A_5 = arith.constant 5 : i32
    %barrier3A_6 = arith.constant 0 : index
    tpu.barrier barrier_id(%barrier3A_6)
    %mul3A_7 = arith.constant 640 : i32
    %mul3A_8 = arith.muli %arg1, %mul3A_7 : i32
    %multiple_of3A_9 = tpu.assume_multiple %mul3A_8, 8 : i32
    %lt3A = arith.constant 15 : i32
    %lt3A_10 = arith.cmpi slt, %arg1, %lt3A : i32
    %convert_element_type3A = arith.extui %lt3A_10 : i1 to i32
    %cond3A = arith.constant 0 : i32
    %cond3A_11 = arith.cmpi ne, %convert_element_type3A, %cond3A : i32
    scf.if %cond3A_11 {
      "tpu.region"() ({
        %run_scoped3A = tpu.sem_alloc : memref<!tpu.dma_semaphore, #tpu.memory_space<semaphore_mem>>
        %dma_start3A = arith.constant 0 : i32
        %dma_start3A_16 = tpu.memref_slice %arg5[%arg0, %multiple_of3A_9, %dma_start3A] : memref<2x10000x128xf32, #tpu.memory_space<hbm>> -> memref<1x640x128xf32, #tpu.memory_space<hbm>>
        %dma_start3A_17 = tpu.memref_squeeze %dma_start3A_16 : memref<1x640x128xf32, #tpu.memory_space<hbm>> -> memref<640x128xf32, #tpu.memory_space<hbm>>
        %dma_start3A_18 = arith.constant 0 : i32
        %dma_start3A_19 = tpu.memref_slice %arg8[%multiple_of3A_9, %dma_start3A_18] : memref<10240x128xf32, #tpu.memory_space<vmem_shared>> -> memref<640x128xf32, #tpu.memory_space<vmem_shared>>
        tpu.enqueue_dma source(%dma_start3A_19 : memref<640x128xf32, #tpu.memory_space<vmem_shared>>) target(%dma_start3A_17 : memref<640x128xf32, #tpu.memory_space<hbm>>) target_semaphore(%run_scoped3A : memref<!tpu.dma_semaphore, #tpu.memory_space<semaphore_mem>>)
        %dma_wait3A = arith.constant 0 : i32
        %dma_wait3A_20 = tpu.memref_slice %arg5[%arg0, %multiple_of3A_9, %dma_wait3A] : memref<2x10000x128xf32, #tpu.memory_space<hbm>> -> memref<1x640x128xf32, #tpu.memory_space<hbm>>
        %dma_wait3A_21 = tpu.memref_squeeze %dma_wait3A_20 : memref<1x640x128xf32, #tpu.memory_space<hbm>> -> memref<640x128xf32, #tpu.memory_space<hbm>>
        %dma_wait3A_22 = arith.constant 0 : i32
        %dma_wait3A_23 = tpu.memref_slice %arg8[%multiple_of3A_9, %dma_wait3A_22] : memref<10240x128xf32, #tpu.memory_space<vmem_shared>> -> memref<640x128xf32, #tpu.memory_space<vmem_shared>>
        tpu.wait_dma2 semaphore(%run_scoped3A : memref<!tpu.dma_semaphore, #tpu.memory_space<semaphore_mem>>) src(%dma_wait3A_23 : memref<640x128xf32, #tpu.memory_space<vmem_shared>>) dst(%dma_wait3A_21 : memref<640x128xf32, #tpu.memory_space<hbm>>)
        tpu.yield
      }) : () -> ()
    } else {
    }
    %eq3A = arith.constant 15 : i32
    %eq3A_12 = arith.cmpi eq, %arg1, %eq3A : i32
    %convert_element_type3A_13 = arith.extui %eq3A_12 : i1 to i32
    %cond3A_14 = arith.constant 0 : i32
    %cond3A_15 = arith.cmpi ne, %convert_element_type3A_13, %cond3A_14 : i32
    scf.if %cond3A_15 {
      "tpu.region"() ({
        %run_scoped3A = tpu.sem_alloc : memref<!tpu.dma_semaphore, #tpu.memory_space<semaphore_mem>>
        %dma_start3A = arith.constant 0 : i32
        %dma_start3A_16 = tpu.memref_slice %arg5[%arg0, %multiple_of3A_9, %dma_start3A] : memref<2x10000x128xf32, #tpu.memory_space<hbm>> -> memref<1x400x128xf32, #tpu.memory_space<hbm>>
        %dma_start3A_17 = tpu.memref_squeeze %dma_start3A_16 : memref<1x400x128xf32, #tpu.memory_space<hbm>> -> memref<400x128xf32, #tpu.memory_space<hbm>>
        %dma_start3A_18 = arith.constant 0 : i32
        %dma_start3A_19 = tpu.memref_slice %arg8[%multiple_of3A_9, %dma_start3A_18] : memref<10240x128xf32, #tpu.memory_space<vmem_shared>> -> memref<400x128xf32, #tpu.memory_space<vmem_shared>>
        tpu.enqueue_dma source(%dma_start3A_19 : memref<400x128xf32, #tpu.memory_space<vmem_shared>>) target(%dma_start3A_17 : memref<400x128xf32, #tpu.memory_space<hbm>>) target_semaphore(%run_scoped3A : memref<!tpu.dma_semaphore, #tpu.memory_space<semaphore_mem>>)
        %dma_wait3A = arith.constant 0 : i32
        %dma_wait3A_20 = tpu.memref_slice %arg5[%arg0, %multiple_of3A_9, %dma_wait3A] : memref<2x10000x128xf32, #tpu.memory_space<hbm>> -> memref<1x400x128xf32, #tpu.memory_space<hbm>>
        %dma_wait3A_21 = tpu.memref_squeeze %dma_wait3A_20 : memref<1x400x128xf32, #tpu.memory_space<hbm>> -> memref<400x128xf32, #tpu.memory_space<hbm>>
        %dma_wait3A_22 = arith.constant 0 : i32
        %dma_wait3A_23 = tpu.memref_slice %arg8[%multiple_of3A_9, %dma_wait3A_22] : memref<10240x128xf32, #tpu.memory_space<vmem_shared>> -> memref<400x128xf32, #tpu.memory_space<vmem_shared>>
        tpu.wait_dma2 semaphore(%run_scoped3A : memref<!tpu.dma_semaphore, #tpu.memory_space<semaphore_mem>>) src(%dma_wait3A_23 : memref<400x128xf32, #tpu.memory_space<vmem_shared>>) dst(%dma_wait3A_21 : memref<400x128xf32, #tpu.memory_space<hbm>>)
        tpu.yield
      }) : () -> ()
    } else {
    }
    return
  }
}

#map = affine_map<(d0, d1) -> (0)>
#map1 = affine_map<(d0, d1) -> (0, 0)>
#map2 = affine_map<(d0, d1) -> (0, 0, 0)>
module attributes {stable_mosaic.version = 14 : i64} {
  func.func @k(%arg0: i32, %arg1: i32, %arg2: memref<163840xi32, #tpu.memory_space<hbm>>, %arg3: memref<163840xi32, #tpu.memory_space<hbm>>, %arg4: memref<10000x128xf32, #tpu.memory_space<hbm>>, %arg5: memref<640x128xf32, #tpu.memory_space<hbm>>, %arg6: memref<2x10000x128xf32, #tpu.memory_space<hbm>>, %arg7: memref<128xi32, #tpu.memory_space<vmem>>, %arg8: memref<128xi32, #tpu.memory_space<vmem>>, %arg9: memref<128xi32, #tpu.memory_space<vmem>>, %arg10: memref<128xi32, #tpu.memory_space<vmem>>, %arg11: memref<128x128xf32, #tpu.memory_space<vmem>>, %arg12: memref<128x128xf32, #tpu.memory_space<vmem>>, %arg13: memref<10240x128xf32, #tpu.memory_space<vmem_shared>>, %arg14: memref<!tpu.dma_semaphore, #tpu.memory_space<semaphore_mem>>, %arg15: memref<!tpu.dma_semaphore, #tpu.memory_space<semaphore_mem>>) attributes {dimension_semantics = [#tpu.dimension_semantics<core_parallel>, #tpu.dimension_semantics<subcore_parallel>], iteration_bounds = array<i64: 2, 16>, scalar_prefetch = 0 : i64, scratch_operands = 9 : i64, tpu.core_type = #tpu.core_type<sc_vector_subcore>, window_params = [{transform_indices = #map}, {transform_indices = #map}, {transform_indices = #map1}, {transform_indices = #map1}, {transform_indices = #map2}]} {
    %mul3A = arith.constant 640 : i32
    %mul3A_0 = arith.muli %arg1, %mul3A : i32
    %multiple_of3A = tpu.assume_multiple %mul3A_0, 8 : i32
    "tpu.region"() ({
      %run_scoped3A = tpu.sem_alloc : memref<!tpu.dma_semaphore, #tpu.memory_space<semaphore_mem>>
      %dma_start3A = arith.constant 0 : i32
      %dma_start3A_22 = tpu.memref_slice %arg13[%multiple_of3A, %dma_start3A] : memref<10240x128xf32, #tpu.memory_space<vmem_shared>> -> memref<640x128xf32, #tpu.memory_space<vmem_shared>>
      tpu.enqueue_dma source(%arg5 : memref<640x128xf32, #tpu.memory_space<hbm>>) target(%dma_start3A_22 : memref<640x128xf32, #tpu.memory_space<vmem_shared>>) target_semaphore(%run_scoped3A : memref<!tpu.dma_semaphore, #tpu.memory_space<semaphore_mem>>)
      %dma_wait3A = arith.constant 0 : i32
      %dma_wait3A_23 = tpu.memref_slice %arg13[%multiple_of3A, %dma_wait3A] : memref<10240x128xf32, #tpu.memory_space<vmem_shared>> -> memref<640x128xf32, #tpu.memory_space<vmem_shared>>
      tpu.wait_dma2 semaphore(%run_scoped3A : memref<!tpu.dma_semaphore, #tpu.memory_space<semaphore_mem>>) src(%arg5 : memref<640x128xf32, #tpu.memory_space<hbm>>) dst(%dma_wait3A_23 : memref<640x128xf32, #tpu.memory_space<vmem_shared>>)
      tpu.yield
    }) : () -> ()
    %barrier3A = arith.constant 0 : index
    tpu.barrier barrier_id(%barrier3A)
    %mul3A_1 = arith.constant 640 : i32
    %mul3A_2 = arith.muli %arg0, %mul3A_1 : i32
    %mul3A_3 = arith.constant 40 : i32
    %mul3A_4 = arith.muli %arg1, %mul3A_3 : i32
    %add3A = arith.addi %mul3A_2, %mul3A_4 : i32
    %mul3A_5 = arith.constant 128 : i32
    %mul3A_6 = arith.muli %add3A, %mul3A_5 : i32
    %scan3A = arith.constant 0 : i32
    %scan3A_7 = arith.constant 0 : i32
    %scan3A_8 = arith.constant 20 : i32
    %scan3A_9 = arith.addi %scan3A_7, %scan3A_8 : i32
    %scan3A_10 = arith.constant 1 : i32
    scf.for %scan3A_22 = %scan3A_7 to %scan3A_9 step %scan3A_10  : i32 {
      %mul3A_23 = arith.constant 2 : i32
      %mul3A_24 = arith.muli %mul3A_23, %scan3A_22 : i32
      %mul3A_25 = arith.constant 128 : i32
      %mul3A_26 = arith.muli %mul3A_24, %mul3A_25 : i32
      %add3A_27 = arith.addi %mul3A_6, %mul3A_26 : i32
      %multiple_of3A_28 = tpu.assume_multiple %add3A_27, 128 : i32
      %mul3A_29 = arith.constant 2 : i32
      %mul3A_30 = arith.muli %mul3A_29, %scan3A_22 : i32
      %add3A_31 = arith.constant 1 : i32
      %add3A_32 = arith.addi %mul3A_30, %add3A_31 : i32
      %mul3A_33 = arith.constant 128 : i32
      %mul3A_34 = arith.muli %add3A_32, %mul3A_33 : i32
      %add3A_35 = arith.addi %mul3A_6, %mul3A_34 : i32
      %multiple_of3A_36 = tpu.assume_multiple %add3A_35, 128 : i32
      "tpu.region"() ({
        %run_scoped3A = tpu.sem_alloc : memref<!tpu.dma_semaphore, #tpu.memory_space<semaphore_mem>>
        %dma_start3A_47 = tpu.memref_slice %arg2[%multiple_of3A_28] : memref<163840xi32, #tpu.memory_space<hbm>> -> memref<128xi32, #tpu.memory_space<hbm>>
        %dma_start3A_48 = tpu.memref_slice %arg2[%multiple_of3A_28] : memref<163840xi32, #tpu.memory_space<hbm>> -> memref<128xi32, #tpu.memory_space<hbm>>
        tpu.enqueue_dma source(%dma_start3A_48 : memref<128xi32, #tpu.memory_space<hbm>>) target(%arg7 : memref<128xi32, #tpu.memory_space<vmem>>) target_semaphore(%run_scoped3A : memref<!tpu.dma_semaphore, #tpu.memory_space<semaphore_mem>>)
        %dma_wait3A_49 = tpu.memref_slice %arg2[%multiple_of3A_28] : memref<163840xi32, #tpu.memory_space<hbm>> -> memref<128xi32, #tpu.memory_space<hbm>>
        %dma_wait3A_50 = tpu.memref_slice %arg2[%multiple_of3A_28] : memref<163840xi32, #tpu.memory_space<hbm>> -> memref<128xi32, #tpu.memory_space<hbm>>
        tpu.wait_dma2 semaphore(%run_scoped3A : memref<!tpu.dma_semaphore, #tpu.memory_space<semaphore_mem>>) src(%dma_wait3A_50 : memref<128xi32, #tpu.memory_space<hbm>>) dst(%arg7 : memref<128xi32, #tpu.memory_space<vmem>>)
        tpu.yield
      }) : () -> ()
      "tpu.region"() ({
        %run_scoped3A = tpu.sem_alloc : memref<!tpu.dma_semaphore, #tpu.memory_space<semaphore_mem>>
        %dma_start3A_47 = tpu.memref_slice %arg3[%multiple_of3A_28] : memref<163840xi32, #tpu.memory_space<hbm>> -> memref<128xi32, #tpu.memory_space<hbm>>
        %dma_start3A_48 = tpu.memref_slice %arg3[%multiple_of3A_28] : memref<163840xi32, #tpu.memory_space<hbm>> -> memref<128xi32, #tpu.memory_space<hbm>>
        tpu.enqueue_dma source(%dma_start3A_48 : memref<128xi32, #tpu.memory_space<hbm>>) target(%arg8 : memref<128xi32, #tpu.memory_space<vmem>>) target_semaphore(%run_scoped3A : memref<!tpu.dma_semaphore, #tpu.memory_space<semaphore_mem>>)
        %dma_wait3A_49 = tpu.memref_slice %arg3[%multiple_of3A_28] : memref<163840xi32, #tpu.memory_space<hbm>> -> memref<128xi32, #tpu.memory_space<hbm>>
        %dma_wait3A_50 = tpu.memref_slice %arg3[%multiple_of3A_28] : memref<163840xi32, #tpu.memory_space<hbm>> -> memref<128xi32, #tpu.memory_space<hbm>>
        tpu.wait_dma2 semaphore(%run_scoped3A : memref<!tpu.dma_semaphore, #tpu.memory_space<semaphore_mem>>) src(%dma_wait3A_50 : memref<128xi32, #tpu.memory_space<hbm>>) dst(%arg8 : memref<128xi32, #tpu.memory_space<vmem>>)
        tpu.yield
      }) : () -> ()
      %dma_start3A = arith.constant 0 : i32
      %dma_start3A_37 = arith.constant 0 : i32
      %dma_start3A_38 = tpu.memref_slice %arg4[%dma_start3A, %dma_start3A_37] : memref<10000x128xf32, #tpu.memory_space<hbm>> -> memref<10000x128xf32, #tpu.memory_space<hbm>>
      tpu.enqueue_indirect_dma source(%dma_start3A_38 : memref<10000x128xf32, #tpu.memory_space<hbm>>) target(%arg11 : memref<128x128xf32, #tpu.memory_space<vmem>>) offsets(%arg7 : memref<128xi32, #tpu.memory_space<vmem>>) semaphore(%arg14 : memref<!tpu.dma_semaphore, #tpu.memory_space<semaphore_mem>>)
      "tpu.region"() ({
        %run_scoped3A = tpu.sem_alloc : memref<!tpu.dma_semaphore, #tpu.memory_space<semaphore_mem>>
        %dma_start3A_47 = tpu.memref_slice %arg2[%multiple_of3A_36] : memref<163840xi32, #tpu.memory_space<hbm>> -> memref<128xi32, #tpu.memory_space<hbm>>
        %dma_start3A_48 = tpu.memref_slice %arg2[%multiple_of3A_36] : memref<163840xi32, #tpu.memory_space<hbm>> -> memref<128xi32, #tpu.memory_space<hbm>>
        tpu.enqueue_dma source(%dma_start3A_48 : memref<128xi32, #tpu.memory_space<hbm>>) target(%arg9 : memref<128xi32, #tpu.memory_space<vmem>>) target_semaphore(%run_scoped3A : memref<!tpu.dma_semaphore, #tpu.memory_space<semaphore_mem>>)
        %dma_wait3A_49 = tpu.memref_slice %arg2[%multiple_of3A_36] : memref<163840xi32, #tpu.memory_space<hbm>> -> memref<128xi32, #tpu.memory_space<hbm>>
        %dma_wait3A_50 = tpu.memref_slice %arg2[%multiple_of3A_36] : memref<163840xi32, #tpu.memory_space<hbm>> -> memref<128xi32, #tpu.memory_space<hbm>>
        tpu.wait_dma2 semaphore(%run_scoped3A : memref<!tpu.dma_semaphore, #tpu.memory_space<semaphore_mem>>) src(%dma_wait3A_50 : memref<128xi32, #tpu.memory_space<hbm>>) dst(%arg9 : memref<128xi32, #tpu.memory_space<vmem>>)
        tpu.yield
      }) : () -> ()
      "tpu.region"() ({
        %run_scoped3A = tpu.sem_alloc : memref<!tpu.dma_semaphore, #tpu.memory_space<semaphore_mem>>
        %dma_start3A_47 = tpu.memref_slice %arg3[%multiple_of3A_36] : memref<163840xi32, #tpu.memory_space<hbm>> -> memref<128xi32, #tpu.memory_space<hbm>>
        %dma_start3A_48 = tpu.memref_slice %arg3[%multiple_of3A_36] : memref<163840xi32, #tpu.memory_space<hbm>> -> memref<128xi32, #tpu.memory_space<hbm>>
        tpu.enqueue_dma source(%dma_start3A_48 : memref<128xi32, #tpu.memory_space<hbm>>) target(%arg10 : memref<128xi32, #tpu.memory_space<vmem>>) target_semaphore(%run_scoped3A : memref<!tpu.dma_semaphore, #tpu.memory_space<semaphore_mem>>)
        %dma_wait3A_49 = tpu.memref_slice %arg3[%multiple_of3A_36] : memref<163840xi32, #tpu.memory_space<hbm>> -> memref<128xi32, #tpu.memory_space<hbm>>
        %dma_wait3A_50 = tpu.memref_slice %arg3[%multiple_of3A_36] : memref<163840xi32, #tpu.memory_space<hbm>> -> memref<128xi32, #tpu.memory_space<hbm>>
        tpu.wait_dma2 semaphore(%run_scoped3A : memref<!tpu.dma_semaphore, #tpu.memory_space<semaphore_mem>>) src(%dma_wait3A_50 : memref<128xi32, #tpu.memory_space<hbm>>) dst(%arg10 : memref<128xi32, #tpu.memory_space<vmem>>)
        tpu.yield
      }) : () -> ()
      %dma_start3A_39 = arith.constant 0 : i32
      %dma_start3A_40 = arith.constant 0 : i32
      %dma_start3A_41 = tpu.memref_slice %arg4[%dma_start3A_39, %dma_start3A_40] : memref<10000x128xf32, #tpu.memory_space<hbm>> -> memref<10000x128xf32, #tpu.memory_space<hbm>>
      tpu.enqueue_indirect_dma source(%dma_start3A_41 : memref<10000x128xf32, #tpu.memory_space<hbm>>) target(%arg12 : memref<128x128xf32, #tpu.memory_space<vmem>>) offsets(%arg9 : memref<128xi32, #tpu.memory_space<vmem>>) semaphore(%arg15 : memref<!tpu.dma_semaphore, #tpu.memory_space<semaphore_mem>>)
      %dma_wait3A = arith.constant 0 : i32
      %dma_wait3A_42 = arith.constant 0 : i32
      %dma_wait3A_43 = tpu.memref_slice %arg4[%dma_wait3A, %dma_wait3A_42] : memref<10000x128xf32, #tpu.memory_space<hbm>> -> memref<10000x128xf32, #tpu.memory_space<hbm>>
      tpu.wait_indirect_dma semaphore(%arg14 : memref<!tpu.dma_semaphore, #tpu.memory_space<semaphore_mem>>) src(%dma_wait3A_43 : memref<10000x128xf32, #tpu.memory_space<hbm>>) dst(%arg11 : memref<128x128xf32, #tpu.memory_space<vmem>>)
      "tpu.region"() ({
        %run_scoped3A = tpu.sem_alloc : memref<!tpu.dma_semaphore, #tpu.memory_space<semaphore_mem>>
        %dma_start3A_47 = arith.constant 0 : i32
        %dma_start3A_48 = arith.constant 0 : i32
        %dma_start3A_49 = tpu.memref_slice %arg13[%dma_start3A_47, %dma_start3A_48] : memref<10240x128xf32, #tpu.memory_space<vmem_shared>> -> memref<10240x128xf32, #tpu.memory_space<vmem_shared>>
        tpu.enqueue_indirect_dma source(%arg11 : memref<128x128xf32, #tpu.memory_space<vmem>>) target(%dma_start3A_49 : memref<10240x128xf32, #tpu.memory_space<vmem_shared>>) offsets(%arg8 : memref<128xi32, #tpu.memory_space<vmem>>) semaphore(%run_scoped3A : memref<!tpu.dma_semaphore, #tpu.memory_space<semaphore_mem>>) {add = true}
        %dma_wait3A_50 = arith.constant 0 : i32
        %dma_wait3A_51 = arith.constant 0 : i32
        %dma_wait3A_52 = tpu.memref_slice %arg13[%dma_wait3A_50, %dma_wait3A_51] : memref<10240x128xf32, #tpu.memory_space<vmem_shared>> -> memref<10240x128xf32, #tpu.memory_space<vmem_shared>>
        tpu.wait_indirect_dma semaphore(%run_scoped3A : memref<!tpu.dma_semaphore, #tpu.memory_space<semaphore_mem>>) src(%arg11 : memref<128x128xf32, #tpu.memory_space<vmem>>) dst(%dma_wait3A_52 : memref<10240x128xf32, #tpu.memory_space<vmem_shared>>)
        tpu.yield
      }) : () -> ()
      %dma_wait3A_44 = arith.constant 0 : i32
      %dma_wait3A_45 = arith.constant 0 : i32
      %dma_wait3A_46 = tpu.memref_slice %arg4[%dma_wait3A_44, %dma_wait3A_45] : memref<10000x128xf32, #tpu.memory_space<hbm>> -> memref<10000x128xf32, #tpu.memory_space<hbm>>
      tpu.wait_indirect_dma semaphore(%arg15 : memref<!tpu.dma_semaphore, #tpu.memory_space<semaphore_mem>>) src(%dma_wait3A_46 : memref<10000x128xf32, #tpu.memory_space<hbm>>) dst(%arg12 : memref<128x128xf32, #tpu.memory_space<vmem>>)
      "tpu.region"() ({
        %run_scoped3A = tpu.sem_alloc : memref<!tpu.dma_semaphore, #tpu.memory_space<semaphore_mem>>
        %dma_start3A_47 = arith.constant 0 : i32
        %dma_start3A_48 = arith.constant 0 : i32
        %dma_start3A_49 = tpu.memref_slice %arg13[%dma_start3A_47, %dma_start3A_48] : memref<10240x128xf32, #tpu.memory_space<vmem_shared>> -> memref<10240x128xf32, #tpu.memory_space<vmem_shared>>
        tpu.enqueue_indirect_dma source(%arg12 : memref<128x128xf32, #tpu.memory_space<vmem>>) target(%dma_start3A_49 : memref<10240x128xf32, #tpu.memory_space<vmem_shared>>) offsets(%arg10 : memref<128xi32, #tpu.memory_space<vmem>>) semaphore(%run_scoped3A : memref<!tpu.dma_semaphore, #tpu.memory_space<semaphore_mem>>) {add = true}
        %dma_wait3A_50 = arith.constant 0 : i32
        %dma_wait3A_51 = arith.constant 0 : i32
        %dma_wait3A_52 = tpu.memref_slice %arg13[%dma_wait3A_50, %dma_wait3A_51] : memref<10240x128xf32, #tpu.memory_space<vmem_shared>> -> memref<10240x128xf32, #tpu.memory_space<vmem_shared>>
        tpu.wait_indirect_dma semaphore(%run_scoped3A : memref<!tpu.dma_semaphore, #tpu.memory_space<semaphore_mem>>) src(%arg12 : memref<128x128xf32, #tpu.memory_space<vmem>>) dst(%dma_wait3A_52 : memref<10240x128xf32, #tpu.memory_space<vmem_shared>>)
        tpu.yield
      }) : () -> ()
    }
    %scan3A_11 = arith.constant 20 : i32
    %barrier3A_12 = arith.constant 0 : index
    tpu.barrier barrier_id(%barrier3A_12)
    %mul3A_13 = arith.constant 640 : i32
    %mul3A_14 = arith.muli %arg1, %mul3A_13 : i32
    %multiple_of3A_15 = tpu.assume_multiple %mul3A_14, 8 : i32
    %lt3A = arith.constant 15 : i32
    %lt3A_16 = arith.cmpi slt, %arg1, %lt3A : i32
    %convert_element_type3A = arith.extui %lt3A_16 : i1 to i32
    %cond3A = arith.constant 0 : i32
    %cond3A_17 = arith.cmpi ne, %convert_element_type3A, %cond3A : i32
    scf.if %cond3A_17 {
      "tpu.region"() ({
        %run_scoped3A = tpu.sem_alloc : memref<!tpu.dma_semaphore, #tpu.memory_space<semaphore_mem>>
        %dma_start3A = arith.constant 0 : i32
        %dma_start3A_22 = tpu.memref_slice %arg6[%arg0, %multiple_of3A_15, %dma_start3A] : memref<2x10000x128xf32, #tpu.memory_space<hbm>> -> memref<1x640x128xf32, #tpu.memory_space<hbm>>
        %dma_start3A_23 = tpu.memref_squeeze %dma_start3A_22 : memref<1x640x128xf32, #tpu.memory_space<hbm>> -> memref<640x128xf32, #tpu.memory_space<hbm>>
        %dma_start3A_24 = arith.constant 0 : i32
        %dma_start3A_25 = tpu.memref_slice %arg13[%multiple_of3A_15, %dma_start3A_24] : memref<10240x128xf32, #tpu.memory_space<vmem_shared>> -> memref<640x128xf32, #tpu.memory_space<vmem_shared>>
        tpu.enqueue_dma source(%dma_start3A_25 : memref<640x128xf32, #tpu.memory_space<vmem_shared>>) target(%dma_start3A_23 : memref<640x128xf32, #tpu.memory_space<hbm>>) target_semaphore(%run_scoped3A : memref<!tpu.dma_semaphore, #tpu.memory_space<semaphore_mem>>)
        %dma_wait3A = arith.constant 0 : i32
        %dma_wait3A_26 = tpu.memref_slice %arg6[%arg0, %multiple_of3A_15, %dma_wait3A] : memref<2x10000x128xf32, #tpu.memory_space<hbm>> -> memref<1x640x128xf32, #tpu.memory_space<hbm>>
        %dma_wait3A_27 = tpu.memref_squeeze %dma_wait3A_26 : memref<1x640x128xf32, #tpu.memory_space<hbm>> -> memref<640x128xf32, #tpu.memory_space<hbm>>
        %dma_wait3A_28 = arith.constant 0 : i32
        %dma_wait3A_29 = tpu.memref_slice %arg13[%multiple_of3A_15, %dma_wait3A_28] : memref<10240x128xf32, #tpu.memory_space<vmem_shared>> -> memref<640x128xf32, #tpu.memory_space<vmem_shared>>
        tpu.wait_dma2 semaphore(%run_scoped3A : memref<!tpu.dma_semaphore, #tpu.memory_space<semaphore_mem>>) src(%dma_wait3A_29 : memref<640x128xf32, #tpu.memory_space<vmem_shared>>) dst(%dma_wait3A_27 : memref<640x128xf32, #tpu.memory_space<hbm>>)
        tpu.yield
      }) : () -> ()
    } else {
    }
    %eq3A = arith.constant 15 : i32
    %eq3A_18 = arith.cmpi eq, %arg1, %eq3A : i32
    %convert_element_type3A_19 = arith.extui %eq3A_18 : i1 to i32
    %cond3A_20 = arith.constant 0 : i32
    %cond3A_21 = arith.cmpi ne, %convert_element_type3A_19, %cond3A_20 : i32
    scf.if %cond3A_21 {
      "tpu.region"() ({
        %run_scoped3A = tpu.sem_alloc : memref<!tpu.dma_semaphore, #tpu.memory_space<semaphore_mem>>
        %dma_start3A = arith.constant 0 : i32
        %dma_start3A_22 = tpu.memref_slice %arg6[%arg0, %multiple_of3A_15, %dma_start3A] : memref<2x10000x128xf32, #tpu.memory_space<hbm>> -> memref<1x400x128xf32, #tpu.memory_space<hbm>>
        %dma_start3A_23 = tpu.memref_squeeze %dma_start3A_22 : memref<1x400x128xf32, #tpu.memory_space<hbm>> -> memref<400x128xf32, #tpu.memory_space<hbm>>
        %dma_start3A_24 = arith.constant 0 : i32
        %dma_start3A_25 = tpu.memref_slice %arg13[%multiple_of3A_15, %dma_start3A_24] : memref<10240x128xf32, #tpu.memory_space<vmem_shared>> -> memref<400x128xf32, #tpu.memory_space<vmem_shared>>
        tpu.enqueue_dma source(%dma_start3A_25 : memref<400x128xf32, #tpu.memory_space<vmem_shared>>) target(%dma_start3A_23 : memref<400x128xf32, #tpu.memory_space<hbm>>) target_semaphore(%run_scoped3A : memref<!tpu.dma_semaphore, #tpu.memory_space<semaphore_mem>>)
        %dma_wait3A = arith.constant 0 : i32
        %dma_wait3A_26 = tpu.memref_slice %arg6[%arg0, %multiple_of3A_15, %dma_wait3A] : memref<2x10000x128xf32, #tpu.memory_space<hbm>> -> memref<1x400x128xf32, #tpu.memory_space<hbm>>
        %dma_wait3A_27 = tpu.memref_squeeze %dma_wait3A_26 : memref<1x400x128xf32, #tpu.memory_space<hbm>> -> memref<400x128xf32, #tpu.memory_space<hbm>>
        %dma_wait3A_28 = arith.constant 0 : i32
        %dma_wait3A_29 = tpu.memref_slice %arg13[%multiple_of3A_15, %dma_wait3A_28] : memref<10240x128xf32, #tpu.memory_space<vmem_shared>> -> memref<400x128xf32, #tpu.memory_space<vmem_shared>>
        tpu.wait_dma2 semaphore(%run_scoped3A : memref<!tpu.dma_semaphore, #tpu.memory_space<semaphore_mem>>) src(%dma_wait3A_29 : memref<400x128xf32, #tpu.memory_space<vmem_shared>>) dst(%dma_wait3A_27 : memref<400x128xf32, #tpu.memory_space<hbm>>)
        tpu.yield
      }) : () -> ()
    } else {
    }
    return
  }
}

#map = affine_map<(d0, d1) -> (0)>
#map1 = affine_map<(d0, d1) -> (0, 0)>
#map2 = affine_map<(d0, d1) -> (0, 0, 0)>
module attributes {stable_mosaic.version = 14 : i64} {
  func.func @k(%arg0: i32, %arg1: i32, %arg2: memref<163840xi32, #tpu.memory_space<hbm>>, %arg3: memref<163840xi32, #tpu.memory_space<hbm>>, %arg4: memref<10000x128xf32, #tpu.memory_space<hbm>>, %arg5: memref<640x128xf32, #tpu.memory_space<hbm>>, %arg6: memref<2x10000x128xf32, #tpu.memory_space<hbm>>, %arg7: memref<128xi32, #tpu.memory_space<vmem>>, %arg8: memref<128xi32, #tpu.memory_space<vmem>>, %arg9: memref<128xi32, #tpu.memory_space<vmem>>, %arg10: memref<128xi32, #tpu.memory_space<vmem>>, %arg11: memref<128x128xf32, #tpu.memory_space<vmem>>, %arg12: memref<128x128xf32, #tpu.memory_space<vmem>>, %arg13: memref<10240x128xf32, #tpu.memory_space<vmem_shared>>, %arg14: memref<!tpu.dma_semaphore, #tpu.memory_space<semaphore_mem>>, %arg15: memref<!tpu.dma_semaphore, #tpu.memory_space<semaphore_mem>>) attributes {dimension_semantics = [#tpu.dimension_semantics<core_parallel>, #tpu.dimension_semantics<subcore_parallel>], iteration_bounds = array<i64: 2, 16>, scalar_prefetch = 0 : i64, scratch_operands = 9 : i64, tpu.core_type = #tpu.core_type<sc_vector_subcore>, window_params = [{transform_indices = #map}, {transform_indices = #map}, {transform_indices = #map1}, {transform_indices = #map1}, {transform_indices = #map2}]} {
    %mul3A = arith.constant 640 : i32
    %mul3A_0 = arith.muli %arg1, %mul3A : i32
    %multiple_of3A = tpu.assume_multiple %mul3A_0, 8 : i32
    "tpu.region"() ({
      %run_scoped3A = tpu.sem_alloc : memref<!tpu.dma_semaphore, #tpu.memory_space<semaphore_mem>>
      %dma_start3A = arith.constant 0 : i32
      %dma_start3A_22 = tpu.memref_slice %arg13[%multiple_of3A, %dma_start3A] : memref<10240x128xf32, #tpu.memory_space<vmem_shared>> -> memref<640x128xf32, #tpu.memory_space<vmem_shared>>
      tpu.enqueue_dma source(%arg5 : memref<640x128xf32, #tpu.memory_space<hbm>>) target(%dma_start3A_22 : memref<640x128xf32, #tpu.memory_space<vmem_shared>>) target_semaphore(%run_scoped3A : memref<!tpu.dma_semaphore, #tpu.memory_space<semaphore_mem>>)
      %dma_wait3A = arith.constant 0 : i32
      %dma_wait3A_23 = tpu.memref_slice %arg13[%multiple_of3A, %dma_wait3A] : memref<10240x128xf32, #tpu.memory_space<vmem_shared>> -> memref<640x128xf32, #tpu.memory_space<vmem_shared>>
      tpu.wait_dma2 semaphore(%run_scoped3A : memref<!tpu.dma_semaphore, #tpu.memory_space<semaphore_mem>>) src(%arg5 : memref<640x128xf32, #tpu.memory_space<hbm>>) dst(%dma_wait3A_23 : memref<640x128xf32, #tpu.memory_space<vmem_shared>>)
      tpu.yield
    }) : () -> ()
    %barrier3A = arith.constant 0 : index
    tpu.barrier barrier_id(%barrier3A)
    %mul3A_1 = arith.constant 640 : i32
    %mul3A_2 = arith.muli %arg0, %mul3A_1 : i32
    %mul3A_3 = arith.constant 40 : i32
    %mul3A_4 = arith.muli %arg1, %mul3A_3 : i32
    %add3A = arith.addi %mul3A_2, %mul3A_4 : i32
    %mul3A_5 = arith.constant 128 : i32
    %mul3A_6 = arith.muli %add3A, %mul3A_5 : i32
    %scan3A = arith.constant 0 : i32
    %scan3A_7 = arith.constant 0 : i32
    %scan3A_8 = arith.constant 20 : i32
    %scan3A_9 = arith.addi %scan3A_7, %scan3A_8 : i32
    %scan3A_10 = arith.constant 1 : i32
    scf.for %scan3A_22 = %scan3A_7 to %scan3A_9 step %scan3A_10  : i32 {
      %mul3A_23 = arith.constant 2 : i32
      %mul3A_24 = arith.muli %mul3A_23, %scan3A_22 : i32
      %mul3A_25 = arith.constant 128 : i32
      %mul3A_26 = arith.muli %mul3A_24, %mul3A_25 : i32
      %add3A_27 = arith.addi %mul3A_6, %mul3A_26 : i32
      %multiple_of3A_28 = tpu.assume_multiple %add3A_27, 128 : i32
      %mul3A_29 = arith.constant 2 : i32
      %mul3A_30 = arith.muli %mul3A_29, %scan3A_22 : i32
      %add3A_31 = arith.constant 1 : i32
      %add3A_32 = arith.addi %mul3A_30, %add3A_31 : i32
      %mul3A_33 = arith.constant 128 : i32
      %mul3A_34 = arith.muli %add3A_32, %mul3A_33 : i32
      %add3A_35 = arith.addi %mul3A_6, %mul3A_34 : i32
      %multiple_of3A_36 = tpu.assume_multiple %add3A_35, 128 : i32
      "tpu.region"() ({
        %run_scoped3A = tpu.sem_alloc : memref<!tpu.dma_semaphore, #tpu.memory_space<semaphore_mem>>
        %dma_start3A_47 = tpu.memref_slice %arg2[%multiple_of3A_28] : memref<163840xi32, #tpu.memory_space<hbm>> -> memref<128xi32, #tpu.memory_space<hbm>>
        %dma_start3A_48 = tpu.memref_slice %arg2[%multiple_of3A_28] : memref<163840xi32, #tpu.memory_space<hbm>> -> memref<128xi32, #tpu.memory_space<hbm>>
        tpu.enqueue_dma source(%dma_start3A_48 : memref<128xi32, #tpu.memory_space<hbm>>) target(%arg7 : memref<128xi32, #tpu.memory_space<vmem>>) target_semaphore(%run_scoped3A : memref<!tpu.dma_semaphore, #tpu.memory_space<semaphore_mem>>)
        %dma_wait3A_49 = tpu.memref_slice %arg2[%multiple_of3A_28] : memref<163840xi32, #tpu.memory_space<hbm>> -> memref<128xi32, #tpu.memory_space<hbm>>
        %dma_wait3A_50 = tpu.memref_slice %arg2[%multiple_of3A_28] : memref<163840xi32, #tpu.memory_space<hbm>> -> memref<128xi32, #tpu.memory_space<hbm>>
        tpu.wait_dma2 semaphore(%run_scoped3A : memref<!tpu.dma_semaphore, #tpu.memory_space<semaphore_mem>>) src(%dma_wait3A_50 : memref<128xi32, #tpu.memory_space<hbm>>) dst(%arg7 : memref<128xi32, #tpu.memory_space<vmem>>)
        tpu.yield
      }) : () -> ()
      "tpu.region"() ({
        %run_scoped3A = tpu.sem_alloc : memref<!tpu.dma_semaphore, #tpu.memory_space<semaphore_mem>>
        %dma_start3A_47 = tpu.memref_slice %arg3[%multiple_of3A_28] : memref<163840xi32, #tpu.memory_space<hbm>> -> memref<128xi32, #tpu.memory_space<hbm>>
        %dma_start3A_48 = tpu.memref_slice %arg3[%multiple_of3A_28] : memref<163840xi32, #tpu.memory_space<hbm>> -> memref<128xi32, #tpu.memory_space<hbm>>
        tpu.enqueue_dma source(%dma_start3A_48 : memref<128xi32, #tpu.memory_space<hbm>>) target(%arg8 : memref<128xi32, #tpu.memory_space<vmem>>) target_semaphore(%run_scoped3A : memref<!tpu.dma_semaphore, #tpu.memory_space<semaphore_mem>>)
        %dma_wait3A_49 = tpu.memref_slice %arg3[%multiple_of3A_28] : memref<163840xi32, #tpu.memory_space<hbm>> -> memref<128xi32, #tpu.memory_space<hbm>>
        %dma_wait3A_50 = tpu.memref_slice %arg3[%multiple_of3A_28] : memref<163840xi32, #tpu.memory_space<hbm>> -> memref<128xi32, #tpu.memory_space<hbm>>
        tpu.wait_dma2 semaphore(%run_scoped3A : memref<!tpu.dma_semaphore, #tpu.memory_space<semaphore_mem>>) src(%dma_wait3A_50 : memref<128xi32, #tpu.memory_space<hbm>>) dst(%arg8 : memref<128xi32, #tpu.memory_space<vmem>>)
        tpu.yield
      }) : () -> ()
      %dma_start3A = arith.constant 0 : i32
      %dma_start3A_37 = arith.constant 0 : i32
      %dma_start3A_38 = tpu.memref_slice %arg4[%dma_start3A, %dma_start3A_37] : memref<10000x128xf32, #tpu.memory_space<hbm>> -> memref<10000x128xf32, #tpu.memory_space<hbm>>
      tpu.enqueue_indirect_dma source(%dma_start3A_38 : memref<10000x128xf32, #tpu.memory_space<hbm>>) target(%arg11 : memref<128x128xf32, #tpu.memory_space<vmem>>) offsets(%arg7 : memref<128xi32, #tpu.memory_space<vmem>>) semaphore(%arg14 : memref<!tpu.dma_semaphore, #tpu.memory_space<semaphore_mem>>)
      "tpu.region"() ({
        %run_scoped3A = tpu.sem_alloc : memref<!tpu.dma_semaphore, #tpu.memory_space<semaphore_mem>>
        %dma_start3A_47 = tpu.memref_slice %arg2[%multiple_of3A_36] : memref<163840xi32, #tpu.memory_space<hbm>> -> memref<128xi32, #tpu.memory_space<hbm>>
        %dma_start3A_48 = tpu.memref_slice %arg2[%multiple_of3A_36] : memref<163840xi32, #tpu.memory_space<hbm>> -> memref<128xi32, #tpu.memory_space<hbm>>
        tpu.enqueue_dma source(%dma_start3A_48 : memref<128xi32, #tpu.memory_space<hbm>>) target(%arg9 : memref<128xi32, #tpu.memory_space<vmem>>) target_semaphore(%run_scoped3A : memref<!tpu.dma_semaphore, #tpu.memory_space<semaphore_mem>>)
        %dma_wait3A_49 = tpu.memref_slice %arg2[%multiple_of3A_36] : memref<163840xi32, #tpu.memory_space<hbm>> -> memref<128xi32, #tpu.memory_space<hbm>>
        %dma_wait3A_50 = tpu.memref_slice %arg2[%multiple_of3A_36] : memref<163840xi32, #tpu.memory_space<hbm>> -> memref<128xi32, #tpu.memory_space<hbm>>
        tpu.wait_dma2 semaphore(%run_scoped3A : memref<!tpu.dma_semaphore, #tpu.memory_space<semaphore_mem>>) src(%dma_wait3A_50 : memref<128xi32, #tpu.memory_space<hbm>>) dst(%arg9 : memref<128xi32, #tpu.memory_space<vmem>>)
        tpu.yield
      }) : () -> ()
      "tpu.region"() ({
        %run_scoped3A = tpu.sem_alloc : memref<!tpu.dma_semaphore, #tpu.memory_space<semaphore_mem>>
        %dma_start3A_47 = tpu.memref_slice %arg3[%multiple_of3A_36] : memref<163840xi32, #tpu.memory_space<hbm>> -> memref<128xi32, #tpu.memory_space<hbm>>
        %dma_start3A_48 = tpu.memref_slice %arg3[%multiple_of3A_36] : memref<163840xi32, #tpu.memory_space<hbm>> -> memref<128xi32, #tpu.memory_space<hbm>>
        tpu.enqueue_dma source(%dma_start3A_48 : memref<128xi32, #tpu.memory_space<hbm>>) target(%arg10 : memref<128xi32, #tpu.memory_space<vmem>>) target_semaphore(%run_scoped3A : memref<!tpu.dma_semaphore, #tpu.memory_space<semaphore_mem>>)
        %dma_wait3A_49 = tpu.memref_slice %arg3[%multiple_of3A_36] : memref<163840xi32, #tpu.memory_space<hbm>> -> memref<128xi32, #tpu.memory_space<hbm>>
        %dma_wait3A_50 = tpu.memref_slice %arg3[%multiple_of3A_36] : memref<163840xi32, #tpu.memory_space<hbm>> -> memref<128xi32, #tpu.memory_space<hbm>>
        tpu.wait_dma2 semaphore(%run_scoped3A : memref<!tpu.dma_semaphore, #tpu.memory_space<semaphore_mem>>) src(%dma_wait3A_50 : memref<128xi32, #tpu.memory_space<hbm>>) dst(%arg10 : memref<128xi32, #tpu.memory_space<vmem>>)
        tpu.yield
      }) : () -> ()
      %dma_start3A_39 = arith.constant 0 : i32
      %dma_start3A_40 = arith.constant 0 : i32
      %dma_start3A_41 = tpu.memref_slice %arg4[%dma_start3A_39, %dma_start3A_40] : memref<10000x128xf32, #tpu.memory_space<hbm>> -> memref<10000x128xf32, #tpu.memory_space<hbm>>
      tpu.enqueue_indirect_dma source(%dma_start3A_41 : memref<10000x128xf32, #tpu.memory_space<hbm>>) target(%arg12 : memref<128x128xf32, #tpu.memory_space<vmem>>) offsets(%arg9 : memref<128xi32, #tpu.memory_space<vmem>>) semaphore(%arg15 : memref<!tpu.dma_semaphore, #tpu.memory_space<semaphore_mem>>)
      %dma_wait3A = arith.constant 0 : i32
      %dma_wait3A_42 = arith.constant 0 : i32
      %dma_wait3A_43 = tpu.memref_slice %arg4[%dma_wait3A, %dma_wait3A_42] : memref<10000x128xf32, #tpu.memory_space<hbm>> -> memref<10000x128xf32, #tpu.memory_space<hbm>>
      tpu.wait_indirect_dma semaphore(%arg14 : memref<!tpu.dma_semaphore, #tpu.memory_space<semaphore_mem>>) src(%dma_wait3A_43 : memref<10000x128xf32, #tpu.memory_space<hbm>>) dst(%arg11 : memref<128x128xf32, #tpu.memory_space<vmem>>)
      "tpu.region"() ({
        %run_scoped3A = tpu.sem_alloc : memref<!tpu.dma_semaphore, #tpu.memory_space<semaphore_mem>>
        %dma_start3A_47 = arith.constant 0 : i32
        %dma_start3A_48 = arith.constant 0 : i32
        %dma_start3A_49 = tpu.memref_slice %arg13[%dma_start3A_47, %dma_start3A_48] : memref<10240x128xf32, #tpu.memory_space<vmem_shared>> -> memref<10240x128xf32, #tpu.memory_space<vmem_shared>>
        tpu.enqueue_indirect_dma source(%arg11 : memref<128x128xf32, #tpu.memory_space<vmem>>) target(%dma_start3A_49 : memref<10240x128xf32, #tpu.memory_space<vmem_shared>>) offsets(%arg8 : memref<128xi32, #tpu.memory_space<vmem>>) semaphore(%run_scoped3A : memref<!tpu.dma_semaphore, #tpu.memory_space<semaphore_mem>>) {add = true}
        %dma_wait3A_50 = arith.constant 0 : i32
        %dma_wait3A_51 = arith.constant 0 : i32
        %dma_wait3A_52 = tpu.memref_slice %arg13[%dma_wait3A_50, %dma_wait3A_51] : memref<10240x128xf32, #tpu.memory_space<vmem_shared>> -> memref<10240x128xf32, #tpu.memory_space<vmem_shared>>
        tpu.wait_indirect_dma semaphore(%run_scoped3A : memref<!tpu.dma_semaphore, #tpu.memory_space<semaphore_mem>>) src(%arg11 : memref<128x128xf32, #tpu.memory_space<vmem>>) dst(%dma_wait3A_52 : memref<10240x128xf32, #tpu.memory_space<vmem_shared>>)
        tpu.yield
      }) : () -> ()
      %dma_wait3A_44 = arith.constant 0 : i32
      %dma_wait3A_45 = arith.constant 0 : i32
      %dma_wait3A_46 = tpu.memref_slice %arg4[%dma_wait3A_44, %dma_wait3A_45] : memref<10000x128xf32, #tpu.memory_space<hbm>> -> memref<10000x128xf32, #tpu.memory_space<hbm>>
      tpu.wait_indirect_dma semaphore(%arg15 : memref<!tpu.dma_semaphore, #tpu.memory_space<semaphore_mem>>) src(%dma_wait3A_46 : memref<10000x128xf32, #tpu.memory_space<hbm>>) dst(%arg12 : memref<128x128xf32, #tpu.memory_space<vmem>>)
      "tpu.region"() ({
        %run_scoped3A = tpu.sem_alloc : memref<!tpu.dma_semaphore, #tpu.memory_space<semaphore_mem>>
        %dma_start3A_47 = arith.constant 0 : i32
        %dma_start3A_48 = arith.constant 0 : i32
        %dma_start3A_49 = tpu.memref_slice %arg13[%dma_start3A_47, %dma_start3A_48] : memref<10240x128xf32, #tpu.memory_space<vmem_shared>> -> memref<10240x128xf32, #tpu.memory_space<vmem_shared>>
        tpu.enqueue_indirect_dma source(%arg12 : memref<128x128xf32, #tpu.memory_space<vmem>>) target(%dma_start3A_49 : memref<10240x128xf32, #tpu.memory_space<vmem_shared>>) offsets(%arg10 : memref<128xi32, #tpu.memory_space<vmem>>) semaphore(%run_scoped3A : memref<!tpu.dma_semaphore, #tpu.memory_space<semaphore_mem>>) {add = true}
        %dma_wait3A_50 = arith.constant 0 : i32
        %dma_wait3A_51 = arith.constant 0 : i32
        %dma_wait3A_52 = tpu.memref_slice %arg13[%dma_wait3A_50, %dma_wait3A_51] : memref<10240x128xf32, #tpu.memory_space<vmem_shared>> -> memref<10240x128xf32, #tpu.memory_space<vmem_shared>>
        tpu.wait_indirect_dma semaphore(%run_scoped3A : memref<!tpu.dma_semaphore, #tpu.memory_space<semaphore_mem>>) src(%arg12 : memref<128x128xf32, #tpu.memory_space<vmem>>) dst(%dma_wait3A_52 : memref<10240x128xf32, #tpu.memory_space<vmem_shared>>)
        tpu.yield
      }) : () -> ()
    }
    %scan3A_11 = arith.constant 20 : i32
    %barrier3A_12 = arith.constant 0 : index
    tpu.barrier barrier_id(%barrier3A_12)
    %mul3A_13 = arith.constant 640 : i32
    %mul3A_14 = arith.muli %arg1, %mul3A_13 : i32
    %multiple_of3A_15 = tpu.assume_multiple %mul3A_14, 8 : i32
    %lt3A = arith.constant 15 : i32
    %lt3A_16 = arith.cmpi slt, %arg1, %lt3A : i32
    %convert_element_type3A = arith.extui %lt3A_16 : i1 to i32
    %cond3A = arith.constant 0 : i32
    %cond3A_17 = arith.cmpi ne, %convert_element_type3A, %cond3A : i32
    scf.if %cond3A_17 {
      "tpu.region"() ({
        %run_scoped3A = tpu.sem_alloc : memref<!tpu.dma_semaphore, #tpu.memory_space<semaphore_mem>>
        %dma_start3A = arith.constant 0 : i32
        %dma_start3A_22 = tpu.memref_slice %arg6[%arg0, %multiple_of3A_15, %dma_start3A] : memref<2x10000x128xf32, #tpu.memory_space<hbm>> -> memref<1x640x128xf32, #tpu.memory_space<hbm>>
        %dma_start3A_23 = tpu.memref_squeeze %dma_start3A_22 : memref<1x640x128xf32, #tpu.memory_space<hbm>> -> memref<640x128xf32, #tpu.memory_space<hbm>>
        %dma_start3A_24 = arith.constant 0 : i32
        %dma_start3A_25 = tpu.memref_slice %arg13[%multiple_of3A_15, %dma_start3A_24] : memref<10240x128xf32, #tpu.memory_space<vmem_shared>> -> memref<640x128xf32, #tpu.memory_space<vmem_shared>>
        tpu.enqueue_dma source(%dma_start3A_25 : memref<640x128xf32, #tpu.memory_space<vmem_shared>>) target(%dma_start3A_23 : memref<640x128xf32, #tpu.memory_space<hbm>>) target_semaphore(%run_scoped3A : memref<!tpu.dma_semaphore, #tpu.memory_space<semaphore_mem>>)
        %dma_wait3A = arith.constant 0 : i32
        %dma_wait3A_26 = tpu.memref_slice %arg6[%arg0, %multiple_of3A_15, %dma_wait3A] : memref<2x10000x128xf32, #tpu.memory_space<hbm>> -> memref<1x640x128xf32, #tpu.memory_space<hbm>>
        %dma_wait3A_27 = tpu.memref_squeeze %dma_wait3A_26 : memref<1x640x128xf32, #tpu.memory_space<hbm>> -> memref<640x128xf32, #tpu.memory_space<hbm>>
        %dma_wait3A_28 = arith.constant 0 : i32
        %dma_wait3A_29 = tpu.memref_slice %arg13[%multiple_of3A_15, %dma_wait3A_28] : memref<10240x128xf32, #tpu.memory_space<vmem_shared>> -> memref<640x128xf32, #tpu.memory_space<vmem_shared>>
        tpu.wait_dma2 semaphore(%run_scoped3A : memref<!tpu.dma_semaphore, #tpu.memory_space<semaphore_mem>>) src(%dma_wait3A_29 : memref<640x128xf32, #tpu.memory_space<vmem_shared>>) dst(%dma_wait3A_27 : memref<640x128xf32, #tpu.memory_space<hbm>>)
        tpu.yield
      }) : () -> ()
    } else {
    }
    %eq3A = arith.constant 15 : i32
    %eq3A_18 = arith.cmpi eq, %arg1, %eq3A : i32
    %convert_element_type3A_19 = arith.extui %eq3A_18 : i1 to i32
    %cond3A_20 = arith.constant 0 : i32
    %cond3A_21 = arith.cmpi ne, %convert_element_type3A_19, %cond3A_20 : i32
    scf.if %cond3A_21 {
      "tpu.region"() ({
        %run_scoped3A = tpu.sem_alloc : memref<!tpu.dma_semaphore, #tpu.memory_space<semaphore_mem>>
        %dma_start3A = arith.constant 0 : i32
        %dma_start3A_22 = tpu.memref_slice %arg6[%arg0, %multiple_of3A_15, %dma_start3A] : memref<2x10000x128xf32, #tpu.memory_space<hbm>> -> memref<1x400x128xf32, #tpu.memory_space<hbm>>
        %dma_start3A_23 = tpu.memref_squeeze %dma_start3A_22 : memref<1x400x128xf32, #tpu.memory_space<hbm>> -> memref<400x128xf32, #tpu.memory_space<hbm>>
        %dma_start3A_24 = arith.constant 0 : i32
        %dma_start3A_25 = tpu.memref_slice %arg13[%multiple_of3A_15, %dma_start3A_24] : memref<10240x128xf32, #tpu.memory_space<vmem_shared>> -> memref<400x128xf32, #tpu.memory_space<vmem_shared>>
        tpu.enqueue_dma source(%dma_start3A_25 : memref<400x128xf32, #tpu.memory_space<vmem_shared>>) target(%dma_start3A_23 : memref<400x128xf32, #tpu.memory_space<hbm>>) target_semaphore(%run_scoped3A : memref<!tpu.dma_semaphore, #tpu.memory_space<semaphore_mem>>)
        %dma_wait3A = arith.constant 0 : i32
        %dma_wait3A_26 = tpu.memref_slice %arg6[%arg0, %multiple_of3A_15, %dma_wait3A] : memref<2x10000x128xf32, #tpu.memory_space<hbm>> -> memref<1x400x128xf32, #tpu.memory_space<hbm>>
        %dma_wait3A_27 = tpu.memref_squeeze %dma_wait3A_26 : memref<1x400x128xf32, #tpu.memory_space<hbm>> -> memref<400x128xf32, #tpu.memory_space<hbm>>
        %dma_wait3A_28 = arith.constant 0 : i32
        %dma_wait3A_29 = tpu.memref_slice %arg13[%multiple_of3A_15, %dma_wait3A_28] : memref<10240x128xf32, #tpu.memory_space<vmem_shared>> -> memref<400x128xf32, #tpu.memory_space<vmem_shared>>
        tpu.wait_dma2 semaphore(%run_scoped3A : memref<!tpu.dma_semaphore, #tpu.memory_space<semaphore_mem>>) src(%dma_wait3A_29 : memref<400x128xf32, #tpu.memory_space<vmem_shared>>) dst(%dma_wait3A_27 : memref<400x128xf32, #tpu.memory_space<hbm>>)
        tpu.yield
      }) : () -> ()
    } else {
    }
    return
  }
}

#map = affine_map<(d0, d1) -> (0)>
#map1 = affine_map<(d0, d1) -> (0, 0)>
#map2 = affine_map<(d0, d1) -> (0, 0, 0)>
module attributes {stable_mosaic.version = 14 : i64} {
  func.func @k(%arg0: i32, %arg1: i32, %arg2: memref<163840xi32, #tpu.memory_space<hbm>>, %arg3: memref<163840xi32, #tpu.memory_space<hbm>>, %arg4: memref<10000x128xf32, #tpu.memory_space<hbm>>, %arg5: memref<640x128xf32, #tpu.memory_space<hbm>>, %arg6: memref<2x10000x128xf32, #tpu.memory_space<hbm>>, %arg7: memref<128xi32, #tpu.memory_space<vmem>>, %arg8: memref<128xi32, #tpu.memory_space<vmem>>, %arg9: memref<128xi32, #tpu.memory_space<vmem>>, %arg10: memref<128xi32, #tpu.memory_space<vmem>>, %arg11: memref<128x128xf32, #tpu.memory_space<vmem>>, %arg12: memref<128x128xf32, #tpu.memory_space<vmem>>, %arg13: memref<10240x128xf32, #tpu.memory_space<vmem_shared>>, %arg14: memref<!tpu.dma_semaphore, #tpu.memory_space<semaphore_mem>>, %arg15: memref<!tpu.dma_semaphore, #tpu.memory_space<semaphore_mem>>) attributes {dimension_semantics = [#tpu.dimension_semantics<core_parallel>, #tpu.dimension_semantics<subcore_parallel>], iteration_bounds = array<i64: 2, 16>, scalar_prefetch = 0 : i64, scratch_operands = 9 : i64, tpu.core_type = #tpu.core_type<sc_vector_subcore>, window_params = [{transform_indices = #map}, {transform_indices = #map}, {transform_indices = #map1}, {transform_indices = #map1}, {transform_indices = #map2}]} {
    %mul3A = arith.constant 640 : i32
    %mul3A_0 = arith.muli %arg1, %mul3A : i32
    %multiple_of3A = tpu.assume_multiple %mul3A_0, 8 : i32
    "tpu.region"() ({
      %run_scoped3A = tpu.sem_alloc : memref<!tpu.dma_semaphore, #tpu.memory_space<semaphore_mem>>
      %dma_start3A = arith.constant 0 : i32
      %dma_start3A_22 = tpu.memref_slice %arg13[%multiple_of3A, %dma_start3A] : memref<10240x128xf32, #tpu.memory_space<vmem_shared>> -> memref<640x128xf32, #tpu.memory_space<vmem_shared>>
      tpu.enqueue_dma source(%arg5 : memref<640x128xf32, #tpu.memory_space<hbm>>) target(%dma_start3A_22 : memref<640x128xf32, #tpu.memory_space<vmem_shared>>) target_semaphore(%run_scoped3A : memref<!tpu.dma_semaphore, #tpu.memory_space<semaphore_mem>>)
      %dma_wait3A = arith.constant 0 : i32
      %dma_wait3A_23 = tpu.memref_slice %arg13[%multiple_of3A, %dma_wait3A] : memref<10240x128xf32, #tpu.memory_space<vmem_shared>> -> memref<640x128xf32, #tpu.memory_space<vmem_shared>>
      tpu.wait_dma2 semaphore(%run_scoped3A : memref<!tpu.dma_semaphore, #tpu.memory_space<semaphore_mem>>) src(%arg5 : memref<640x128xf32, #tpu.memory_space<hbm>>) dst(%dma_wait3A_23 : memref<640x128xf32, #tpu.memory_space<vmem_shared>>)
      tpu.yield
    }) : () -> ()
    %barrier3A = arith.constant 0 : index
    tpu.barrier barrier_id(%barrier3A)
    %mul3A_1 = arith.constant 640 : i32
    %mul3A_2 = arith.muli %arg0, %mul3A_1 : i32
    %mul3A_3 = arith.constant 40 : i32
    %mul3A_4 = arith.muli %arg1, %mul3A_3 : i32
    %add3A = arith.addi %mul3A_2, %mul3A_4 : i32
    %mul3A_5 = arith.constant 128 : i32
    %mul3A_6 = arith.muli %add3A, %mul3A_5 : i32
    %scan3A = arith.constant 0 : i32
    %scan3A_7 = arith.constant 0 : i32
    %scan3A_8 = arith.constant 20 : i32
    %scan3A_9 = arith.addi %scan3A_7, %scan3A_8 : i32
    %scan3A_10 = arith.constant 1 : i32
    scf.for %scan3A_22 = %scan3A_7 to %scan3A_9 step %scan3A_10  : i32 {
      %mul3A_23 = arith.constant 2 : i32
      %mul3A_24 = arith.muli %mul3A_23, %scan3A_22 : i32
      %mul3A_25 = arith.constant 128 : i32
      %mul3A_26 = arith.muli %mul3A_24, %mul3A_25 : i32
      %add3A_27 = arith.addi %mul3A_6, %mul3A_26 : i32
      %multiple_of3A_28 = tpu.assume_multiple %add3A_27, 128 : i32
      %mul3A_29 = arith.constant 2 : i32
      %mul3A_30 = arith.muli %mul3A_29, %scan3A_22 : i32
      %add3A_31 = arith.constant 1 : i32
      %add3A_32 = arith.addi %mul3A_30, %add3A_31 : i32
      %mul3A_33 = arith.constant 128 : i32
      %mul3A_34 = arith.muli %add3A_32, %mul3A_33 : i32
      %add3A_35 = arith.addi %mul3A_6, %mul3A_34 : i32
      %multiple_of3A_36 = tpu.assume_multiple %add3A_35, 128 : i32
      "tpu.region"() ({
        %run_scoped3A = tpu.sem_alloc : memref<!tpu.dma_semaphore, #tpu.memory_space<semaphore_mem>>
        %dma_start3A_47 = tpu.memref_slice %arg2[%multiple_of3A_28] : memref<163840xi32, #tpu.memory_space<hbm>> -> memref<128xi32, #tpu.memory_space<hbm>>
        %dma_start3A_48 = tpu.memref_slice %arg2[%multiple_of3A_28] : memref<163840xi32, #tpu.memory_space<hbm>> -> memref<128xi32, #tpu.memory_space<hbm>>
        tpu.enqueue_dma source(%dma_start3A_48 : memref<128xi32, #tpu.memory_space<hbm>>) target(%arg7 : memref<128xi32, #tpu.memory_space<vmem>>) target_semaphore(%run_scoped3A : memref<!tpu.dma_semaphore, #tpu.memory_space<semaphore_mem>>)
        %dma_wait3A_49 = tpu.memref_slice %arg2[%multiple_of3A_28] : memref<163840xi32, #tpu.memory_space<hbm>> -> memref<128xi32, #tpu.memory_space<hbm>>
        %dma_wait3A_50 = tpu.memref_slice %arg2[%multiple_of3A_28] : memref<163840xi32, #tpu.memory_space<hbm>> -> memref<128xi32, #tpu.memory_space<hbm>>
        tpu.wait_dma2 semaphore(%run_scoped3A : memref<!tpu.dma_semaphore, #tpu.memory_space<semaphore_mem>>) src(%dma_wait3A_50 : memref<128xi32, #tpu.memory_space<hbm>>) dst(%arg7 : memref<128xi32, #tpu.memory_space<vmem>>)
        tpu.yield
      }) : () -> ()
      "tpu.region"() ({
        %run_scoped3A = tpu.sem_alloc : memref<!tpu.dma_semaphore, #tpu.memory_space<semaphore_mem>>
        %dma_start3A_47 = tpu.memref_slice %arg3[%multiple_of3A_28] : memref<163840xi32, #tpu.memory_space<hbm>> -> memref<128xi32, #tpu.memory_space<hbm>>
        %dma_start3A_48 = tpu.memref_slice %arg3[%multiple_of3A_28] : memref<163840xi32, #tpu.memory_space<hbm>> -> memref<128xi32, #tpu.memory_space<hbm>>
        tpu.enqueue_dma source(%dma_start3A_48 : memref<128xi32, #tpu.memory_space<hbm>>) target(%arg8 : memref<128xi32, #tpu.memory_space<vmem>>) target_semaphore(%run_scoped3A : memref<!tpu.dma_semaphore, #tpu.memory_space<semaphore_mem>>)
        %dma_wait3A_49 = tpu.memref_slice %arg3[%multiple_of3A_28] : memref<163840xi32, #tpu.memory_space<hbm>> -> memref<128xi32, #tpu.memory_space<hbm>>
        %dma_wait3A_50 = tpu.memref_slice %arg3[%multiple_of3A_28] : memref<163840xi32, #tpu.memory_space<hbm>> -> memref<128xi32, #tpu.memory_space<hbm>>
        tpu.wait_dma2 semaphore(%run_scoped3A : memref<!tpu.dma_semaphore, #tpu.memory_space<semaphore_mem>>) src(%dma_wait3A_50 : memref<128xi32, #tpu.memory_space<hbm>>) dst(%arg8 : memref<128xi32, #tpu.memory_space<vmem>>)
        tpu.yield
      }) : () -> ()
      %dma_start3A = arith.constant 0 : i32
      %dma_start3A_37 = arith.constant 0 : i32
      %dma_start3A_38 = tpu.memref_slice %arg4[%dma_start3A, %dma_start3A_37] : memref<10000x128xf32, #tpu.memory_space<hbm>> -> memref<10000x128xf32, #tpu.memory_space<hbm>>
      tpu.enqueue_indirect_dma source(%dma_start3A_38 : memref<10000x128xf32, #tpu.memory_space<hbm>>) target(%arg11 : memref<128x128xf32, #tpu.memory_space<vmem>>) offsets(%arg7 : memref<128xi32, #tpu.memory_space<vmem>>) semaphore(%arg14 : memref<!tpu.dma_semaphore, #tpu.memory_space<semaphore_mem>>)
      "tpu.region"() ({
        %run_scoped3A = tpu.sem_alloc : memref<!tpu.dma_semaphore, #tpu.memory_space<semaphore_mem>>
        %dma_start3A_47 = tpu.memref_slice %arg2[%multiple_of3A_36] : memref<163840xi32, #tpu.memory_space<hbm>> -> memref<128xi32, #tpu.memory_space<hbm>>
        %dma_start3A_48 = tpu.memref_slice %arg2[%multiple_of3A_36] : memref<163840xi32, #tpu.memory_space<hbm>> -> memref<128xi32, #tpu.memory_space<hbm>>
        tpu.enqueue_dma source(%dma_start3A_48 : memref<128xi32, #tpu.memory_space<hbm>>) target(%arg9 : memref<128xi32, #tpu.memory_space<vmem>>) target_semaphore(%run_scoped3A : memref<!tpu.dma_semaphore, #tpu.memory_space<semaphore_mem>>)
        %dma_wait3A_49 = tpu.memref_slice %arg2[%multiple_of3A_36] : memref<163840xi32, #tpu.memory_space<hbm>> -> memref<128xi32, #tpu.memory_space<hbm>>
        %dma_wait3A_50 = tpu.memref_slice %arg2[%multiple_of3A_36] : memref<163840xi32, #tpu.memory_space<hbm>> -> memref<128xi32, #tpu.memory_space<hbm>>
        tpu.wait_dma2 semaphore(%run_scoped3A : memref<!tpu.dma_semaphore, #tpu.memory_space<semaphore_mem>>) src(%dma_wait3A_50 : memref<128xi32, #tpu.memory_space<hbm>>) dst(%arg9 : memref<128xi32, #tpu.memory_space<vmem>>)
        tpu.yield
      }) : () -> ()
      "tpu.region"() ({
        %run_scoped3A = tpu.sem_alloc : memref<!tpu.dma_semaphore, #tpu.memory_space<semaphore_mem>>
        %dma_start3A_47 = tpu.memref_slice %arg3[%multiple_of3A_36] : memref<163840xi32, #tpu.memory_space<hbm>> -> memref<128xi32, #tpu.memory_space<hbm>>
        %dma_start3A_48 = tpu.memref_slice %arg3[%multiple_of3A_36] : memref<163840xi32, #tpu.memory_space<hbm>> -> memref<128xi32, #tpu.memory_space<hbm>>
        tpu.enqueue_dma source(%dma_start3A_48 : memref<128xi32, #tpu.memory_space<hbm>>) target(%arg10 : memref<128xi32, #tpu.memory_space<vmem>>) target_semaphore(%run_scoped3A : memref<!tpu.dma_semaphore, #tpu.memory_space<semaphore_mem>>)
        %dma_wait3A_49 = tpu.memref_slice %arg3[%multiple_of3A_36] : memref<163840xi32, #tpu.memory_space<hbm>> -> memref<128xi32, #tpu.memory_space<hbm>>
        %dma_wait3A_50 = tpu.memref_slice %arg3[%multiple_of3A_36] : memref<163840xi32, #tpu.memory_space<hbm>> -> memref<128xi32, #tpu.memory_space<hbm>>
        tpu.wait_dma2 semaphore(%run_scoped3A : memref<!tpu.dma_semaphore, #tpu.memory_space<semaphore_mem>>) src(%dma_wait3A_50 : memref<128xi32, #tpu.memory_space<hbm>>) dst(%arg10 : memref<128xi32, #tpu.memory_space<vmem>>)
        tpu.yield
      }) : () -> ()
      %dma_start3A_39 = arith.constant 0 : i32
      %dma_start3A_40 = arith.constant 0 : i32
      %dma_start3A_41 = tpu.memref_slice %arg4[%dma_start3A_39, %dma_start3A_40] : memref<10000x128xf32, #tpu.memory_space<hbm>> -> memref<10000x128xf32, #tpu.memory_space<hbm>>
      tpu.enqueue_indirect_dma source(%dma_start3A_41 : memref<10000x128xf32, #tpu.memory_space<hbm>>) target(%arg12 : memref<128x128xf32, #tpu.memory_space<vmem>>) offsets(%arg9 : memref<128xi32, #tpu.memory_space<vmem>>) semaphore(%arg15 : memref<!tpu.dma_semaphore, #tpu.memory_space<semaphore_mem>>)
      %dma_wait3A = arith.constant 0 : i32
      %dma_wait3A_42 = arith.constant 0 : i32
      %dma_wait3A_43 = tpu.memref_slice %arg4[%dma_wait3A, %dma_wait3A_42] : memref<10000x128xf32, #tpu.memory_space<hbm>> -> memref<10000x128xf32, #tpu.memory_space<hbm>>
      tpu.wait_indirect_dma semaphore(%arg14 : memref<!tpu.dma_semaphore, #tpu.memory_space<semaphore_mem>>) src(%dma_wait3A_43 : memref<10000x128xf32, #tpu.memory_space<hbm>>) dst(%arg11 : memref<128x128xf32, #tpu.memory_space<vmem>>)
      "tpu.region"() ({
        %run_scoped3A = tpu.sem_alloc : memref<!tpu.dma_semaphore, #tpu.memory_space<semaphore_mem>>
        %dma_start3A_47 = arith.constant 0 : i32
        %dma_start3A_48 = arith.constant 0 : i32
        %dma_start3A_49 = tpu.memref_slice %arg13[%dma_start3A_47, %dma_start3A_48] : memref<10240x128xf32, #tpu.memory_space<vmem_shared>> -> memref<10240x128xf32, #tpu.memory_space<vmem_shared>>
        tpu.enqueue_indirect_dma source(%arg11 : memref<128x128xf32, #tpu.memory_space<vmem>>) target(%dma_start3A_49 : memref<10240x128xf32, #tpu.memory_space<vmem_shared>>) offsets(%arg8 : memref<128xi32, #tpu.memory_space<vmem>>) semaphore(%run_scoped3A : memref<!tpu.dma_semaphore, #tpu.memory_space<semaphore_mem>>) {add = true}
        %dma_wait3A_50 = arith.constant 0 : i32
        %dma_wait3A_51 = arith.constant 0 : i32
        %dma_wait3A_52 = tpu.memref_slice %arg13[%dma_wait3A_50, %dma_wait3A_51] : memref<10240x128xf32, #tpu.memory_space<vmem_shared>> -> memref<10240x128xf32, #tpu.memory_space<vmem_shared>>
        tpu.wait_indirect_dma semaphore(%run_scoped3A : memref<!tpu.dma_semaphore, #tpu.memory_space<semaphore_mem>>) src(%arg11 : memref<128x128xf32, #tpu.memory_space<vmem>>) dst(%dma_wait3A_52 : memref<10240x128xf32, #tpu.memory_space<vmem_shared>>)
        tpu.yield
      }) : () -> ()
      %dma_wait3A_44 = arith.constant 0 : i32
      %dma_wait3A_45 = arith.constant 0 : i32
      %dma_wait3A_46 = tpu.memref_slice %arg4[%dma_wait3A_44, %dma_wait3A_45] : memref<10000x128xf32, #tpu.memory_space<hbm>> -> memref<10000x128xf32, #tpu.memory_space<hbm>>
      tpu.wait_indirect_dma semaphore(%arg15 : memref<!tpu.dma_semaphore, #tpu.memory_space<semaphore_mem>>) src(%dma_wait3A_46 : memref<10000x128xf32, #tpu.memory_space<hbm>>) dst(%arg12 : memref<128x128xf32, #tpu.memory_space<vmem>>)
      "tpu.region"() ({
        %run_scoped3A = tpu.sem_alloc : memref<!tpu.dma_semaphore, #tpu.memory_space<semaphore_mem>>
        %dma_start3A_47 = arith.constant 0 : i32
        %dma_start3A_48 = arith.constant 0 : i32
        %dma_start3A_49 = tpu.memref_slice %arg13[%dma_start3A_47, %dma_start3A_48] : memref<10240x128xf32, #tpu.memory_space<vmem_shared>> -> memref<10240x128xf32, #tpu.memory_space<vmem_shared>>
        tpu.enqueue_indirect_dma source(%arg12 : memref<128x128xf32, #tpu.memory_space<vmem>>) target(%dma_start3A_49 : memref<10240x128xf32, #tpu.memory_space<vmem_shared>>) offsets(%arg10 : memref<128xi32, #tpu.memory_space<vmem>>) semaphore(%run_scoped3A : memref<!tpu.dma_semaphore, #tpu.memory_space<semaphore_mem>>) {add = true}
        %dma_wait3A_50 = arith.constant 0 : i32
        %dma_wait3A_51 = arith.constant 0 : i32
        %dma_wait3A_52 = tpu.memref_slice %arg13[%dma_wait3A_50, %dma_wait3A_51] : memref<10240x128xf32, #tpu.memory_space<vmem_shared>> -> memref<10240x128xf32, #tpu.memory_space<vmem_shared>>
        tpu.wait_indirect_dma semaphore(%run_scoped3A : memref<!tpu.dma_semaphore, #tpu.memory_space<semaphore_mem>>) src(%arg12 : memref<128x128xf32, #tpu.memory_space<vmem>>) dst(%dma_wait3A_52 : memref<10240x128xf32, #tpu.memory_space<vmem_shared>>)
        tpu.yield
      }) : () -> ()
    }
    %scan3A_11 = arith.constant 20 : i32
    %barrier3A_12 = arith.constant 0 : index
    tpu.barrier barrier_id(%barrier3A_12)
    %mul3A_13 = arith.constant 640 : i32
    %mul3A_14 = arith.muli %arg1, %mul3A_13 : i32
    %multiple_of3A_15 = tpu.assume_multiple %mul3A_14, 8 : i32
    %lt3A = arith.constant 15 : i32
    %lt3A_16 = arith.cmpi slt, %arg1, %lt3A : i32
    %convert_element_type3A = arith.extui %lt3A_16 : i1 to i32
    %cond3A = arith.constant 0 : i32
    %cond3A_17 = arith.cmpi ne, %convert_element_type3A, %cond3A : i32
    scf.if %cond3A_17 {
      "tpu.region"() ({
        %run_scoped3A = tpu.sem_alloc : memref<!tpu.dma_semaphore, #tpu.memory_space<semaphore_mem>>
        %dma_start3A = arith.constant 0 : i32
        %dma_start3A_22 = tpu.memref_slice %arg6[%arg0, %multiple_of3A_15, %dma_start3A] : memref<2x10000x128xf32, #tpu.memory_space<hbm>> -> memref<1x640x128xf32, #tpu.memory_space<hbm>>
        %dma_start3A_23 = tpu.memref_squeeze %dma_start3A_22 : memref<1x640x128xf32, #tpu.memory_space<hbm>> -> memref<640x128xf32, #tpu.memory_space<hbm>>
        %dma_start3A_24 = arith.constant 0 : i32
        %dma_start3A_25 = tpu.memref_slice %arg13[%multiple_of3A_15, %dma_start3A_24] : memref<10240x128xf32, #tpu.memory_space<vmem_shared>> -> memref<640x128xf32, #tpu.memory_space<vmem_shared>>
        tpu.enqueue_dma source(%dma_start3A_25 : memref<640x128xf32, #tpu.memory_space<vmem_shared>>) target(%dma_start3A_23 : memref<640x128xf32, #tpu.memory_space<hbm>>) target_semaphore(%run_scoped3A : memref<!tpu.dma_semaphore, #tpu.memory_space<semaphore_mem>>)
        %dma_wait3A = arith.constant 0 : i32
        %dma_wait3A_26 = tpu.memref_slice %arg6[%arg0, %multiple_of3A_15, %dma_wait3A] : memref<2x10000x128xf32, #tpu.memory_space<hbm>> -> memref<1x640x128xf32, #tpu.memory_space<hbm>>
        %dma_wait3A_27 = tpu.memref_squeeze %dma_wait3A_26 : memref<1x640x128xf32, #tpu.memory_space<hbm>> -> memref<640x128xf32, #tpu.memory_space<hbm>>
        %dma_wait3A_28 = arith.constant 0 : i32
        %dma_wait3A_29 = tpu.memref_slice %arg13[%multiple_of3A_15, %dma_wait3A_28] : memref<10240x128xf32, #tpu.memory_space<vmem_shared>> -> memref<640x128xf32, #tpu.memory_space<vmem_shared>>
        tpu.wait_dma2 semaphore(%run_scoped3A : memref<!tpu.dma_semaphore, #tpu.memory_space<semaphore_mem>>) src(%dma_wait3A_29 : memref<640x128xf32, #tpu.memory_space<vmem_shared>>) dst(%dma_wait3A_27 : memref<640x128xf32, #tpu.memory_space<hbm>>)
        tpu.yield
      }) : () -> ()
    } else {
    }
    %eq3A = arith.constant 15 : i32
    %eq3A_18 = arith.cmpi eq, %arg1, %eq3A : i32
    %convert_element_type3A_19 = arith.extui %eq3A_18 : i1 to i32
    %cond3A_20 = arith.constant 0 : i32
    %cond3A_21 = arith.cmpi ne, %convert_element_type3A_19, %cond3A_20 : i32
    scf.if %cond3A_21 {
      "tpu.region"() ({
        %run_scoped3A = tpu.sem_alloc : memref<!tpu.dma_semaphore, #tpu.memory_space<semaphore_mem>>
        %dma_start3A = arith.constant 0 : i32
        %dma_start3A_22 = tpu.memref_slice %arg6[%arg0, %multiple_of3A_15, %dma_start3A] : memref<2x10000x128xf32, #tpu.memory_space<hbm>> -> memref<1x400x128xf32, #tpu.memory_space<hbm>>
        %dma_start3A_23 = tpu.memref_squeeze %dma_start3A_22 : memref<1x400x128xf32, #tpu.memory_space<hbm>> -> memref<400x128xf32, #tpu.memory_space<hbm>>
        %dma_start3A_24 = arith.constant 0 : i32
        %dma_start3A_25 = tpu.memref_slice %arg13[%multiple_of3A_15, %dma_start3A_24] : memref<10240x128xf32, #tpu.memory_space<vmem_shared>> -> memref<400x128xf32, #tpu.memory_space<vmem_shared>>
        tpu.enqueue_dma source(%dma_start3A_25 : memref<400x128xf32, #tpu.memory_space<vmem_shared>>) target(%dma_start3A_23 : memref<400x128xf32, #tpu.memory_space<hbm>>) target_semaphore(%run_scoped3A : memref<!tpu.dma_semaphore, #tpu.memory_space<semaphore_mem>>)
        %dma_wait3A = arith.constant 0 : i32
        %dma_wait3A_26 = tpu.memref_slice %arg6[%arg0, %multiple_of3A_15, %dma_wait3A] : memref<2x10000x128xf32, #tpu.memory_space<hbm>> -> memref<1x400x128xf32, #tpu.memory_space<hbm>>
        %dma_wait3A_27 = tpu.memref_squeeze %dma_wait3A_26 : memref<1x400x128xf32, #tpu.memory_space<hbm>> -> memref<400x128xf32, #tpu.memory_space<hbm>>
        %dma_wait3A_28 = arith.constant 0 : i32
        %dma_wait3A_29 = tpu.memref_slice %arg13[%multiple_of3A_15, %dma_wait3A_28] : memref<10240x128xf32, #tpu.memory_space<vmem_shared>> -> memref<400x128xf32, #tpu.memory_space<vmem_shared>>
        tpu.wait_dma2 semaphore(%run_scoped3A : memref<!tpu.dma_semaphore, #tpu.memory_space<semaphore_mem>>) src(%dma_wait3A_29 : memref<400x128xf32, #tpu.memory_space<vmem_shared>>) dst(%dma_wait3A_27 : memref<400x128xf32, #tpu.memory_space<hbm>>)
        tpu.yield
      }) : () -> ()
    } else {
    }
    return
  }
}

module attributes {stable_mosaic.version = 14 : i64} {
  func.func @body(%arg0: i32, %arg1: memref<2x10000x128xf32, #tpu.memory_space<vmem>>, %arg2: memref<10000x128xf32, #tpu.memory_space<vmem>>, %arg3: memref<10000x1xf32, #tpu.memory_space<vmem>>, %arg4: memref<1x128xf32, #tpu.memory_space<vmem>>, %arg5: memref<128x64xf32, #tpu.memory_space<vmem>>, %arg6: memref<10000x128xf32, #tpu.memory_space<vmem>>) attributes {dimension_semantics = [#tpu.dimension_semantics<arbitrary>], iteration_bounds = array<i64: 1>, scalar_prefetch = 0 : i64, scratch_operands = 0 : i64, tpu.core_type = #tpu.core_type<tc>, window_params = [{transform_indices = @transform_0, window_bounds = array<i64: 2, 10000, 128>}, {transform_indices = @transform_1, window_bounds = array<i64: 10000, 128>}, {transform_indices = @transform_2, window_bounds = array<i64: 10000, 1>}, {pipeline_mode = #tpu.pipeline_mode<synchronous>, transform_indices = @transform_3, window_bounds = array<i64: 1, 128>}, {pipeline_mode = #tpu.pipeline_mode<synchronous>, transform_indices = @transform_4, window_bounds = array<i64: 128, 64>}, {transform_indices = @transform_5, window_bounds = array<i64: 10000, 128>}]} {
    %get3A = arith.constant 0 : index
    %get3A_0 = arith.constant 0 : index
    %get3A_1 = vector.load %arg3[%get3A, %get3A_0] : memref<10000x1xf32, #tpu.memory_space<vmem>>, vector<10000x1xf32>
    %get3A_2 = arith.constant 0 : index
    %get3A_3 = arith.constant 0 : index
    %get3A_4 = arith.constant 0 : index
    %get3A_5 = vector.load %arg1[%get3A_2, %get3A_3, %get3A_4] : memref<2x10000x128xf32, #tpu.memory_space<vmem>>, vector<1x10000x128xf32>
    %get3A_6 = vector.shape_cast %get3A_5 : vector<1x10000x128xf32> to vector<10000x128xf32>
    %get3A_7 = arith.constant 1 : index
    %get3A_8 = arith.constant 0 : index
    %get3A_9 = arith.constant 0 : index
    %get3A_10 = vector.load %arg1[%get3A_7, %get3A_8, %get3A_9] : memref<2x10000x128xf32, #tpu.memory_space<vmem>>, vector<1x10000x128xf32>
    %get3A_11 = vector.shape_cast %get3A_10 : vector<1x10000x128xf32> to vector<10000x128xf32>
    %add3A = arith.addf %get3A_6, %get3A_11 : vector<10000x128xf32>
    %get3A_12 = arith.constant 0 : index
    %get3A_13 = arith.constant 0 : index
    %get3A_14 = vector.load %arg2[%get3A_12, %get3A_13] : memref<10000x128xf32, #tpu.memory_space<vmem>>, vector<10000x128xf32>
    %add3A_15 = arith.addf %add3A, %get3A_14 : vector<10000x128xf32>
    %mul3A = vector.broadcast %get3A_1 : vector<10000x1xf32> to vector<10000x128xf32>
    %mul3A_16 = arith.mulf %mul3A, %add3A_15 : vector<10000x128xf32>
    %get3A_17 = arith.constant 0 : index
    %get3A_18 = arith.constant 0 : index
    %get3A_19 = vector.load %arg4[%get3A_17, %get3A_18] : memref<1x128xf32, #tpu.memory_space<vmem>>, vector<1x128xf32>
    %add3A_20 = vector.broadcast %get3A_19 : vector<1x128xf32> to vector<10000x128xf32>
    %add3A_21 = arith.addf %mul3A_16, %add3A_20 : vector<10000x128xf32>
    %max3A = arith.constant 0.000000e+00 : f32
    %max3A_22 = vector.broadcast %max3A : f32 to vector<10000x128xf32>
    %max3A_23 = arith.maximumf %add3A_21, %max3A_22 : vector<10000x128xf32>
    %get3A_24 = arith.constant 0 : index
    %get3A_25 = arith.constant 0 : index
    %get3A_26 = vector.load %arg5[%get3A_24, %get3A_25] : memref<128x64xf32, #tpu.memory_space<vmem>>, vector<128x64xf32>
    %dot_general3A = arith.constant dense<0.000000e+00> : vector<10000x64xf32>
    %dot_general3A_27 = tpu.matmul %max3A_23, %get3A_26, %dot_general3A {dimension_numbers = #tpu.dot_dimension_numbers<[1], [0], [0], [1], [0, 0, 1, 1], [], []>, transpose_lhs_hint = false} : vector<10000x128xf32>, vector<128x64xf32>, vector<10000x64xf32> -> vector<10000x64xf32>
    %mul3A_28 = vector.broadcast %get3A_1 : vector<10000x1xf32> to vector<10000x64xf32>
    %mul3A_29 = arith.mulf %mul3A_28, %dot_general3A_27 : vector<10000x64xf32>
    %broadcast_in_dim3A = arith.constant 0.000000e+00 : f32
    %broadcast_in_dim3A_30 = vector.broadcast %broadcast_in_dim3A : f32 to vector<10000x64xf32>
    %concatenate3A = tpu.concatenate %mul3A_29, %broadcast_in_dim3A_30 in 1 : vector<10000x64xf32>, vector<10000x64xf32> -> vector<10000x128xf32>
    %swap3A = arith.constant 0 : index
    %swap3A_31 = arith.constant 0 : index
    %swap3A_32 = vector.load %arg6[%swap3A, %swap3A_31] : memref<10000x128xf32, #tpu.memory_space<vmem>>, vector<10000x128xf32>
    tpu.vector_store %arg6[%swap3A, %swap3A_31], %concatenate3A {strides = array<i32>} : memref<10000x128xf32, #tpu.memory_space<vmem>>, vector<10000x128xf32>,
    return
  }
  func.func @transform_0(%arg0: i32) -> (i32, i32, i32) {
    %c0_i32 = arith.constant 0 : i32
    %c0_i32_0 = arith.constant 0 : i32
    %c0_i32_1 = arith.constant 0 : i32
    return %c0_i32, %arg0, %c0_i32_0 : i32, i32, i32
  }
  func.func @transform_1(%arg0: i32) -> (i32, i32) {
    %c0_i32 = arith.constant 0 : i32
    %c0_i32_0 = arith.constant 0 : i32
    return %arg0, %c0_i32 : i32, i32
  }
  func.func @transform_2(%arg0: i32) -> (i32, i32) {
    %c0_i32 = arith.constant 0 : i32
    %c0_i32_0 = arith.constant 0 : i32
    return %arg0, %c0_i32 : i32, i32
  }
  func.func @transform_3(%arg0: i32) -> (i32, i32) {
    %c0_i32 = arith.constant 0 : i32
    %c0_i32_0 = arith.constant 0 : i32
    %c0_i32_1 = arith.constant 0 : i32
    return %c0_i32, %c0_i32_0 : i32, i32
  }
  func.func @transform_4(%arg0: i32) -> (i32, i32) {
    %c0_i32 = arith.constant 0 : i32
    %c0_i32_0 = arith.constant 0 : i32
    %c0_i32_1 = arith.constant 0 : i32
    return %c0_i32, %c0_i32_0 : i32, i32
  }
  func.func @transform_5(%arg0: i32) -> (i32, i32) {
    %c0_i32 = arith.constant 0 : i32
    %c0_i32_0 = arith.constant 0 : i32
    return %arg0, %c0_i32 : i32, i32
  }
}

module attributes {stable_mosaic.version = 14 : i64} {
  func.func @body(%arg0: i32, %arg1: memref<10000x256xf32, #tpu.memory_space<vmem>>, %arg2: memref<256x128xf32, #tpu.memory_space<vmem>>, %arg3: memref<2x10000x128xf32, #tpu.memory_space<vmem>>, %arg4: memref<10000x1xf32, #tpu.memory_space<vmem>>, %arg5: memref<10000x128xf32, #tpu.memory_space<vmem>>) attributes {dimension_semantics = [#tpu.dimension_semantics<arbitrary>], iteration_bounds = array<i64: 1>, scalar_prefetch = 0 : i64, scratch_operands = 0 : i64, tpu.core_type = #tpu.core_type<tc>, window_params = [{transform_indices = @transform_0, window_bounds = array<i64: 10000, 256>}, {pipeline_mode = #tpu.pipeline_mode<synchronous>, transform_indices = @transform_1, window_bounds = array<i64: 256, 128>}, {transform_indices = @transform_2, window_bounds = array<i64: 2, 10000, 128>}, {transform_indices = @transform_3, window_bounds = array<i64: 10000, 1>}, {transform_indices = @transform_4, window_bounds = array<i64: 10000, 128>}]} {
    %get3A = arith.constant 0 : index
    %get3A_0 = arith.constant 0 : index
    %get3A_1 = arith.constant 0 : index
    %get3A_2 = vector.load %arg3[%get3A, %get3A_0, %get3A_1] : memref<2x10000x128xf32, #tpu.memory_space<vmem>>, vector<1x10000x1xf32>
    %get3A_3 = vector.shape_cast %get3A_2 : vector<1x10000x1xf32> to vector<10000x1xf32>
    %add3A = arith.constant 1.000000e+00 : f32
    %add3A_4 = vector.broadcast %add3A : f32 to vector<10000x1xf32>
    %add3A_5 = arith.addf %add3A_4, %get3A_3 : vector<10000x1xf32>
    %get3A_6 = arith.constant 1 : index
    %get3A_7 = arith.constant 0 : index
    %get3A_8 = arith.constant 0 : index
    %get3A_9 = vector.load %arg3[%get3A_6, %get3A_7, %get3A_8] : memref<2x10000x128xf32, #tpu.memory_space<vmem>>, vector<1x10000x1xf32>
    %get3A_10 = vector.shape_cast %get3A_9 : vector<1x10000x1xf32> to vector<10000x1xf32>
    %add3A_11 = arith.addf %add3A_5, %get3A_10 : vector<10000x1xf32>
    %rsqrt3A = math.rsqrt %add3A_11 : vector<10000x1xf32>
    %get3A_12 = arith.constant 0 : index
    %get3A_13 = arith.constant 0 : index
    %get3A_14 = vector.load %arg1[%get3A_12, %get3A_13] : memref<10000x256xf32, #tpu.memory_space<vmem>>, vector<10000x256xf32>
    %get3A_15 = arith.constant 0 : index
    %get3A_16 = arith.constant 0 : index
    %get3A_17 = vector.load %arg2[%get3A_15, %get3A_16] : memref<256x128xf32, #tpu.memory_space<vmem>>, vector<256x128xf32>
    %dot_general3A = arith.constant dense<0.000000e+00> : vector<10000x128xf32>
    %dot_general3A_18 = tpu.matmul %get3A_14, %get3A_17, %dot_general3A {dimension_numbers = #tpu.dot_dimension_numbers<[1], [0], [0], [1], [0, 0, 1, 1], [], []>, transpose_lhs_hint = false} : vector<10000x256xf32>, vector<256x128xf32>, vector<10000x128xf32> -> vector<10000x128xf32>
    %swap3A = arith.constant 0 : index
    %swap3A_19 = arith.constant 0 : index
    %swap3A_20 = vector.load %arg4[%swap3A, %swap3A_19] : memref<10000x1xf32, #tpu.memory_space<vmem>>, vector<10000x1xf32>
    tpu.vector_store %arg4[%swap3A, %swap3A_19], %rsqrt3A {strides = array<i32>} : memref<10000x1xf32, #tpu.memory_space<vmem>>, vector<10000x1xf32>,
    %mul3A = vector.broadcast %rsqrt3A : vector<10000x1xf32> to vector<10000x128xf32>
    %mul3A_21 = arith.mulf %mul3A, %dot_general3A_18 : vector<10000x128xf32>
    %swap3A_22 = arith.constant 0 : index
    %swap3A_23 = arith.constant 0 : index
    %swap3A_24 = vector.load %arg5[%swap3A_22, %swap3A_23] : memref<10000x128xf32, #tpu.memory_space<vmem>>, vector<10000x128xf32>
    tpu.vector_store %arg5[%swap3A_22, %swap3A_23], %mul3A_21 {strides = array<i32>} : memref<10000x128xf32, #tpu.memory_space<vmem>>, vector<10000x128xf32>,
    return
  }
  func.func @transform_0(%arg0: i32) -> (i32, i32) {
    %c0_i32 = arith.constant 0 : i32
    %c0_i32_0 = arith.constant 0 : i32
    return %arg0, %c0_i32 : i32, i32
  }
  func.func @transform_1(%arg0: i32) -> (i32, i32) {
    %c0_i32 = arith.constant 0 : i32
    %c0_i32_0 = arith.constant 0 : i32
    %c0_i32_1 = arith.constant 0 : i32
    return %c0_i32, %c0_i32_0 : i32, i32
  }
  func.func @transform_2(%arg0: i32) -> (i32, i32, i32) {
    %c0_i32 = arith.constant 0 : i32
    %c0_i32_0 = arith.constant 0 : i32
    %c0_i32_1 = arith.constant 0 : i32
    return %c0_i32, %arg0, %c0_i32_0 : i32, i32, i32
  }
  func.func @transform_3(%arg0: i32) -> (i32, i32) {
    %c0_i32 = arith.constant 0 : i32
    %c0_i32_0 = arith.constant 0 : i32
    return %arg0, %c0_i32 : i32, i32
  }
  func.func @transform_4(%arg0: i32) -> (i32, i32) {
    %c0_i32 = arith.constant 0 : i32
    %c0_i32_0 = arith.constant 0 : i32
    return %arg0, %c0_i32 : i32, i32
  }
}

module attributes {stable_mosaic.version = 14 : i64} {
  func.func @body(%arg0: i32, %arg1: memref<2x10000x128xf32, #tpu.memory_space<vmem>>, %arg2: memref<10000x128xf32, #tpu.memory_space<vmem>>, %arg3: memref<10000x1xf32, #tpu.memory_space<vmem>>, %arg4: memref<1x64xf32, #tpu.memory_space<vmem>>, %arg5: memref<64x128xf32, #tpu.memory_space<vmem>>, %arg6: memref<10000x128xf32, #tpu.memory_space<vmem>>) attributes {dimension_semantics = [#tpu.dimension_semantics<arbitrary>], iteration_bounds = array<i64: 1>, scalar_prefetch = 0 : i64, scratch_operands = 0 : i64, tpu.core_type = #tpu.core_type<tc>, window_params = [{transform_indices = @transform_0, window_bounds = array<i64: 2, 10000, 128>}, {transform_indices = @transform_1, window_bounds = array<i64: 10000, 128>}, {transform_indices = @transform_2, window_bounds = array<i64: 10000, 1>}, {pipeline_mode = #tpu.pipeline_mode<synchronous>, transform_indices = @transform_3, window_bounds = array<i64: 1, 64>}, {pipeline_mode = #tpu.pipeline_mode<synchronous>, transform_indices = @transform_4, window_bounds = array<i64: 64, 128>}, {transform_indices = @transform_5, window_bounds = array<i64: 10000, 128>}]} {
    %get3A = arith.constant 0 : index
    %get3A_0 = arith.constant 0 : index
    %get3A_1 = vector.load %arg3[%get3A, %get3A_0] : memref<10000x1xf32, #tpu.memory_space<vmem>>, vector<10000x1xf32>
    %get3A_2 = arith.constant 0 : index
    %get3A_3 = arith.constant 0 : index
    %get3A_4 = arith.constant 0 : index
    %get3A_5 = vector.load %arg1[%get3A_2, %get3A_3, %get3A_4] : memref<2x10000x128xf32, #tpu.memory_space<vmem>>, vector<1x10000x128xf32>
    %get3A_6 = vector.shape_cast %get3A_5 : vector<1x10000x128xf32> to vector<10000x128xf32>
    %get3A_7 = arith.constant 1 : index
    %get3A_8 = arith.constant 0 : index
    %get3A_9 = arith.constant 0 : index
    %get3A_10 = vector.load %arg1[%get3A_7, %get3A_8, %get3A_9] : memref<2x10000x128xf32, #tpu.memory_space<vmem>>, vector<1x10000x128xf32>
    %get3A_11 = vector.shape_cast %get3A_10 : vector<1x10000x128xf32> to vector<10000x128xf32>
    %add3A = arith.addf %get3A_6, %get3A_11 : vector<10000x128xf32>
    %get3A_12 = arith.constant 0 : index
    %get3A_13 = arith.constant 0 : index
    %get3A_14 = vector.load %arg2[%get3A_12, %get3A_13] : memref<10000x128xf32, #tpu.memory_space<vmem>>, vector<10000x128xf32>
    %add3A_15 = arith.addf %add3A, %get3A_14 : vector<10000x128xf32>
    %slice3A = vector.extract_strided_slice %add3A_15 {offsets = [0, 0], sizes = [10000, 64], strides = [1, 1]} : vector<10000x128xf32> to vector<10000x64xf32>
    %mul3A = vector.broadcast %get3A_1 : vector<10000x1xf32> to vector<10000x64xf32>
    %mul3A_16 = arith.mulf %mul3A, %slice3A : vector<10000x64xf32>
    %get3A_17 = arith.constant 0 : index
    %get3A_18 = arith.constant 0 : index
    %get3A_19 = vector.load %arg4[%get3A_17, %get3A_18] : memref<1x64xf32, #tpu.memory_space<vmem>>, vector<1x64xf32>
    %add3A_20 = vector.broadcast %get3A_19 : vector<1x64xf32> to vector<10000x64xf32>
    %add3A_21 = arith.addf %mul3A_16, %add3A_20 : vector<10000x64xf32>
    %mul3A_22 = arith.mulf %add3A_21, %add3A_21 : vector<10000x64xf32>
    %reduce_sum3A = arith.constant dense<0.000000e+00> : vector<10000xf32>
    %reduce_sum3A_23 = vector.multi_reduction <add>, %mul3A_22, %reduce_sum3A [1] : vector<10000x64xf32> to vector<10000xf32>
    %broadcast_in_dim3A = vector.shape_cast %reduce_sum3A_23 : vector<10000xf32> to vector<10000x1xf32>
    %sqrt3A = math.sqrt %broadcast_in_dim3A : vector<10000x1xf32>
    %max3A = arith.constant 9.99999996E-13 : f32
    %max3A_24 = vector.broadcast %max3A : f32 to vector<10000x1xf32>
    %max3A_25 = arith.maximumf %sqrt3A, %max3A_24 : vector<10000x1xf32>
    %div3A = vector.broadcast %max3A_25 : vector<10000x1xf32> to vector<10000x64xf32>
    %div3A_26 = arith.divf %add3A_21, %div3A : vector<10000x64xf32>
    %get3A_27 = arith.constant 0 : index
    %get3A_28 = arith.constant 0 : index
    %get3A_29 = vector.load %arg5[%get3A_27, %get3A_28] : memref<64x128xf32, #tpu.memory_space<vmem>>, vector<64x128xf32>
    %dot_general3A = arith.constant dense<0.000000e+00> : vector<10000x128xf32>
    %dot_general3A_30 = tpu.matmul %div3A_26, %get3A_29, %dot_general3A {dimension_numbers = #tpu.dot_dimension_numbers<[1], [0], [0], [1], [0, 0, 1, 1], [], []>, transpose_lhs_hint = false} : vector<10000x64xf32>, vector<64x128xf32>, vector<10000x128xf32> -> vector<10000x128xf32>
    %mul3A_31 = vector.broadcast %get3A_1 : vector<10000x1xf32> to vector<10000x128xf32>
    %mul3A_32 = arith.mulf %mul3A_31, %dot_general3A_30 : vector<10000x128xf32>
    %swap3A = arith.constant 0 : index
    %swap3A_33 = arith.constant 0 : index
    %swap3A_34 = vector.load %arg6[%swap3A, %swap3A_33] : memref<10000x128xf32, #tpu.memory_space<vmem>>, vector<10000x128xf32>
    tpu.vector_store %arg6[%swap3A, %swap3A_33], %mul3A_32 {strides = array<i32>} : memref<10000x128xf32, #tpu.memory_space<vmem>>, vector<10000x128xf32>,
    return
  }
  func.func @transform_0(%arg0: i32) -> (i32, i32, i32) {
    %c0_i32 = arith.constant 0 : i32
    %c0_i32_0 = arith.constant 0 : i32
    %c0_i32_1 = arith.constant 0 : i32
    return %c0_i32, %arg0, %c0_i32_0 : i32, i32, i32
  }
  func.func @transform_1(%arg0: i32) -> (i32, i32) {
    %c0_i32 = arith.constant 0 : i32
    %c0_i32_0 = arith.constant 0 : i32
    return %arg0, %c0_i32 : i32, i32
  }
  func.func @transform_2(%arg0: i32) -> (i32, i32) {
    %c0_i32 = arith.constant 0 : i32
    %c0_i32_0 = arith.constant 0 : i32
    return %arg0, %c0_i32 : i32, i32
  }
  func.func @transform_3(%arg0: i32) -> (i32, i32) {
    %c0_i32 = arith.constant 0 : i32
    %c0_i32_0 = arith.constant 0 : i32
    %c0_i32_1 = arith.constant 0 : i32
    return %c0_i32, %c0_i32_0 : i32, i32
  }
  func.func @transform_4(%arg0: i32) -> (i32, i32) {
    %c0_i32 = arith.constant 0 : i32
    %c0_i32_0 = arith.constant 0 : i32
    %c0_i32_1 = arith.constant 0 : i32
    return %c0_i32, %c0_i32_0 : i32, i32
  }
  func.func @transform_5(%arg0: i32) -> (i32, i32) {
    %c0_i32 = arith.constant 0 : i32
    %c0_i32_0 = arith.constant 0 : i32
    return %arg0, %c0_i32 : i32, i32
  }
}

module attributes {stable_mosaic.version = 14 : i64} {
  func.func @body(%arg0: i32, %arg1: memref<2x10000x128xf32, #tpu.memory_space<vmem>>, %arg2: memref<10000x128xf32, #tpu.memory_space<vmem>>, %arg3: memref<10000x1xf32, #tpu.memory_space<vmem>>, %arg4: memref<1x128xf32, #tpu.memory_space<vmem>>, %arg5: memref<10000x128xf32, #tpu.memory_space<vmem>>) attributes {dimension_semantics = [#tpu.dimension_semantics<arbitrary>], iteration_bounds = array<i64: 1>, scalar_prefetch = 0 : i64, scratch_operands = 0 : i64, tpu.core_type = #tpu.core_type<tc>, window_params = [{transform_indices = @transform_0, window_bounds = array<i64: 2, 10000, 128>}, {transform_indices = @transform_1, window_bounds = array<i64: 10000, 128>}, {transform_indices = @transform_2, window_bounds = array<i64: 10000, 1>}, {pipeline_mode = #tpu.pipeline_mode<synchronous>, transform_indices = @transform_3, window_bounds = array<i64: 1, 128>}, {transform_indices = @transform_4, window_bounds = array<i64: 10000, 128>}]} {
    %get3A = arith.constant 0 : index
    %get3A_0 = arith.constant 0 : index
    %get3A_1 = vector.load %arg3[%get3A, %get3A_0] : memref<10000x1xf32, #tpu.memory_space<vmem>>, vector<10000x1xf32>
    %get3A_2 = arith.constant 0 : index
    %get3A_3 = arith.constant 0 : index
    %get3A_4 = arith.constant 0 : index
    %get3A_5 = vector.load %arg1[%get3A_2, %get3A_3, %get3A_4] : memref<2x10000x128xf32, #tpu.memory_space<vmem>>, vector<1x10000x128xf32>
    %get3A_6 = vector.shape_cast %get3A_5 : vector<1x10000x128xf32> to vector<10000x128xf32>
    %get3A_7 = arith.constant 1 : index
    %get3A_8 = arith.constant 0 : index
    %get3A_9 = arith.constant 0 : index
    %get3A_10 = vector.load %arg1[%get3A_7, %get3A_8, %get3A_9] : memref<2x10000x128xf32, #tpu.memory_space<vmem>>, vector<1x10000x128xf32>
    %get3A_11 = vector.shape_cast %get3A_10 : vector<1x10000x128xf32> to vector<10000x128xf32>
    %add3A = arith.addf %get3A_6, %get3A_11 : vector<10000x128xf32>
    %get3A_12 = arith.constant 0 : index
    %get3A_13 = arith.constant 0 : index
    %get3A_14 = vector.load %arg2[%get3A_12, %get3A_13] : memref<10000x128xf32, #tpu.memory_space<vmem>>, vector<10000x128xf32>
    %add3A_15 = arith.addf %add3A, %get3A_14 : vector<10000x128xf32>
    %mul3A = vector.broadcast %get3A_1 : vector<10000x1xf32> to vector<10000x128xf32>
    %mul3A_16 = arith.mulf %mul3A, %add3A_15 : vector<10000x128xf32>
    %get3A_17 = arith.constant 0 : index
    %get3A_18 = arith.constant 0 : index
    %get3A_19 = vector.load %arg4[%get3A_17, %get3A_18] : memref<1x128xf32, #tpu.memory_space<vmem>>, vector<1x128xf32>
    %add3A_20 = vector.broadcast %get3A_19 : vector<1x128xf32> to vector<10000x128xf32>
    %add3A_21 = arith.addf %mul3A_16, %add3A_20 : vector<10000x128xf32>
    %max3A = arith.constant 0.000000e+00 : f32
    %max3A_22 = vector.broadcast %max3A : f32 to vector<10000x128xf32>
    %max3A_23 = arith.maximumf %add3A_21, %max3A_22 : vector<10000x128xf32>
    %mul3A_24 = vector.broadcast %get3A_1 : vector<10000x1xf32> to vector<10000x128xf32>
    %mul3A_25 = arith.mulf %mul3A_24, %max3A_23 : vector<10000x128xf32>
    %swap3A = arith.constant 0 : index
    %swap3A_26 = arith.constant 0 : index
    %swap3A_27 = vector.load %arg5[%swap3A, %swap3A_26] : memref<10000x128xf32, #tpu.memory_space<vmem>>, vector<10000x128xf32>
    tpu.vector_store %arg5[%swap3A, %swap3A_26], %mul3A_25 {strides = array<i32>} : memref<10000x128xf32, #tpu.memory_space<vmem>>, vector<10000x128xf32>,
    return
  }
  func.func @transform_0(%arg0: i32) -> (i32, i32, i32) {
    %c0_i32 = arith.constant 0 : i32
    %c0_i32_0 = arith.constant 0 : i32
    %c0_i32_1 = arith.constant 0 : i32
    return %c0_i32, %arg0, %c0_i32_0 : i32, i32, i32
  }
  func.func @transform_1(%arg0: i32) -> (i32, i32) {
    %c0_i32 = arith.constant 0 : i32
    %c0_i32_0 = arith.constant 0 : i32
    return %arg0, %c0_i32 : i32, i32
  }
  func.func @transform_2(%arg0: i32) -> (i32, i32) {
    %c0_i32 = arith.constant 0 : i32
    %c0_i32_0 = arith.constant 0 : i32
    return %arg0, %c0_i32 : i32, i32
  }
  func.func @transform_3(%arg0: i32) -> (i32, i32) {
    %c0_i32 = arith.constant 0 : i32
    %c0_i32_0 = arith.constant 0 : i32
    %c0_i32_1 = arith.constant 0 : i32
    return %c0_i32, %c0_i32_0 : i32, i32
  }
  func.func @transform_4(%arg0: i32) -> (i32, i32) {
    %c0_i32 = arith.constant 0 : i32
    %c0_i32_0 = arith.constant 0 : i32
    return %arg0, %c0_i32 : i32, i32
  }
}

module attributes {stable_mosaic.version = 14 : i64} {
  func.func @body(%arg0: i32, %arg1: memref<2x10000x128xf32, #tpu.memory_space<vmem>>, %arg2: memref<10000x128xf32, #tpu.memory_space<vmem>>, %arg3: memref<10000x1xf32, #tpu.memory_space<vmem>>, %arg4: memref<1x256xf32, #tpu.memory_space<vmem>>, %arg5: memref<128x256xf32, #tpu.memory_space<vmem>>, %arg6: memref<10000x256xf32, #tpu.memory_space<vmem>>) attributes {dimension_semantics = [#tpu.dimension_semantics<arbitrary>], iteration_bounds = array<i64: 1>, scalar_prefetch = 0 : i64, scratch_operands = 0 : i64, tpu.core_type = #tpu.core_type<tc>, window_params = [{transform_indices = @transform_0, window_bounds = array<i64: 2, 10000, 128>}, {transform_indices = @transform_1, window_bounds = array<i64: 10000, 128>}, {transform_indices = @transform_2, window_bounds = array<i64: 10000, 1>}, {pipeline_mode = #tpu.pipeline_mode<synchronous>, transform_indices = @transform_3, window_bounds = array<i64: 1, 256>}, {pipeline_mode = #tpu.pipeline_mode<synchronous>, transform_indices = @transform_4, window_bounds = array<i64: 128, 256>}, {transform_indices = @transform_5, window_bounds = array<i64: 10000, 256>}]} {
    %get3A = arith.constant 0 : index
    %get3A_0 = arith.constant 0 : index
    %get3A_1 = arith.constant 0 : index
    %get3A_2 = vector.load %arg1[%get3A, %get3A_0, %get3A_1] : memref<2x10000x128xf32, #tpu.memory_space<vmem>>, vector<1x10000x128xf32>
    %get3A_3 = vector.shape_cast %get3A_2 : vector<1x10000x128xf32> to vector<10000x128xf32>
    %get3A_4 = arith.constant 1 : index
    %get3A_5 = arith.constant 0 : index
    %get3A_6 = arith.constant 0 : index
    %get3A_7 = vector.load %arg1[%get3A_4, %get3A_5, %get3A_6] : memref<2x10000x128xf32, #tpu.memory_space<vmem>>, vector<1x10000x128xf32>
    %get3A_8 = vector.shape_cast %get3A_7 : vector<1x10000x128xf32> to vector<10000x128xf32>
    %add3A = arith.addf %get3A_3, %get3A_8 : vector<10000x128xf32>
    %get3A_9 = arith.constant 0 : index
    %get3A_10 = arith.constant 0 : index
    %get3A_11 = vector.load %arg2[%get3A_9, %get3A_10] : memref<10000x128xf32, #tpu.memory_space<vmem>>, vector<10000x128xf32>
    %add3A_12 = arith.addf %add3A, %get3A_11 : vector<10000x128xf32>
    %get3A_13 = arith.constant 0 : index
    %get3A_14 = arith.constant 0 : index
    %get3A_15 = vector.load %arg5[%get3A_13, %get3A_14] : memref<128x256xf32, #tpu.memory_space<vmem>>, vector<128x256xf32>
    %dot_general3A = arith.constant dense<0.000000e+00> : vector<10000x256xf32>
    %dot_general3A_16 = tpu.matmul %add3A_12, %get3A_15, %dot_general3A {dimension_numbers = #tpu.dot_dimension_numbers<[1], [0], [0], [1], [0, 0, 1, 1], [], []>, transpose_lhs_hint = false} : vector<10000x128xf32>, vector<128x256xf32>, vector<10000x256xf32> -> vector<10000x256xf32>
    %get3A_17 = arith.constant 0 : index
    %get3A_18 = arith.constant 0 : index
    %get3A_19 = vector.load %arg3[%get3A_17, %get3A_18] : memref<10000x1xf32, #tpu.memory_space<vmem>>, vector<10000x1xf32>
    %mul3A = vector.broadcast %get3A_19 : vector<10000x1xf32> to vector<10000x256xf32>
    %mul3A_20 = arith.mulf %mul3A, %dot_general3A_16 : vector<10000x256xf32>
    %get3A_21 = arith.constant 0 : index
    %get3A_22 = arith.constant 0 : index
    %get3A_23 = vector.load %arg4[%get3A_21, %get3A_22] : memref<1x256xf32, #tpu.memory_space<vmem>>, vector<1x256xf32>
    %add3A_24 = vector.broadcast %get3A_23 : vector<1x256xf32> to vector<10000x256xf32>
    %add3A_25 = arith.addf %mul3A_20, %add3A_24 : vector<10000x256xf32>
    %swap3A = arith.constant 0 : index
    %swap3A_26 = arith.constant 0 : index
    %swap3A_27 = vector.load %arg6[%swap3A, %swap3A_26] : memref<10000x256xf32, #tpu.memory_space<vmem>>, vector<10000x256xf32>
    tpu.vector_store %arg6[%swap3A, %swap3A_26], %add3A_25 {strides = array<i32>} : memref<10000x256xf32, #tpu.memory_space<vmem>>, vector<10000x256xf32>,
    return
  }
  func.func @transform_0(%arg0: i32) -> (i32, i32, i32) {
    %c0_i32 = arith.constant 0 : i32
    %c0_i32_0 = arith.constant 0 : i32
    %c0_i32_1 = arith.constant 0 : i32
    return %c0_i32, %arg0, %c0_i32_0 : i32, i32, i32
  }
  func.func @transform_1(%arg0: i32) -> (i32, i32) {
    %c0_i32 = arith.constant 0 : i32
    %c0_i32_0 = arith.constant 0 : i32
    return %arg0, %c0_i32 : i32, i32
  }
  func.func @transform_2(%arg0: i32) -> (i32, i32) {
    %c0_i32 = arith.constant 0 : i32
    %c0_i32_0 = arith.constant 0 : i32
    return %arg0, %c0_i32 : i32, i32
  }
  func.func @transform_3(%arg0: i32) -> (i32, i32) {
    %c0_i32 = arith.constant 0 : i32
    %c0_i32_0 = arith.constant 0 : i32
    %c0_i32_1 = arith.constant 0 : i32
    return %c0_i32, %c0_i32_0 : i32, i32
  }
  func.func @transform_4(%arg0: i32) -> (i32, i32) {
    %c0_i32 = arith.constant 0 : i32
    %c0_i32_0 = arith.constant 0 : i32
    %c0_i32_1 = arith.constant 0 : i32
    return %c0_i32, %c0_i32_0 : i32, i32
  }
  func.func @transform_5(%arg0: i32) -> (i32, i32) {
    %c0_i32 = arith.constant 0 : i32
    %c0_i32_0 = arith.constant 0 : i32
    return %arg0, %c0_i32 : i32, i32
  }
}

</mosaic_0001>

<sc_bundles>
// kernel: kernel.12.cloned.1.call-start
scs
__scs_entry_jumppad:
0x0: {  	(pc) =	sbr.rel $0x88, $3  }
0x1: {  	(tag) =	ssettag $0x0;
	lr =	simm.s32 $0x1  }
0x2: {  	[smem:$0x3F97] =	sst lr;
	_ =	strace $0xD0000000  }
0x3: {  	_ = 	snop  }
0x4: {  	_ = 	snop  }
0x5: {  	_ = 	snop  }
0x6: {  	_ = 	snop  }
0x7: {  	_ = 	snop  }
__scs_overlays_trampoline_lowered:
0x8: {  	[smem:$0x3FA6] =	sst s0  }
0x9: {  	[smem:$0x3FA7] =	sst s1  }
0xa: {  	[smem:$0x3FA8] =	sst s2  }
0xb: {  	[smem:$0x3FA9] =	sst s3  }
0xc: {  	[smem:$0x3FAA] =	sst s4  }
0xd: {  	[smem:$0x3FAB] =	sst s5  }
0xe: {  	[smem:$0x3FAC] =	sst s6  }
0xf: {  	[smem:$0x3FAD] =	sst s7  }
0x10: {  	[smem:$0x3FAE] =	sst s8  }
0x11: {  	[smem:$0x3FAF] =	sst s9;
	s0 =	simm.s32 @!p0 $0x0  }
0x12: {  	s1 =	sld [smem:$0x3F95];
	s0 =	simm.s32 @p0 $0x1  }
0x13: {  	[smem:$0x3FB0] =	sst s0;
	s0 =	simm.s32 @!p1 $0x0  }
0x14: {  	s2 =	sld [smem:$0x3F94];
	s0 =	simm.s32 @p1 $0x1  }
0x15: {  	[smem:$0x3FB1] =	sst s0;
	s0 =	simm.s32 @!p2 $0x0  }
0x16: {  	s3 =	sld [smem:$0x3FDB];
	s0 =	simm.s32 @p2 $0x1  }
0x17: {  	s4 =	simm.s32 $0x1BF5;
	[smem:$0x3FB3] =	sst s0  }
0x18: {  	s0 =	sld [smem:$0x3F96];
	_ =	swait.ge [sflag:s4], $0x0  }
0x19: {  	s7 =	sld [smem:$0x3F97]  }
0x1a: {  	s8 =	sadd.s32 $0xFFFFE003, lr  }
0x1b: {  	s9 =	sadd.s32 $0xFFFFFEF7, lr;
	s5 =	simm.s32 $0xFFFFFFFF;
	p2 =	slt.u32 s8, $0xFFFFF086  }
0x1c: {  	p1 =	slt.u32 s9, $0xF7A;
	s5 =	simm.s32 @!p2 $0x0  }
0x1d: {  	s5 =	simm.s32 @p1 $0x1;
	p0 =	seq.s32 s7, s2  }
0x1e: {  	s7 =	smul.u32 @!p0 $0xF7A, s2;
	p2 =	seq.s32 @!p0 s5, $0x0  }
0x1f: {  	s9 =	smul.u32 $0xF7A, s1;
	s8 =	simm.s32 @!p0 $0x1BF5;
	p2 =	por !p2, p0  }
0x20: {  	[sflag:s8] =	ssyncset.s32 @!p0 $0xFFFFF086;
	s6 =	sadd.s32 @!p0 s3, s7;
	s7 =	simm.s32 @!p0 $0x108  }
0x21: {  	s3 =	sadd.s32 s3, s9;
	s6 =	sadd.s32 @!p0 $0x88, s6;
	s7 =	simm.s32 @p2 $0x1082  }
0x22: {  	[simem:s7], [sflag:s8] =	dma.local @!p0 [hbm:s6], $0xF7A  }
0x23: {  	s9 =	sor.u32 $0xD0000000, s2;
	s6 =	simm.s32 $0x108;
	_ =	swait.ge @!p0 [sflag:s8], $0x0  }
0x24: {  	s3 =	sadd.s32 $0x88, s3;
	s6 =	simm.s32 @!p1 $0x1082;
	[sflag:s4] =	ssyncset.s32 $0xFFFFF086  }
0x25: {  	[simem:s6], [sflag:s4] =	dma.local [hbm:s3], $0xF7A  }
0x26: {  	[smem:$0x3F97] =	sst s1;
	(tag) =	ssettag s2;
	_ =	strace s9  }
0x27: {  	s1 =	sld [smem:$0x3FA7]  }
0x28: {  	s2 =	sld [smem:$0x3FA8]  }
0x29: {  	s4 =	sld [smem:$0x3FAA]  }
0x2a: {  	p0 =	seq.s32 s5, $0x0;
	s5 =	sld [smem:$0x3FAB]  }
0x2b: {  	s6 =	sld [smem:$0x3FAC]  }
0x2c: {  	s7 =	sld [smem:$0x3FAD]  }
0x2d: {  	s3 =	simm.s32 $0x108;
	s8 =	sld [smem:$0x3FAE]  }
0x2e: {  	s3 =	simm.s32 @!p0 $0x1082;
	s9 =	sld [smem:$0x3FAF]  }
0x2f: {  	lr =	sadd.s32 s0, s3;
	s0 =	sld [smem:$0x3FA6]  }
0x30: {  	s3 =	sld [smem:$0x3FA9]  }
0x31: {  	[smem:$0x3FB2] =	sst s10  }
0x32: {  	s10 =	sld [smem:$0x3FB0];
	_ =	sdelay $0x3  }
0x33: {  	p0 =	seq.s32 s10, $0x1;
	s10 =	sld [smem:$0x3FB2];
	_ =	sdelay $0x3  }
0x34: {  	[smem:$0x3FB2] =	sst s10  }
0x35: {  	s10 =	sld [smem:$0x3FB1];
	_ =	sdelay $0x3  }
0x36: {  	p1 =	seq.s32 s10, $0x1;
	s10 =	sld [smem:$0x3FB2];
	_ =	sdelay $0x3  }
0x37: {  	[smem:$0x3FB2] =	sst s10  }
0x38: {  	s10 =	sld [smem:$0x3FB3]  }
0x39: {  	_ = 	snop;
	(pc) =	sbr.ind lr, $3  }
0x3a: {  	_ = 	snop  }
0x3b: {  	_ = 	snop  }
0x3c: {  	p2 =	seq.s32 s10, $0x1;
	s10 =	sld [smem:$0x3FB2]  }
0x3d: {  	_ =	shalt  }
0x3e: {  	_ =	shalt  }
0x3f: {  	_ =	shalt  }
0x40: {  	_ =	shalt  }
0x41: {  	_ =	shalt  }
0x42: {  	_ =	shalt  }
0x43: {  	_ =	shalt  }
0x44: {  	_ =	shalt  }
0x45: {  	_ =	shalt  }
0x46: {  	_ =	shalt  }
0x47: {  	_ =	shalt  }
0x48: {  	_ =	shalt  }
0x49: {  	_ =	shalt  }
0x4a: {  	_ =	shalt  }
0x4b: {  	_ =	shalt  }
0x4c: {  	_ =	shalt  }
0x4d: {  	_ =	shalt  }
0x4e: {  	_ =	shalt  }
0x4f: {  	_ =	shalt  }
0x50: {  	_ =	shalt  }
0x51: {  	_ =	shalt  }
0x52: {  	_ =	shalt  }
0x53: {  	_ =	shalt  }
0x54: {  	_ =	shalt  }
0x55: {  	_ =	shalt  }
0x56: {  	_ =	shalt  }
0x57: {  	_ =	shalt  }
0x58: {  	_ =	shalt  }
0x59: {  	_ =	shalt  }
0x5a: {  	_ =	shalt  }
0x5b: {  	_ =	shalt  }
0x5c: {  	_ =	shalt  }
0x5d: {  	_ =	shalt  }
0x5e: {  	_ =	shalt  }
0x5f: {  	_ =	shalt  }
0x60: {  	_ =	shalt  }
0x61: {  	_ =	shalt  }
0x62: {  	_ =	shalt  }
0x63: {  	_ =	shalt  }
0x64: {  	_ =	shalt  }
0x65: {  	_ =	shalt  }
0x66: {  	_ =	shalt  }
0x67: {  	_ =	shalt  }
0x68: {  	_ =	shalt  }
0x69: {  	_ =	shalt  }
0x6a: {  	_ =	shalt  }
0x6b: {  	_ =	shalt  }
0x6c: {  	_ =	shalt  }
0x6d: {  	_ =	shalt  }
0x6e: {  	_ =	shalt  }
0x6f: {  	_ =	shalt  }
0x70: {  	_ =	shalt  }
0x71: {  	_ =	shalt  }
0x72: {  	_ =	shalt  }
0x73: {  	_ =	shalt  }
0x74: {  	_ =	shalt  }
0x75: {  	_ =	shalt  }
0x76: {  	_ =	shalt  }
0x77: {  	_ =	shalt  }
0x78: {  	_ =	shalt  }
0x79: {  	_ =	shalt  }
0x7a: {  	_ =	shalt  }
0x7b: {  	_ =	shalt  }
0x7c: {  	_ =	shalt  }
0x7d: {  	_ =	shalt  }
0x7e: {  	_ =	shalt  }
0x7f: {  	_ =	shalt  }
0x80: {  	_ =	shalt  }
0x81: {  	_ =	shalt  }
0x82: {  	_ =	shalt  }
0x83: {  	_ =	shalt  }
0x84: {  	_ =	shalt  }
0x85: {  	_ =	shalt  }
0x86: {  	_ =	shalt  }
0x87: {  	_ =	shalt  }
.Lfunc_end0:
.L_simem_size_0:
called_computation_lowered:
.L_overlay_start_0:
0x88: {  	s2 =	sld [smem:$0x3FD9]  }
0x89: {  	s3 =	sld [smem:$0x3FFE];
	_ =	sdelay $0x1  }
0x8a: {  	s1 =	srdreg.scid  }
0x8b: {  	s0 =	sand.u32 $0x1, s1  }
0x8c: {  	s17 =	sshll.u32 s0, $0xA;
	s2 =	sadd.s32 s3, s2  }
0x8d: {  	s2 =	sadd.s32 s2, s17  }
0x8e: {  	[smem:$0x3FBE] =	sst s2  }
0x8f: {  	_ = 	snop  }
0x90: {  	s2 =	sld [smem:$0x3FD0];
	(tm) =	ssettm $0x1  }
0x91: {  	s18 =	sld [smem:$0x3FFB];
	_ =	sdelay $0x3  }
0x92: {  	_ =	strace s18  }
0x93: {  	s3 =	sld [smem:$0x3FFC];
	_ =	sdelay $0x3  }
0x94: {  	_ =	strace s3  }
0x95: {  	s3 =	sld [smem:$0x3FFD];
	_ =	sdelay $0x3  }
0x96: {  	_ =	strace s3  }
0x97: {  	_ =	strace $0x8FFFFFFF  }
0x98: {  	s19 =	sld [smem:$0x3FDB];
	_ =	sdelay $0x1  }
0x99: {  	s4 =	simm.s32 $_scs_section_size  }
0x9a: {  	s5 =	simm.s32 $_size__tile_overlayer_lowered;
	s6 =	simm.s32 $_tile_overlayer_lowered  }
0x9b: {  	s22 =	simm.s32 $0x1BFF;
	s21 =	sshll.u32 s6, $0x1;
	s3 =	sadd.s32 s4, s19  }
0x9c: {  	s7 =	simm.s32 $0x0;
	s20 =	sshll.u32 s5, $0x1;
	s5 =	sadd.s32 s21, s3  }
0x9d: {  	[timem:s7], [sflag:s22] =	dma.local [hbm:s5], s20  }
0x9e: {  	_ =	swait.ge [sflag:s22], s20  }
0x9f: {  	s4 =	ssub.s32 $0x0, s20;
	[sflag:s22] =	ssyncset.done $0x0  }
0xa0: {  	[sflag:s22] =	ssyncadd.s32 s4;
	_ =	sdelay $0x1  }
0xa1: {  	s23 =	simm.s32 $0x1B8B  }
0xa2: {  	_ =	swait.ge [sflag:s23], $0x1  }
0xa3: {  	[sflag:s23] =	ssyncset.done $0x0  }
0xa4: {  	s25 =	simm.s32 $0x1B8E;
	s24 =	sld [smem:$0x3FFE];
	[sflag:s23] =	ssyncadd.s32 $0xFFFFFFFF  }
0xa5: {  	s26 =	simm.s32 $execute0_lowered;
	[smem:$0x3FD2] =	sst s25  }
0xa6: {  	s5 =	sshll.u32 s26, $0x1;
	_ =	strace $0x80000046;
	[dreg:$0x1] =	wrdreg $0xFFFFFFFF  }
0xa7: {  	s28 =	simm.s32 $_size_execute0_lowered;
	s3 =	sadd.s32 s3, s5;
	[dreg:$0x0] =	wrdreg $0x0  }
0xa8: {  	s5 =	sshll.u32 s28, $0x1;
	[dreg:$0x2] =	wrdreg s3  }
0xa9: {  	[dreg:$0x3] =	wrdreg s5  }
0xaa: {  	[dreg:$0x4] =	wrdreg $0xC0  }
0xab: {  	_ =	task [dreg:s7], $0x5FFFF  }
0xac: {  	[dreg:$0x1] =	wrdreg $0xFFFFFFFF  }
0xad: {  	[dreg:$0x0] =	wrdreg $0x60  }
0xae: {  	[dreg:$0x2] =	wrdreg s24  }
0xaf: {  	[dreg:$0x3] =	wrdreg s2  }
0xb0: {  	[dreg:$0x4] =	wrdreg $0x44000  }
0xb1: {  	[dreg:$0x5] =	wrdreg $0x9  }
0xb2: {  	_ =	task.clear_ibuf [dreg:s7], $0x6FFFF;
	_ =	strace $0x90000046  }
0xb3: {  	s29 =	simm.s32 $0x9;
	_ =	strace $0x80000048  }
0xb4: {  	_ =	swait.ge [sflag:s29], $0x1  }
0xb5: {  	[sflag:s29] =	ssyncadd.s32 $0xFFFFFFFF  }
0xb6: {  	_ =	strace $0x90000048  }
0xb7: {  	_ =	sfence  }
0xb8: {  	s30 =	sld [smem:$0x0];
	_ =	sdelay $0x2  }
0xb9: {  	s31 =	sshll.u32 s1, $0xD;
	s1 =	sshrl.u32 s1, $0x2  }
0xba: {  	s3 =	sand.u32 $0x4000, s31;
	s1 =	sadd.s32 s1, s30  }
0xbb: {  	s0 =	sor.u32 s3, s0;
	s1 =	sshll.u32 s1, $0x11  }
0xbc: {  	s0 =	sor.u32 s1, s0  }
0xbd: {  	s0 =	sadd.s32 $0x8F2B, s0  }
0xbe: {  	[sflag:s0] =	ssyncadd.remote.s32 $0x1  }
0xbf: {  	_ =	sfence.sel $0xFFFF  }
0xc0: {  	[dreg:$0x0] =	wrdreg $0xFFFFFFFF;
	(pc) =	sbr.abs _section_cstart, $3  }
0xc1: {  	[dreg:$0x1] =	wrdreg $0xFFFFFFFF  }
0xc2: {  	_ =	task.clear_ibuf [dreg:s7], $0x2FFFF;
	_ =	strace $0x9FFFFFFF  }
0xc3: {  	(tm) =	ssettm $0x7FFFFFFF  }
tec
execute0_lowered:
.L_overlay_start_1:
0x0: {  	(tag) =	ssettag $0x1  }
0x1: {  	s5 =	rddreg [dreg:$0x0]  }
0x2: {  	s7 =	rddreg [dreg:$0x1]  }
0x3: {  	s0 =	srdreg.scid;
	s2 =	rddreg [dreg:$0x2]  }
0x4: {  	s1 =	rddreg [dreg:$0x3];
	s3 =	simm.s32 $0x0;
	s14 =	simm.s32 $0x80  }
0x5: {  	s15 =	simm.s32 $0x100;
	s16 =	simm.s32 $0x180;
	s6 =	sand.u32 $0x1, s0  }
0x6: {  	s17 =	simm.s32 $0x200;
	s0 =	stileid.u32;
	s4 =	smul.u32 $0x280, s6  }
0x7: {  	s18 =	simm.s32 $0x280;
	s19 =	simm.s32 $0x300;
	s8 =	smul.u32 $0x28, s0  }
0x8: {  	s20 =	simm.s32 $0x380;
	[smem:$0x7FF] =	sst s3;
	s28 =	smul.u32 $0x138800, s6  }
0x9: {  	s23 =	simm.s32 $0x0;
	_ =	strace $0x80000047;
	s10 =	smul.u32 $0x14000, s0  }
0xa: {  	s6 =	ssub.s32 $0x2, s6;
	s12 =	smul.u32 $0x50000, s0;
	s31 =	sshll.u32 s0, $0x6  }
0xb: {  	p0 =	seq.s32 s0, $0xF;
	s11 =	sshrl.u32 s6, $0x1;
	s4 =	sadd.s32 s8, s4  }
0xc: {  	s11 =	ssub.s32 s6, s11;
	s29 =	sadd.s32 s10, s28;
	s8 =	sshrl.u32 s28, $0x3  }
0xd: {  	s30 =	sshrl.u32 s12, $0x2;
	s10 =	simm.s32 $0x400;
	s12 =	sor.u32 $0x1C01, s31  }
0xe: {  	s4 =	sshll.u32 s4, $0x4;
	s6 =	sshrl.u32 s29, $0x3;
	s8 =	sadd.s32 s7, s8  }
0xf: {  	s22 =	sadd.s32 s30, s2;
	s9 =	sadd.s32 s4, s5;
	s4 =	sadd.s32 $0xD800, s5  }
0x10: {  	s5 =	sadd.s32 $0xE000, s5;
	s6 =	sadd.s32 s7, s6;
	s7 =	sadd.s32 $0x25800, s8  }
0x11: {  	s8 =	smax.u32 s11, $0x1;
	s11 =	simm.s32 $0x1;
	s13 =	sshrl.u32 s22, $0x3  }
0x12: {  	s21 =	sshrl.u32 @p0 s22, $0x3;
	s22 =	sshrl.u32 @!p0 s22, $0x3;
	s9 =	sadd.s32 $0x8800, s9  }
.LBB2_1:
0x13: {  	[tilespmem:s10], [sflag:$0x1] =	stream.linear.gather [hbm4b:s4+s3], $0x4000, $0x38;
	[tilespmem:$0x18400] =	vst v63  }
0x14: {  	_ =	swait.ge [sflag:s11], $0x4000  }
0x15: {  	[sflag:s11] =	ssyncset.done $0x0  }
0x16: {  	[sflag:s11] =	ssyncadd.s32 $0xFFFFC000  }
0x17: {  	[spmem:s13], [sflag:s12] =	dma.local [hbm:s5], $0x2800  }
0x18: {  	_ =	swait.ge [sflag:s11], $0x2800  }
0x19: {  	[sflag:s11] =	ssyncset.done $0x0  }
0x1a: {  	[sflag:s11] =	ssyncadd.s32 $0xFFFFD800  }
0x1b: {  	s24 =	sadd.s32 $0x0, s9;
	[bflag:$0x0] =	sbarrier.arrive $0xFFFF  }
0x1c: {  	[tilespmem:s3], [sflag:$0x1] =	stream.linear.gather [hbm4b:s24+s3], $0x400, $0x38;
	[tilespmem:$0x18400] =	vst v63  }
0x1d: {  	_ =	swait.ge [sflag:s11], $0x400  }
0x1e: {  	[sflag:s11] =	ssyncset.done $0x0  }
0x1f: {  	[sflag:s11] =	ssyncadd.s32 $0xFFFFFC00  }
0x20: {  	[spmem:s2] =	stream.indirect.scatter.add.f32 [tilespmem:s10], [sflag:$0x1], $0x80, s3, s14, $0xb8;
	[tilespmem:$0x18400] =	vst v63  }
0x21: {  	_ =	swait.ge [sflag:s11], $0x4000  }
0x22: {  	[sflag:s11] =	ssyncset.done $0x0  }
0x23: {  	[sflag:s11] =	ssyncadd.s32 $0xFFFFC000  }
0x24: {  	[spmem:s2] =	stream.indirect.scatter.add.f32 [tilespmem:s10], [sflag:$0x1], $0x80, s14, s14, $0xb8;
	[tilespmem:$0x18400] =	vst v63  }
0x25: {  	_ =	swait.ge [sflag:s11], $0x4000  }
0x26: {  	[sflag:s11] =	ssyncset.done $0x0  }
0x27: {  	[sflag:s11] =	ssyncadd.s32 $0xFFFFC000  }
0x28: {  	[spmem:s2] =	stream.indirect.scatter.add.f32 [tilespmem:s10], [sflag:$0x1], $0x80, s15, s14, $0xb8;
	[tilespmem:$0x18400] =	vst v63  }
0x29: {  	_ =	swait.ge [sflag:s11], $0x4000  }
0x2a: {  	[sflag:s11] =	ssyncset.done $0x0  }
0x2b: {  	[sflag:s11] =	ssyncadd.s32 $0xFFFFC000  }
0x2c: {  	[spmem:s2] =	stream.indirect.scatter.add.f32 [tilespmem:s10], [sflag:$0x1], $0x80, s16, s14, $0xb8;
	[tilespmem:$0x18400] =	vst v63  }
0x2d: {  	_ =	swait.ge [sflag:s11], $0x4000  }
0x2e: {  	[sflag:s11] =	ssyncset.done $0x0  }
0x2f: {  	[sflag:s11] =	ssyncadd.s32 $0xFFFFC000  }
0x30: {  	[spmem:s2] =	stream.indirect.scatter.add.f32 [tilespmem:s10], [sflag:$0x1], $0x80, s17, s14, $0xb8;
	[tilespmem:$0x18400] =	vst v63  }
0x31: {  	_ =	swait.ge [sflag:s11], $0x4000  }
0x32: {  	[sflag:s11] =	ssyncset.done $0x0  }
0x33: {  	[sflag:s11] =	ssyncadd.s32 $0xFFFFC000  }
0x34: {  	[spmem:s2] =	stream.indirect.scatter.add.f32 [tilespmem:s10], [sflag:$0x1], $0x80, s18, s14, $0xb8;
	[tilespmem:$0x18400] =	vst v63  }
0x35: {  	_ =	swait.ge [sflag:s11], $0x4000  }
0x36: {  	[sflag:s11] =	ssyncset.done $0x0  }
0x37: {  	[sflag:s11] =	ssyncadd.s32 $0xFFFFC000  }
0x38: {  	[spmem:s2] =	stream.indirect.scatter.add.f32 [tilespmem:s10], [sflag:$0x1], $0x80, s19, s14, $0xb8;
	[tilespmem:$0x18400] =	vst v63  }
0x39: {  	_ =	swait.ge [sflag:s11], $0x4000  }
0x3a: {  	[sflag:s11] =	ssyncset.done $0x0  }
0x3b: {  	[sflag:s11] =	ssyncadd.s32 $0xFFFFC000  }
0x3c: {  	[spmem:s2] =	stream.indirect.scatter.add.f32 [tilespmem:s10], [sflag:$0x1], $0x80, s20, s14, $0xb8;
	[tilespmem:$0x18400] =	vst v63  }
0x3d: {  	_ =	swait.ge [sflag:s11], $0x4000  }
0x3e: {  	s26 =	simm.s32 $0x100;
	s24 =	simm.s32 $0x80;
	[sflag:s11] =	ssyncset.done $0x0  }
.LBB2_2:
0x3f: {  	s28 =	sadd.s32 s24, s9  }
0x40: {  	[sflag:s11] =	ssyncadd.s32 $0xFFFFC000;
	s24 =	smov.u32 s26;
	s25 =	sadd.s32 $0x80, s26  }
0x41: {  	[tilespmem:s3], [sflag:$0x1] =	stream.linear.gather [hbm4b:s28+s3], $0x400, $0x38;
	[tilespmem:$0x18400] =	vst v63  }
0x42: {  	p1 =	sne.s32 s26, $0x200;
	_ =	swait.ge [sflag:s11], $0x400  }
0x43: {  	[sflag:s11] =	ssyncset.done $0x0  }
0x44: {  	[sflag:s11] =	ssyncadd.s32 $0xFFFFFC00  }
0x45: {  	[spmem:s2] =	stream.indirect.scatter.add.f32 [tilespmem:s10], [sflag:$0x1], $0x80, s3, s14, $0xb8;
	[tilespmem:$0x18400] =	vst v63  }
0x46: {  	_ =	swait.ge [sflag:s11], $0x4000  }
0x47: {  	[sflag:s11] =	ssyncset.done $0x0  }
0x48: {  	[sflag:s11] =	ssyncadd.s32 $0xFFFFC000  }
0x49: {  	[spmem:s2] =	stream.indirect.scatter.add.f32 [tilespmem:s10], [sflag:$0x1], $0x80, s14, s14, $0xb8;
	[tilespmem:$0x18400] =	vst v63  }
0x4a: {  	_ =	swait.ge [sflag:s11], $0x4000  }
0x4b: {  	[sflag:s11] =	ssyncset.done $0x0  }
0x4c: {  	[sflag:s11] =	ssyncadd.s32 $0xFFFFC000  }
0x4d: {  	[spmem:s2] =	stream.indirect.scatter.add.f32 [tilespmem:s10], [sflag:$0x1], $0x80, s15, s14, $0xb8;
	[tilespmem:$0x18400] =	vst v63  }
0x4e: {  	_ =	swait.ge [sflag:s11], $0x4000  }
0x4f: {  	[sflag:s11] =	ssyncset.done $0x0  }
0x50: {  	[sflag:s11] =	ssyncadd.s32 $0xFFFFC000  }
0x51: {  	[spmem:s2] =	stream.indirect.scatter.add.f32 [tilespmem:s10], [sflag:$0x1], $0x80, s16, s14, $0xb8;
	[tilespmem:$0x18400] =	vst v63  }
0x52: {  	_ =	swait.ge [sflag:s11], $0x4000  }
0x53: {  	[sflag:s11] =	ssyncset.done $0x0  }
0x54: {  	[sflag:s11] =	ssyncadd.s32 $0xFFFFC000  }
0x55: {  	[spmem:s2] =	stream.indirect.scatter.add.f32 [tilespmem:s10], [sflag:$0x1], $0x80, s17, s14, $0xb8;
	[tilespmem:$0x18400] =	vst v63  }
0x56: {  	_ =	swait.ge [sflag:s11], $0x4000  }
0x57: {  	[sflag:s11] =	ssyncset.done $0x0  }
0x58: {  	[sflag:s11] =	ssyncadd.s32 $0xFFFFC000  }
0x59: {  	[spmem:s2] =	stream.indirect.scatter.add.f32 [tilespmem:s10], [sflag:$0x1], $0x80, s18, s14, $0xb8;
	[tilespmem:$0x18400] =	vst v63  }
0x5a: {  	_ =	swait.ge [sflag:s11], $0x4000  }
0x5b: {  	[sflag:s11] =	ssyncset.done $0x0  }
0x5c: {  	[sflag:s11] =	ssyncadd.s32 $0xFFFFC000  }
0x5d: {  	[spmem:s2] =	stream.indirect.scatter.add.f32 [tilespmem:s10], [sflag:$0x1], $0x80, s19, s14, $0xb8;
	[tilespmem:$0x18400] =	vst v63  }
0x5e: {  	_ =	swait.ge [sflag:s11], $0x4000  }
.Ltmp0:
0x5f: {  	[sflag:s11] =	ssyncset.done $0x0;
	(pc) =	sbr.rel @p1 .LBB2_2-.Ltmp0, $4  }
0x60: {  	[sflag:s11] =	ssyncadd.s32 $0xFFFFC000  }
0x61: {  	[spmem:s2] =	stream.indirect.scatter.add.f32 [tilespmem:s10], [sflag:$0x1], $0x80, s20, s14, $0xb8;
	[tilespmem:$0x18400] =	vst v63  }
0x62: {  	_ =	swait.ge [sflag:s11], $0x4000  }
0x63: {  	s26 =	smov.u32 s25;
	[sflag:s11] =	ssyncset.done $0x0  }
0x64: {  	s24 =	sadd.s32 s24, s9;
	[sflag:s11] =	ssyncadd.s32 $0xFFFFC000  }
0x65: {  	[tilespmem:s3], [sflag:$0x1] =	stream.linear.gather [hbm4b:s24+s3], $0x400, $0x38;
	[tilespmem:$0x18400] =	vst v63  }
0x66: {  	_ =	swait.ge [sflag:s11], $0x400  }
0x67: {  	[sflag:s11] =	ssyncset.done $0x0  }
0x68: {  	[sflag:s11] =	ssyncadd.s32 $0xFFFFFC00  }
0x69: {  	[spmem:s2] =	stream.indirect.scatter.add.f32 [tilespmem:s10], [sflag:$0x1], $0x80, s3, s14, $0xb8;
	[tilespmem:$0x18400] =	vst v63  }
0x6a: {  	_ =	swait.ge [sflag:s11], $0x4000  }
0x6b: {  	[sflag:s11] =	ssyncset.done $0x0  }
0x6c: {  	[sflag:s11] =	ssyncadd.s32 $0xFFFFC000  }
0x6d: {  	[spmem:s2] =	stream.indirect.scatter.add.f32 [tilespmem:s10], [sflag:$0x1], $0x80, s14, s14, $0xb8;
	[tilespmem:$0x18400] =	vst v63  }
0x6e: {  	_ =	swait.ge [sflag:s11], $0x4000  }
0x6f: {  	[sflag:s11] =	ssyncset.done $0x0  }
0x70: {  	[sflag:s11] =	ssyncadd.s32 $0xFFFFC000  }
0x71: {  	[spmem:s2] =	stream.indirect.scatter.add.f32 [tilespmem:s10], [sflag:$0x1], $0x80, s15, s14, $0xb8;
	[tilespmem:$0x18400] =	vst v63  }
0x72: {  	_ =	swait.ge [sflag:s11], $0x4000  }
0x73: {  	[sflag:s11] =	ssyncset.done $0x0  }
0x74: {  	[sflag:s11] =	ssyncadd.s32 $0xFFFFC000  }
0x75: {  	[spmem:s2] =	stream.indirect.scatter.add.f32 [tilespmem:s10], [sflag:$0x1], $0x80, s16, s14, $0xb8;
	[tilespmem:$0x18400] =	vst v63  }
0x76: {  	_ =	swait.ge [sflag:s11], $0x4000  }
0x77: {  	[sflag:s11] =	ssyncset.done $0x0  }
0x78: {  	[sflag:s11] =	ssyncadd.s32 $0xFFFFC000  }
0x79: {  	[spmem:s2] =	stream.indirect.scatter.add.f32 [tilespmem:s10], [sflag:$0x1], $0x80, s17, s14, $0xb8;
	[tilespmem:$0x18400] =	vst v63  }
0x7a: {  	_ =	swait.ge [sflag:s11], $0x4000  }
0x7b: {  	[sflag:s11] =	ssyncset.done $0x0  }
0x7c: {  	[sflag:s11] =	ssyncadd.s32 $0xFFFFC000  }
0x7d: {  	[spmem:s2] =	stream.indirect.scatter.add.f32 [tilespmem:s10], [sflag:$0x1], $0x80, s18, s14, $0xb8;
	[tilespmem:$0x18400] =	vst v63  }
0x7e: {  	_ =	swait.ge [sflag:s11], $0x4000  }
0x7f: {  	[sflag:s11] =	ssyncset.done $0x0  }
0x80: {  	[sflag:s11] =	ssyncadd.s32 $0xFFFFC000  }
0x81: {  	[spmem:s2] =	stream.indirect.scatter.add.f32 [tilespmem:s10], [sflag:$0x1], $0x80, s19, s14, $0xb8;
	[tilespmem:$0x18400] =	vst v63  }
0x82: {  	_ =	swait.ge [sflag:s11], $0x4000  }
0x83: {  	[sflag:s11] =	ssyncset.done $0x0  }
0x84: {  	[sflag:s11] =	ssyncadd.s32 $0xFFFFC000  }
0x85: {  	[spmem:s2] =	stream.indirect.scatter.add.f32 [tilespmem:s10], [sflag:$0x1], $0x80, s20, s14, $0xb8;
	[tilespmem:$0x18400] =	vst v63  }
0x86: {  	_ =	swait.ge [sflag:s11], $0x4000  }
0x87: {  	[sflag:s11] =	ssyncset.done $0x0  }
0x88: {  	[sflag:s11] =	ssyncadd.s32 $0xFFFFC000  }
0x89: {  	s24 =	simm.s32 @p0 $0x1;
	[bflag:$0x0] =	sbarrier.arrive $0xFFFF  }
0x8a: {  	[hbm:s7], [sflag:s12] =	dma.local @p0 [spmem:s21], $0x1900  }
0x8b: {  	s23 =	sadd.s32 $0x1, s23;
	_ =	swait.ge @p0 [sflag:s24], $0x1900  }
0x8c: {  	p1 =	sne.s32 s23, s8;
	[sflag:s24] =	ssyncset.done @p0 $0x0  }
.Ltmp1:
0x8d: {  	[sflag:s24] =	ssyncadd.s32 @p0 $0xFFFFE700;
	s24 =	simm.s32 @!p0 $0x1;
	(pc) =	sbr.rel @p1 .LBB2_1-.Ltmp1, $4  }
0x8e: {  	[hbm:s6], [sflag:s12] =	dma.local @!p0 [spmem:s22], $0x2800  }
0x8f: {  	_ =	swait.ge @!p0 [sflag:s24], $0x2800  }
0x90: {  	[sflag:s24] =	ssyncset.done @!p0 $0x0  }
0x91: {  	[sflag:s24] =	ssyncadd.s32 @!p0 $0xFFFFD800  }
0x92: {  	_ =	sfence.sel $0x180000  }
0x93: {  	[bflag:$0x0] =	sbarrier.arrive $0xFFFF  }
0x94: {  	p0 =	sne.s32 s0, $0x0;
	_ =	strace $0x90000047  }
0x95: {  	s0 =	sadd.s32 @!p0 $0x100000, s1;
	[bflag:$0x2] =	sbarrier.arrive $0xFFFF  }
0x96: {  	[sflag:s0] =	ssyncadd.tile.s32 @!p0 $0x1;
	_ =	shalt  }
.Lfunc_end2:
_tile_overlayer_lowered:
.L_overlay_start_2:
0x97: {  	(tag) =	ssettag $0x2  }
0x98: {  	s0 =	rddreg [dreg:$0x0];
	s2 =	stileid.u32  }
0x99: {  	s1 =	rddreg [dreg:$0x1];
	p0 =	sne.s32 s2, $0x0  }
0x9a: {  	s3 =	rddreg [dreg:$0x2];
	[bflag:$0x3] =	sbarrier.arrive $0xFFFF;
	s2 =	simm.s32 @!p0 $0x1C01  }
0x9b: {  	[timem:s3], [sflag:s2] =	dma.local @!p0 [hbm:s0], s1  }
0x9c: {  	s0 =	simm.s32 @!p0 $0x1  }
0x9d: {  	_ =	swait.ge @!p0 [sflag:s0], s1  }
0x9e: {  	s1 =	ssub.s32 @!p0 $0x0, s1;
	[sflag:s0] =	ssyncset.done @!p0 $0x0  }
0x9f: {  	[sflag:s0] =	ssyncadd.s32 @!p0 s1  }
0xa0: {  	[bflag:$0x3] =	sbarrier.arrive $0xFFFF  }
0xa1: {  	_ =	shalt  }

// kernel: kernel.15.cloned.1.call-start
scs
__scs_entry_jumppad:
0x0: {  	(pc) =	sbr.rel $0x88, $3  }
0x1: {  	(tag) =	ssettag $0x0;
	lr =	simm.s32 $0x1  }
0x2: {  	[smem:$0x3F97] =	sst lr;
	_ =	strace $0xD0000000  }
0x3: {  	_ = 	snop  }
0x4: {  	_ = 	snop  }
0x5: {  	_ = 	snop  }
0x6: {  	_ = 	snop  }
0x7: {  	_ = 	snop  }
__scs_overlays_trampoline_lowered:
0x8: {  	[smem:$0x3FA6] =	sst s0  }
0x9: {  	[smem:$0x3FA7] =	sst s1  }
0xa: {  	[smem:$0x3FA8] =	sst s2  }
0xb: {  	[smem:$0x3FA9] =	sst s3  }
0xc: {  	[smem:$0x3FAA] =	sst s4  }
0xd: {  	[smem:$0x3FAB] =	sst s5  }
0xe: {  	[smem:$0x3FAC] =	sst s6  }
0xf: {  	[smem:$0x3FAD] =	sst s7  }
0x10: {  	[smem:$0x3FAE] =	sst s8  }
0x11: {  	[smem:$0x3FAF] =	sst s9;
	s0 =	simm.s32 @!p0 $0x0  }
0x12: {  	s1 =	sld [smem:$0x3F95];
	s0 =	simm.s32 @p0 $0x1  }
0x13: {  	[smem:$0x3FB0] =	sst s0;
	s0 =	simm.s32 @!p1 $0x0  }
0x14: {  	s2 =	sld [smem:$0x3F94];
	s0 =	simm.s32 @p1 $0x1  }
0x15: {  	[smem:$0x3FB1] =	sst s0;
	s0 =	simm.s32 @!p2 $0x0  }
0x16: {  	s3 =	sld [smem:$0x3FDB];
	s0 =	simm.s32 @p2 $0x1  }
0x17: {  	s4 =	simm.s32 $0x1BF5;
	[smem:$0x3FB3] =	sst s0  }
0x18: {  	s0 =	sld [smem:$0x3F96];
	_ =	swait.ge [sflag:s4], $0x0  }
0x19: {  	s7 =	sld [smem:$0x3F97]  }
0x1a: {  	s8 =	sadd.s32 $0xFFFFE003, lr  }
0x1b: {  	s9 =	sadd.s32 $0xFFFFFEF7, lr;
	s5 =	simm.s32 $0xFFFFFFFF;
	p2 =	slt.u32 s8, $0xFFFFF086  }
0x1c: {  	p1 =	slt.u32 s9, $0xF7A;
	s5 =	simm.s32 @!p2 $0x0  }
0x1d: {  	s5 =	simm.s32 @p1 $0x1;
	p0 =	seq.s32 s7, s2  }
0x1e: {  	s7 =	smul.u32 @!p0 $0xF7A, s2;
	p2 =	seq.s32 @!p0 s5, $0x0  }
0x1f: {  	s9 =	smul.u32 $0xF7A, s1;
	s8 =	simm.s32 @!p0 $0x1BF5;
	p2 =	por !p2, p0  }
0x20: {  	[sflag:s8] =	ssyncset.s32 @!p0 $0xFFFFF086;
	s6 =	sadd.s32 @!p0 s3, s7;
	s7 =	simm.s32 @!p0 $0x108  }
0x21: {  	s3 =	sadd.s32 s3, s9;
	s6 =	sadd.s32 @!p0 $0x88, s6;
	s7 =	simm.s32 @p2 $0x1082  }
0x22: {  	[simem:s7], [sflag:s8] =	dma.local @!p0 [hbm:s6], $0xF7A  }
0x23: {  	s9 =	sor.u32 $0xD0000000, s2;
	s6 =	simm.s32 $0x108;
	_ =	swait.ge @!p0 [sflag:s8], $0x0  }
0x24: {  	s3 =	sadd.s32 $0x88, s3;
	s6 =	simm.s32 @!p1 $0x1082;
	[sflag:s4] =	ssyncset.s32 $0xFFFFF086  }
0x25: {  	[simem:s6], [sflag:s4] =	dma.local [hbm:s3], $0xF7A  }
0x26: {  	[smem:$0x3F97] =	sst s1;
	(tag) =	ssettag s2;
	_ =	strace s9  }
0x27: {  	s1 =	sld [smem:$0x3FA7]  }
0x28: {  	s2 =	sld [smem:$0x3FA8]  }
0x29: {  	s4 =	sld [smem:$0x3FAA]  }
0x2a: {  	p0 =	seq.s32 s5, $0x0;
	s5 =	sld [smem:$0x3FAB]  }
0x2b: {  	s6 =	sld [smem:$0x3FAC]  }
0x2c: {  	s7 =	sld [smem:$0x3FAD]  }
0x2d: {  	s3 =	simm.s32 $0x108;
	s8 =	sld [smem:$0x3FAE]  }
0x2e: {  	s3 =	simm.s32 @!p0 $0x1082;
	s9 =	sld [smem:$0x3FAF]  }
0x2f: {  	lr =	sadd.s32 s0, s3;
	s0 =	sld [smem:$0x3FA6]  }
0x30: {  	s3 =	sld [smem:$0x3FA9]  }
0x31: {  	[smem:$0x3FB2] =	sst s10  }
0x32: {  	s10 =	sld [smem:$0x3FB0];
	_ =	sdelay $0x3  }
0x33: {  	p0 =	seq.s32 s10, $0x1;
	s10 =	sld [smem:$0x3FB2];
	_ =	sdelay $0x3  }
0x34: {  	[smem:$0x3FB2] =	sst s10  }
0x35: {  	s10 =	sld [smem:$0x3FB1];
	_ =	sdelay $0x3  }
0x36: {  	p1 =	seq.s32 s10, $0x1;
	s10 =	sld [smem:$0x3FB2];
	_ =	sdelay $0x3  }
0x37: {  	[smem:$0x3FB2] =	sst s10  }
0x38: {  	s10 =	sld [smem:$0x3FB3]  }
0x39: {  	_ = 	snop;
	(pc) =	sbr.ind lr, $3  }
0x3a: {  	_ = 	snop  }
0x3b: {  	_ = 	snop  }
0x3c: {  	p2 =	seq.s32 s10, $0x1;
	s10 =	sld [smem:$0x3FB2]  }
0x3d: {  	_ =	shalt  }
0x3e: {  	_ =	shalt  }
0x3f: {  	_ =	shalt  }
0x40: {  	_ =	shalt  }
0x41: {  	_ =	shalt  }
0x42: {  	_ =	shalt  }
0x43: {  	_ =	shalt  }
0x44: {  	_ =	shalt  }
0x45: {  	_ =	shalt  }
0x46: {  	_ =	shalt  }
0x47: {  	_ =	shalt  }
0x48: {  	_ =	shalt  }
0x49: {  	_ =	shalt  }
0x4a: {  	_ =	shalt  }
0x4b: {  	_ =	shalt  }
0x4c: {  	_ =	shalt  }
0x4d: {  	_ =	shalt  }
0x4e: {  	_ =	shalt  }
0x4f: {  	_ =	shalt  }
0x50: {  	_ =	shalt  }
0x51: {  	_ =	shalt  }
0x52: {  	_ =	shalt  }
0x53: {  	_ =	shalt  }
0x54: {  	_ =	shalt  }
0x55: {  	_ =	shalt  }
0x56: {  	_ =	shalt  }
0x57: {  	_ =	shalt  }
0x58: {  	_ =	shalt  }
0x59: {  	_ =	shalt  }
0x5a: {  	_ =	shalt  }
0x5b: {  	_ =	shalt  }
0x5c: {  	_ =	shalt  }
0x5d: {  	_ =	shalt  }
0x5e: {  	_ =	shalt  }
0x5f: {  	_ =	shalt  }
0x60: {  	_ =	shalt  }
0x61: {  	_ =	shalt  }
0x62: {  	_ =	shalt  }
0x63: {  	_ =	shalt  }
0x64: {  	_ =	shalt  }
0x65: {  	_ =	shalt  }
0x66: {  	_ =	shalt  }
0x67: {  	_ =	shalt  }
0x68: {  	_ =	shalt  }
0x69: {  	_ =	shalt  }
0x6a: {  	_ =	shalt  }
0x6b: {  	_ =	shalt  }
0x6c: {  	_ =	shalt  }
0x6d: {  	_ =	shalt  }
0x6e: {  	_ =	shalt  }
0x6f: {  	_ =	shalt  }
0x70: {  	_ =	shalt  }
0x71: {  	_ =	shalt  }
0x72: {  	_ =	shalt  }
0x73: {  	_ =	shalt  }
0x74: {  	_ =	shalt  }
0x75: {  	_ =	shalt  }
0x76: {  	_ =	shalt  }
0x77: {  	_ =	shalt  }
0x78: {  	_ =	shalt  }
0x79: {  	_ =	shalt  }
0x7a: {  	_ =	shalt  }
0x7b: {  	_ =	shalt  }
0x7c: {  	_ =	shalt  }
0x7d: {  	_ =	shalt  }
0x7e: {  	_ =	shalt  }
0x7f: {  	_ =	shalt  }
0x80: {  	_ =	shalt  }
0x81: {  	_ =	shalt  }
0x82: {  	_ =	shalt  }
0x83: {  	_ =	shalt  }
0x84: {  	_ =	shalt  }
0x85: {  	_ =	shalt  }
0x86: {  	_ =	shalt  }
0x87: {  	_ =	shalt  }
.Lfunc_end0:
.L_simem_size_0:
called_computation.1_lowered:
.L_overlay_start_0:
0x88: {  	s2 =	sld [smem:$0x3FD9]  }
0x89: {  	s3 =	sld [smem:$0x3FFE];
	_ =	sdelay $0x1  }
0x8a: {  	s1 =	srdreg.scid  }
0x8b: {  	s0 =	sand.u32 $0x1, s1  }
0x8c: {  	s17 =	sshll.u32 s0, $0xA;
	s2 =	sadd.s32 s3, s2  }
0x8d: {  	s2 =	sadd.s32 s2, s17  }
0x8e: {  	[smem:$0x3FBE] =	sst s2  }
0x8f: {  	_ = 	snop  }
0x90: {  	s2 =	sld [smem:$0x3FD0];
	(tm) =	ssettm $0x1  }
0x91: {  	s18 =	sld [smem:$0x3FFB];
	_ =	sdelay $0x3  }
0x92: {  	_ =	strace s18  }
0x93: {  	s3 =	sld [smem:$0x3FFC];
	_ =	sdelay $0x3  }
0x94: {  	_ =	strace s3  }
0x95: {  	s3 =	sld [smem:$0x3FFD];
	_ =	sdelay $0x3  }
0x96: {  	_ =	strace s3  }
0x97: {  	_ =	strace $0x8FFFFFFF  }
0x98: {  	s19 =	sld [smem:$0x3FDB];
	_ =	sdelay $0x1  }
0x99: {  	s4 =	simm.s32 $_scs_section_size  }
0x9a: {  	s5 =	simm.s32 $_size__tile_overlayer_lowered;
	s6 =	simm.s32 $_tile_overlayer_lowered  }
0x9b: {  	s22 =	simm.s32 $0x1BFF;
	s21 =	sshll.u32 s6, $0x1;
	s3 =	sadd.s32 s4, s19  }
0x9c: {  	s7 =	simm.s32 $0x0;
	s20 =	sshll.u32 s5, $0x1;
	s5 =	sadd.s32 s21, s3  }
0x9d: {  	[timem:s7], [sflag:s22] =	dma.local [hbm:s5], s20  }
0x9e: {  	_ =	swait.ge [sflag:s22], s20  }
0x9f: {  	s4 =	ssub.s32 $0x0, s20;
	[sflag:s22] =	ssyncset.done $0x0  }
0xa0: {  	[sflag:s22] =	ssyncadd.s32 s4;
	_ =	sdelay $0x1  }
0xa1: {  	s23 =	simm.s32 $0x1B8B  }
0xa2: {  	_ =	swait.ge [sflag:s23], $0x1  }
0xa3: {  	[sflag:s23] =	ssyncset.done $0x0  }
0xa4: {  	s25 =	simm.s32 $0x1B8E;
	s24 =	sld [smem:$0x3FFE];
	[sflag:s23] =	ssyncadd.s32 $0xFFFFFFFF  }
0xa5: {  	s26 =	simm.s32 $execute0_lowered;
	[smem:$0x3FD2] =	sst s25  }
0xa6: {  	s5 =	sshll.u32 s26, $0x1;
	_ =	strace $0x80000049;
	[dreg:$0x1] =	wrdreg $0xFFFFFFFF  }
0xa7: {  	s28 =	simm.s32 $_size_execute0_lowered;
	s3 =	sadd.s32 s3, s5;
	[dreg:$0x0] =	wrdreg $0x0  }
0xa8: {  	s5 =	sshll.u32 s28, $0x1;
	[dreg:$0x2] =	wrdreg s3  }
0xa9: {  	[dreg:$0x3] =	wrdreg s5  }
0xaa: {  	[dreg:$0x4] =	wrdreg $0xC0  }
0xab: {  	_ =	task [dreg:s7], $0x5FFFF  }
0xac: {  	[dreg:$0x1] =	wrdreg $0xFFFFFFFF  }
0xad: {  	[dreg:$0x0] =	wrdreg $0x60  }
0xae: {  	[dreg:$0x2] =	wrdreg s24  }
0xaf: {  	[dreg:$0x3] =	wrdreg s2  }
0xb0: {  	[dreg:$0x4] =	wrdreg $0x82000  }
0xb1: {  	[dreg:$0x5] =	wrdreg $0x9  }
0xb2: {  	_ =	task.clear_ibuf [dreg:s7], $0x6FFFF;
	_ =	strace $0x90000049  }
0xb3: {  	s29 =	simm.s32 $0x9;
	_ =	strace $0x8000004B  }
0xb4: {  	_ =	swait.ge [sflag:s29], $0x1  }
0xb5: {  	[sflag:s29] =	ssyncadd.s32 $0xFFFFFFFF  }
0xb6: {  	_ =	strace $0x9000004B  }
0xb7: {  	_ =	sfence  }
0xb8: {  	s30 =	sld [smem:$0x0];
	_ =	sdelay $0x2  }
0xb9: {  	s31 =	sshll.u32 s1, $0xD;
	s1 =	sshrl.u32 s1, $0x2  }
0xba: {  	s3 =	sand.u32 $0x4000, s31;
	s1 =	sadd.s32 s1, s30  }
0xbb: {  	s0 =	sor.u32 s3, s0;
	s1 =	sshll.u32 s1, $0x11  }
0xbc: {  	s0 =	sor.u32 s1, s0  }
0xbd: {  	s0 =	sadd.s32 $0x8F2B, s0  }
0xbe: {  	[sflag:s0] =	ssyncadd.remote.s32 $0x1  }
0xbf: {  	_ =	sfence.sel $0xFFFF  }
0xc0: {  	[dreg:$0x0] =	wrdreg $0xFFFFFFFF;
	(pc) =	sbr.abs _section_cstart, $3  }
0xc1: {  	[dreg:$0x1] =	wrdreg $0xFFFFFFFF  }
0xc2: {  	_ =	task.clear_ibuf [dreg:s7], $0x2FFFF;
	_ =	strace $0x9FFFFFFF  }
0xc3: {  	(tm) =	ssettm $0x7FFFFFFF  }
tec
execute0_lowered:
.L_overlay_start_1:
0x0: {  	(tag) =	ssettag $0x1  }
0x1: {  	s5 =	rddreg [dreg:$0x0]  }
0x2: {  	s8 =	rddreg [dreg:$0x1]  }
0x3: {  	s2 =	rddreg [dreg:$0x2]  }
0x4: {  	s0 =	rddreg [dreg:$0x3]  }
0x5: {  	s3 =	simm.s32 $0x0;
	s4 =	srdreg.scid;
	s1 =	stileid.u32  }
0x6: {  	s18 =	simm.s32 $0x200;
	s19 =	simm.s32 $0x100;
	s20 =	simm.s32 $0x180  }
0x7: {  	s21 =	simm.s32 $0x4200;
	s22 =	simm.s32 $0x1;
	s23 =	simm.s32 $0x2  }
0x8: {  	[smem:$0x7FF] =	sst s3;
	s6 =	sand.u32 $0x1, s4;
	s7 =	smul.u32 $0x50000, s1  }
0x9: {  	s14 =	sadd.s32 $0x3800, s5;
	s13 =	sadd.s32 $0x8800, s5;
	s11 =	smul.u32 $0x28, s1  }
0xa: {  	s4 =	sadd.s32 $0x10800, s5;
	s5 =	sadd.s32 $0xE000, s5;
	s24 =	smul.u32 $0x14000, s1  }
0xb: {  	s16 =	sshll.u32 s1, $0x6;
	s25 =	smul.u32 $0x1400, s1;
	p0 =	seq.s32 s1, $0xF  }
0xc: {  	_ =	strace $0x8000004A;
	s9 =	smul.u32 $0x280, s6;
	s10 =	ssub.s32 $0x2, s6  }
0xd: {  	s15 =	smul.u32 $0x138800, s6;
	s12 =	sshrl.u32 s10, $0x1;
	s7 =	sshrl.u32 s7, $0x2  }
0xe: {  	s17 =	smul.u32 $0x14000, s6;
	s10 =	ssub.s32 s10, s12;
	s6 =	sadd.s32 s7, s2  }
0xf: {  	s7 =	sor.u32 $0x1C03, s16;
	s11 =	sadd.s32 s11, s9;
	s26 =	sadd.s32 s24, s15  }
0x10: {  	s28 =	sshrl.u32 s15, $0x3;
	s29 =	sadd.s32 s25, s17;
	s16 =	simm.s32 $0x3  }
0x11: {  	s17 =	simm.s32 $0x80;
	s24 =	simm.s32 $0x0;
	s9 =	sshrl.u32 s26, $0x3  }
0x12: {  	s12 =	sadd.s32 s8, s28;
	s30 =	sor.u32 $0x80, s29;
	s10 =	smax.u32 s10, $0x1  }
0x13: {  	s8 =	sadd.s32 s8, s9;
	s9 =	sadd.s32 $0x25800, s12;
	s12 =	sshrl.u32 s30, $0x3  }
0x14: {  	s31 =	sshll.u32 s11, $0x4;
	s15 =	sshrl.u32 s6, $0x3;
	s11 =	sadd.s32 s12, s13  }
0x15: {  	s12 =	sadd.s32 s12, s14;
	s13 =	sadd.s32 s31, s13;
	s14 =	sadd.s32 s31, s14  }
.LBB2_1:
0x16: {  	[spmem:s15], [sflag:s7] =	dma.local [hbm:s5], $0x2800  }
0x17: {  	_ =	swait.ge [sflag:s16], $0x2800  }
0x18: {  	[sflag:s16] =	ssyncset.done $0x0  }
0x19: {  	[sflag:s16] =	ssyncadd.s32 $0xFFFFD800  }
0x1a: {  	s25 =	sadd.s32 $0x0, s14;
	[bflag:$0x0] =	sbarrier.arrive $0xFFFF  }
0x1b: {  	[tilespmem:s3], [sflag:$0x3] =	stream.linear.gather [hbm4b:s25+s3], $0x80, $0x38;
	[tilespmem:$0x1C200] =	vst v63  }
0x1c: {  	_ =	swait.ge [sflag:s16], $0x80  }
0x1d: {  	[sflag:s16] =	ssyncset.done $0x0  }
0x1e: {  	s29 =	sadd.s32 $0x0, s13;
	[sflag:s16] =	ssyncadd.s32 $0xFFFFFF80  }
0x1f: {  	[tilespmem:s17], [sflag:$0x3] =	stream.linear.gather [hbm4b:s29+s3], $0x80, $0x38;
	[tilespmem:$0x1C200] =	vst v63  }
0x20: {  	_ =	swait.ge [sflag:s16], $0x80  }
0x21: {  	[sflag:s16] =	ssyncset.done $0x0  }
0x22: {  	[sflag:s16] =	ssyncadd.s32 $0xFFFFFF80  }
0x23: {  	[tilespmem:s18], [sflag:$0x1] =	stream.indirect.gather [hbm4b:s4+s17], $0x80, s3, s17, $0xb8;
	[tilespmem:$0x1C200] =	vst v63  }
0x24: {  	s30 =	sadd.s32 $0x0, s12  }
0x25: {  	[tilespmem:s19], [sflag:$0x3] =	stream.linear.gather [hbm4b:s30+s3], $0x80, $0x38;
	[tilespmem:$0x1C200] =	vst v63  }
0x26: {  	_ =	swait.ge [sflag:s16], $0x80  }
0x27: {  	[sflag:s16] =	ssyncset.done $0x0  }
0x28: {  	s31 =	sadd.s32 $0x0, s11;
	[sflag:s16] =	ssyncadd.s32 $0xFFFFFF80  }
0x29: {  	[tilespmem:s20], [sflag:$0x3] =	stream.linear.gather [hbm4b:s31+s3], $0x80, $0x38;
	[tilespmem:$0x1C200] =	vst v63  }
0x2a: {  	_ =	swait.ge [sflag:s16], $0x80  }
0x2b: {  	[sflag:s16] =	ssyncset.done $0x0  }
0x2c: {  	[sflag:s16] =	ssyncadd.s32 $0xFFFFFF80  }
0x2d: {  	[tilespmem:s21], [sflag:$0x2] =	stream.indirect.gather [hbm4b:s4+s17], $0x80, s19, s17, $0xb8;
	[tilespmem:$0x1C200] =	vst v63  }
0x2e: {  	_ =	swait.ge [sflag:s22], $0x4000  }
0x2f: {  	[sflag:s22] =	ssyncset.done $0x0  }
0x30: {  	[sflag:s22] =	ssyncadd.s32 $0xFFFFC000  }
0x31: {  	[spmem:s2] =	stream.indirect.scatter.add.f32 [tilespmem:s18], [sflag:$0x3], $0x80, s17, s17, $0xb8;
	[tilespmem:$0x1C200] =	vst v63  }
0x32: {  	_ =	swait.ge [sflag:s16], $0x4000  }
0x33: {  	[sflag:s16] =	ssyncset.done $0x0  }
0x34: {  	[sflag:s16] =	ssyncadd.s32 $0xFFFFC000  }
0x35: {  	_ =	swait.ge [sflag:s23], $0x4000  }
0x36: {  	[sflag:s23] =	ssyncset.done $0x0  }
0x37: {  	[sflag:s23] =	ssyncadd.s32 $0xFFFFC000  }
0x38: {  	[spmem:s2] =	stream.indirect.scatter.add.f32 [tilespmem:s21], [sflag:$0x3], $0x80, s20, s17, $0xb8;
	[tilespmem:$0x1C200] =	vst v63  }
0x39: {  	_ =	swait.ge [sflag:s16], $0x4000  }
0x3a: {  	s28 =	simm.s32 $0x40;
	s25 =	simm.s32 $0x20;
	[sflag:s16] =	ssyncset.done $0x0  }
.LBB2_2:
0x3b: {  	s29 =	sadd.s32 s25, s14  }
0x3c: {  	[sflag:s16] =	ssyncadd.s32 $0xFFFFC000;
	s30 =	smov.u32 s28;
	s26 =	sadd.s32 $0x20, s28  }
0x3d: {  	[tilespmem:s3], [sflag:$0x3] =	stream.linear.gather [hbm4b:s29+s3], $0x80, $0x38;
	[tilespmem:$0x1C200] =	vst v63  }
0x3e: {  	p1 =	sne.s32 s28, $0x260;
	_ =	swait.ge [sflag:s16], $0x80  }
0x3f: {  	[sflag:s16] =	ssyncset.done $0x0  }
0x40: {  	s28 =	sadd.s32 s25, s13;
	[sflag:s16] =	ssyncadd.s32 $0xFFFFFF80  }
0x41: {  	[tilespmem:s17], [sflag:$0x3] =	stream.linear.gather [hbm4b:s28+s3], $0x80, $0x38;
	[tilespmem:$0x1C200] =	vst v63  }
0x42: {  	_ =	swait.ge [sflag:s16], $0x80  }
0x43: {  	[sflag:s16] =	ssyncset.done $0x0  }
0x44: {  	[sflag:s16] =	ssyncadd.s32 $0xFFFFFF80  }
0x45: {  	[tilespmem:s18], [sflag:$0x1] =	stream.indirect.gather [hbm4b:s4+s17], $0x80, s3, s17, $0xb8;
	[tilespmem:$0x1C200] =	vst v63  }
0x46: {  	s28 =	sadd.s32 s25, s12  }
0x47: {  	[tilespmem:s19], [sflag:$0x3] =	stream.linear.gather [hbm4b:s28+s3], $0x80, $0x38;
	[tilespmem:$0x1C200] =	vst v63  }
0x48: {  	_ =	swait.ge [sflag:s16], $0x80  }
0x49: {  	[sflag:s16] =	ssyncset.done $0x0  }
0x4a: {  	s28 =	sadd.s32 s25, s11;
	s25 =	smov.u32 s30;
	[sflag:s16] =	ssyncadd.s32 $0xFFFFFF80  }
0x4b: {  	[tilespmem:s20], [sflag:$0x3] =	stream.linear.gather [hbm4b:s28+s3], $0x80, $0x38;
	[tilespmem:$0x1C200] =	vst v63  }
0x4c: {  	_ =	swait.ge [sflag:s16], $0x80  }
0x4d: {  	[sflag:s16] =	ssyncset.done $0x0  }
0x4e: {  	[sflag:s16] =	ssyncadd.s32 $0xFFFFFF80  }
0x4f: {  	[tilespmem:s21], [sflag:$0x2] =	stream.indirect.gather [hbm4b:s4+s17], $0x80, s19, s17, $0xb8;
	[tilespmem:$0x1C200] =	vst v63  }
0x50: {  	_ =	swait.ge [sflag:s22], $0x4000  }
0x51: {  	[sflag:s22] =	ssyncset.done $0x0  }
0x52: {  	[sflag:s22] =	ssyncadd.s32 $0xFFFFC000  }
0x53: {  	[spmem:s2] =	stream.indirect.scatter.add.f32 [tilespmem:s18], [sflag:$0x3], $0x80, s17, s17, $0xb8;
	[tilespmem:$0x1C200] =	vst v63  }
0x54: {  	_ =	swait.ge [sflag:s16], $0x4000  }
0x55: {  	[sflag:s16] =	ssyncset.done $0x0  }
0x56: {  	[sflag:s16] =	ssyncadd.s32 $0xFFFFC000  }
0x57: {  	_ =	swait.ge [sflag:s23], $0x4000  }
.Ltmp0:
0x58: {  	[sflag:s23] =	ssyncset.done $0x0;
	(pc) =	sbr.rel @p1 .LBB2_2-.Ltmp0, $4  }
0x59: {  	[sflag:s23] =	ssyncadd.s32 $0xFFFFC000  }
0x5a: {  	[spmem:s2] =	stream.indirect.scatter.add.f32 [tilespmem:s21], [sflag:$0x3], $0x80, s20, s17, $0xb8;
	[tilespmem:$0x1C200] =	vst v63  }
0x5b: {  	_ =	swait.ge [sflag:s16], $0x4000  }
0x5c: {  	s28 =	smov.u32 s26;
	[sflag:s16] =	ssyncset.done $0x0  }
0x5d: {  	s26 =	sadd.s32 s25, s14;
	[sflag:s16] =	ssyncadd.s32 $0xFFFFC000  }
0x5e: {  	[tilespmem:s3], [sflag:$0x3] =	stream.linear.gather [hbm4b:s26+s3], $0x80, $0x38;
	[tilespmem:$0x1C200] =	vst v63  }
0x5f: {  	_ =	swait.ge [sflag:s16], $0x80  }
0x60: {  	[sflag:s16] =	ssyncset.done $0x0  }
0x61: {  	s29 =	sadd.s32 s25, s13;
	[sflag:s16] =	ssyncadd.s32 $0xFFFFFF80  }
0x62: {  	[tilespmem:s17], [sflag:$0x3] =	stream.linear.gather [hbm4b:s29+s3], $0x80, $0x38;
	[tilespmem:$0x1C200] =	vst v63  }
0x63: {  	_ =	swait.ge [sflag:s16], $0x80  }
0x64: {  	[sflag:s16] =	ssyncset.done $0x0  }
0x65: {  	[sflag:s16] =	ssyncadd.s32 $0xFFFFFF80  }
0x66: {  	[tilespmem:s18], [sflag:$0x1] =	stream.indirect.gather [hbm4b:s4+s17], $0x80, s3, s17, $0xb8;
	[tilespmem:$0x1C200] =	vst v63  }
0x67: {  	s30 =	sadd.s32 s25, s12  }
0x68: {  	[tilespmem:s19], [sflag:$0x3] =	stream.linear.gather [hbm4b:s30+s3], $0x80, $0x38;
	[tilespmem:$0x1C200] =	vst v63  }
0x69: {  	_ =	swait.ge [sflag:s16], $0x80  }
0x6a: {  	[sflag:s16] =	ssyncset.done $0x0  }
0x6b: {  	s31 =	sadd.s32 s25, s11;
	[sflag:s16] =	ssyncadd.s32 $0xFFFFFF80  }
0x6c: {  	[tilespmem:s20], [sflag:$0x3] =	stream.linear.gather [hbm4b:s31+s3], $0x80, $0x38;
	[tilespmem:$0x1C200] =	vst v63  }
0x6d: {  	_ =	swait.ge [sflag:s16], $0x80  }
0x6e: {  	[sflag:s16] =	ssyncset.done $0x0  }
0x6f: {  	[sflag:s16] =	ssyncadd.s32 $0xFFFFFF80  }
0x70: {  	[tilespmem:s21], [sflag:$0x2] =	stream.indirect.gather [hbm4b:s4+s17], $0x80, s19, s17, $0xb8;
	[tilespmem:$0x1C200] =	vst v63  }
0x71: {  	_ =	swait.ge [sflag:s22], $0x4000  }
0x72: {  	[sflag:s22] =	ssyncset.done $0x0  }
0x73: {  	[sflag:s22] =	ssyncadd.s32 $0xFFFFC000  }
0x74: {  	[spmem:s2] =	stream.indirect.scatter.add.f32 [tilespmem:s18], [sflag:$0x3], $0x80, s17, s17, $0xb8;
	[tilespmem:$0x1C200] =	vst v63  }
0x75: {  	_ =	swait.ge [sflag:s16], $0x4000  }
0x76: {  	[sflag:s16] =	ssyncset.done $0x0  }
0x77: {  	[sflag:s16] =	ssyncadd.s32 $0xFFFFC000  }
0x78: {  	_ =	swait.ge [sflag:s23], $0x4000  }
0x79: {  	[sflag:s23] =	ssyncset.done $0x0  }
0x7a: {  	[sflag:s23] =	ssyncadd.s32 $0xFFFFC000  }
0x7b: {  	[spmem:s2] =	stream.indirect.scatter.add.f32 [tilespmem:s21], [sflag:$0x3], $0x80, s20, s17, $0xb8;
	[tilespmem:$0x1C200] =	vst v63  }
0x7c: {  	_ =	swait.ge [sflag:s16], $0x4000  }
0x7d: {  	[sflag:s16] =	ssyncset.done $0x0  }
0x7e: {  	[sflag:s16] =	ssyncadd.s32 $0xFFFFC000  }
0x7f: {  	s25 =	sshrl.u32 @p0 s6, $0x3;
	[bflag:$0x0] =	sbarrier.arrive $0xFFFF  }
0x80: {  	[hbm:s9], [sflag:s7] =	dma.local @p0 [spmem:s25], $0x1900  }
0x81: {  	s25 =	simm.s32 @p0 $0x3  }
0x82: {  	_ =	swait.ge @p0 [sflag:s25], $0x1900  }
0x83: {  	s24 =	sadd.s32 $0x1, s24;
	[sflag:s25] =	ssyncset.done @p0 $0x0  }
0x84: {  	p1 =	sne.s32 s24, s10;
	[sflag:s25] =	ssyncadd.s32 @p0 $0xFFFFE700;
	s25 =	sshrl.u32 @!p0 s6, $0x3  }
0x85: {  	[hbm:s8], [sflag:s7] =	dma.local @!p0 [spmem:s25], $0x2800  }
.Ltmp1:
0x86: {  	_ = 	snop;
	(pc) =	sbr.rel @p1 .LBB2_1-.Ltmp1, $4  }
0x87: {  	s25 =	simm.s32 @!p0 $0x3  }
0x88: {  	_ =	swait.ge @!p0 [sflag:s25], $0x2800  }
0x89: {  	[sflag:s25] =	ssyncset.done @!p0 $0x0  }
0x8a: {  	[sflag:s25] =	ssyncadd.s32 @!p0 $0xFFFFD800  }
0x8b: {  	_ =	sfence.sel $0x180000  }
0x8c: {  	[bflag:$0x0] =	sbarrier.arrive $0xFFFF  }
0x8d: {  	p0 =	sne.s32 s1, $0x0;
	_ =	strace $0x9000004A  }
0x8e: {  	s0 =	sadd.s32 @!p0 $0x100000, s0;
	[bflag:$0x2] =	sbarrier.arrive $0xFFFF  }
0x8f: {  	[sflag:s0] =	ssyncadd.tile.s32 @!p0 $0x1;
	_ =	shalt  }
.Lfunc_end2:
_tile_overlayer_lowered:
.L_overlay_start_2:
0x90: {  	(tag) =	ssettag $0x2  }
0x91: {  	s0 =	rddreg [dreg:$0x0];
	s2 =	stileid.u32  }
0x92: {  	s1 =	rddreg [dreg:$0x1];
	p0 =	sne.s32 s2, $0x0  }
0x93: {  	s3 =	rddreg [dreg:$0x2];
	[bflag:$0x3] =	sbarrier.arrive $0xFFFF;
	s2 =	simm.s32 @!p0 $0x1C03  }
0x94: {  	[timem:s3], [sflag:s2] =	dma.local @!p0 [hbm:s0], s1  }
0x95: {  	s0 =	simm.s32 @!p0 $0x3  }
0x96: {  	_ =	swait.ge @!p0 [sflag:s0], s1  }
0x97: {  	s1 =	ssub.s32 @!p0 $0x0, s1;
	[sflag:s0] =	ssyncset.done @!p0 $0x0  }
0x98: {  	[sflag:s0] =	ssyncadd.s32 @!p0 s1  }
0x99: {  	[bflag:$0x3] =	sbarrier.arrive $0xFFFF  }
0x9a: {  	_ =	shalt  }

// kernel: kernel.18.cloned.1.call-start
scs
__scs_entry_jumppad:
0x0: {  	(pc) =	sbr.rel $0x88, $3  }
0x1: {  	(tag) =	ssettag $0x0;
	lr =	simm.s32 $0x1  }
0x2: {  	[smem:$0x3F97] =	sst lr;
	_ =	strace $0xD0000000  }
0x3: {  	_ = 	snop  }
0x4: {  	_ = 	snop  }
0x5: {  	_ = 	snop  }
0x6: {  	_ = 	snop  }
0x7: {  	_ = 	snop  }
__scs_overlays_trampoline_lowered:
0x8: {  	[smem:$0x3FA6] =	sst s0  }
0x9: {  	[smem:$0x3FA7] =	sst s1  }
0xa: {  	[smem:$0x3FA8] =	sst s2  }
0xb: {  	[smem:$0x3FA9] =	sst s3  }
0xc: {  	[smem:$0x3FAA] =	sst s4  }
0xd: {  	[smem:$0x3FAB] =	sst s5  }
0xe: {  	[smem:$0x3FAC] =	sst s6  }
0xf: {  	[smem:$0x3FAD] =	sst s7  }
0x10: {  	[smem:$0x3FAE] =	sst s8  }
0x11: {  	[smem:$0x3FAF] =	sst s9;
	s0 =	simm.s32 @!p0 $0x0  }
0x12: {  	s1 =	sld [smem:$0x3F95];
	s0 =	simm.s32 @p0 $0x1  }
0x13: {  	[smem:$0x3FB0] =	sst s0;
	s0 =	simm.s32 @!p1 $0x0  }
0x14: {  	s2 =	sld [smem:$0x3F94];
	s0 =	simm.s32 @p1 $0x1  }
0x15: {  	[smem:$0x3FB1] =	sst s0;
	s0 =	simm.s32 @!p2 $0x0  }
0x16: {  	s3 =	sld [smem:$0x3FDB];
	s0 =	simm.s32 @p2 $0x1  }
0x17: {  	s4 =	simm.s32 $0x1BF5;
	[smem:$0x3FB3] =	sst s0  }
0x18: {  	s0 =	sld [smem:$0x3F96];
	_ =	swait.ge [sflag:s4], $0x0  }
0x19: {  	s7 =	sld [smem:$0x3F97]  }
0x1a: {  	s8 =	sadd.s32 $0xFFFFE003, lr  }
0x1b: {  	s9 =	sadd.s32 $0xFFFFFEF7, lr;
	s5 =	simm.s32 $0xFFFFFFFF;
	p2 =	slt.u32 s8, $0xFFFFF086  }
0x1c: {  	p1 =	slt.u32 s9, $0xF7A;
	s5 =	simm.s32 @!p2 $0x0  }
0x1d: {  	s5 =	simm.s32 @p1 $0x1;
	p0 =	seq.s32 s7, s2  }
0x1e: {  	s7 =	smul.u32 @!p0 $0xF7A, s2;
	p2 =	seq.s32 @!p0 s5, $0x0  }
0x1f: {  	s9 =	smul.u32 $0xF7A, s1;
	s8 =	simm.s32 @!p0 $0x1BF5;
	p2 =	por !p2, p0  }
0x20: {  	[sflag:s8] =	ssyncset.s32 @!p0 $0xFFFFF086;
	s6 =	sadd.s32 @!p0 s3, s7;
	s7 =	simm.s32 @!p0 $0x108  }
0x21: {  	s3 =	sadd.s32 s3, s9;
	s6 =	sadd.s32 @!p0 $0x88, s6;
	s7 =	simm.s32 @p2 $0x1082  }
0x22: {  	[simem:s7], [sflag:s8] =	dma.local @!p0 [hbm:s6], $0xF7A  }
0x23: {  	s9 =	sor.u32 $0xD0000000, s2;
	s6 =	simm.s32 $0x108;
	_ =	swait.ge @!p0 [sflag:s8], $0x0  }
0x24: {  	s3 =	sadd.s32 $0x88, s3;
	s6 =	simm.s32 @!p1 $0x1082;
	[sflag:s4] =	ssyncset.s32 $0xFFFFF086  }
0x25: {  	[simem:s6], [sflag:s4] =	dma.local [hbm:s3], $0xF7A  }
0x26: {  	[smem:$0x3F97] =	sst s1;
	(tag) =	ssettag s2;
	_ =	strace s9  }
0x27: {  	s1 =	sld [smem:$0x3FA7]  }
0x28: {  	s2 =	sld [smem:$0x3FA8]  }
0x29: {  	s4 =	sld [smem:$0x3FAA]  }
0x2a: {  	p0 =	seq.s32 s5, $0x0;
	s5 =	sld [smem:$0x3FAB]  }
0x2b: {  	s6 =	sld [smem:$0x3FAC]  }
0x2c: {  	s7 =	sld [smem:$0x3FAD]  }
0x2d: {  	s3 =	simm.s32 $0x108;
	s8 =	sld [smem:$0x3FAE]  }
0x2e: {  	s3 =	simm.s32 @!p0 $0x1082;
	s9 =	sld [smem:$0x3FAF]  }
0x2f: {  	lr =	sadd.s32 s0, s3;
	s0 =	sld [smem:$0x3FA6]  }
0x30: {  	s3 =	sld [smem:$0x3FA9]  }
0x31: {  	[smem:$0x3FB2] =	sst s10  }
0x32: {  	s10 =	sld [smem:$0x3FB0];
	_ =	sdelay $0x3  }
0x33: {  	p0 =	seq.s32 s10, $0x1;
	s10 =	sld [smem:$0x3FB2];
	_ =	sdelay $0x3  }
0x34: {  	[smem:$0x3FB2] =	sst s10  }
0x35: {  	s10 =	sld [smem:$0x3FB1];
	_ =	sdelay $0x3  }
0x36: {  	p1 =	seq.s32 s10, $0x1;
	s10 =	sld [smem:$0x3FB2];
	_ =	sdelay $0x3  }
0x37: {  	[smem:$0x3FB2] =	sst s10  }
0x38: {  	s10 =	sld [smem:$0x3FB3]  }
0x39: {  	_ = 	snop;
	(pc) =	sbr.ind lr, $3  }
0x3a: {  	_ = 	snop  }
0x3b: {  	_ = 	snop  }
0x3c: {  	p2 =	seq.s32 s10, $0x1;
	s10 =	sld [smem:$0x3FB2]  }
0x3d: {  	_ =	shalt  }
0x3e: {  	_ =	shalt  }
0x3f: {  	_ =	shalt  }
0x40: {  	_ =	shalt  }
0x41: {  	_ =	shalt  }
0x42: {  	_ =	shalt  }
0x43: {  	_ =	shalt  }
0x44: {  	_ =	shalt  }
0x45: {  	_ =	shalt  }
0x46: {  	_ =	shalt  }
0x47: {  	_ =	shalt  }
0x48: {  	_ =	shalt  }
0x49: {  	_ =	shalt  }
0x4a: {  	_ =	shalt  }
0x4b: {  	_ =	shalt  }
0x4c: {  	_ =	shalt  }
0x4d: {  	_ =	shalt  }
0x4e: {  	_ =	shalt  }
0x4f: {  	_ =	shalt  }
0x50: {  	_ =	shalt  }
0x51: {  	_ =	shalt  }
0x52: {  	_ =	shalt  }
0x53: {  	_ =	shalt  }
0x54: {  	_ =	shalt  }
0x55: {  	_ =	shalt  }
0x56: {  	_ =	shalt  }
0x57: {  	_ =	shalt  }
0x58: {  	_ =	shalt  }
0x59: {  	_ =	shalt  }
0x5a: {  	_ =	shalt  }
0x5b: {  	_ =	shalt  }
0x5c: {  	_ =	shalt  }
0x5d: {  	_ =	shalt  }
0x5e: {  	_ =	shalt  }
0x5f: {  	_ =	shalt  }
0x60: {  	_ =	shalt  }
0x61: {  	_ =	shalt  }
0x62: {  	_ =	shalt  }
0x63: {  	_ =	shalt  }
0x64: {  	_ =	shalt  }
0x65: {  	_ =	shalt  }
0x66: {  	_ =	shalt  }
0x67: {  	_ =	shalt  }
0x68: {  	_ =	shalt  }
0x69: {  	_ =	shalt  }
0x6a: {  	_ =	shalt  }
0x6b: {  	_ =	shalt  }
0x6c: {  	_ =	shalt  }
0x6d: {  	_ =	shalt  }
0x6e: {  	_ =	shalt  }
0x6f: {  	_ =	shalt  }
0x70: {  	_ =	shalt  }
0x71: {  	_ =	shalt  }
0x72: {  	_ =	shalt  }
0x73: {  	_ =	shalt  }
0x74: {  	_ =	shalt  }
0x75: {  	_ =	shalt  }
0x76: {  	_ =	shalt  }
0x77: {  	_ =	shalt  }
0x78: {  	_ =	shalt  }
0x79: {  	_ =	shalt  }
0x7a: {  	_ =	shalt  }
0x7b: {  	_ =	shalt  }
0x7c: {  	_ =	shalt  }
0x7d: {  	_ =	shalt  }
0x7e: {  	_ =	shalt  }
0x7f: {  	_ =	shalt  }
0x80: {  	_ =	shalt  }
0x81: {  	_ =	shalt  }
0x82: {  	_ =	shalt  }
0x83: {  	_ =	shalt  }
0x84: {  	_ =	shalt  }
0x85: {  	_ =	shalt  }
0x86: {  	_ =	shalt  }
0x87: {  	_ =	shalt  }
.Lfunc_end0:
.L_simem_size_0:
called_computation.2_lowered:
.L_overlay_start_0:
0x88: {  	s2 =	sld [smem:$0x3FD9]  }
0x89: {  	s3 =	sld [smem:$0x3FFE];
	_ =	sdelay $0x1  }
0x8a: {  	s1 =	srdreg.scid  }
0x8b: {  	s0 =	sand.u32 $0x1, s1  }
0x8c: {  	s17 =	sshll.u32 s0, $0xA;
	s2 =	sadd.s32 s3, s2  }
0x8d: {  	s2 =	sadd.s32 s2, s17  }
0x8e: {  	[smem:$0x3FBE] =	sst s2  }
0x8f: {  	_ = 	snop  }
0x90: {  	s2 =	sld [smem:$0x3FD0];
	(tm) =	ssettm $0x1  }
0x91: {  	s18 =	sld [smem:$0x3FFB];
	_ =	sdelay $0x3  }
0x92: {  	_ =	strace s18  }
0x93: {  	s3 =	sld [smem:$0x3FFC];
	_ =	sdelay $0x3  }
0x94: {  	_ =	strace s3  }
0x95: {  	s3 =	sld [smem:$0x3FFD];
	_ =	sdelay $0x3  }
0x96: {  	_ =	strace s3  }
0x97: {  	_ =	strace $0x8FFFFFFF  }
0x98: {  	s19 =	sld [smem:$0x3FDB];
	_ =	sdelay $0x1  }
0x99: {  	s4 =	simm.s32 $_scs_section_size  }
0x9a: {  	s5 =	simm.s32 $_size__tile_overlayer_lowered;
	s6 =	simm.s32 $_tile_overlayer_lowered  }
0x9b: {  	s22 =	simm.s32 $0x1BFF;
	s21 =	sshll.u32 s6, $0x1;
	s3 =	sadd.s32 s4, s19  }
0x9c: {  	s7 =	simm.s32 $0x0;
	s20 =	sshll.u32 s5, $0x1;
	s5 =	sadd.s32 s21, s3  }
0x9d: {  	[timem:s7], [sflag:s22] =	dma.local [hbm:s5], s20  }
0x9e: {  	_ =	swait.ge [sflag:s22], s20  }
0x9f: {  	s4 =	ssub.s32 $0x0, s20;
	[sflag:s22] =	ssyncset.done $0x0  }
0xa0: {  	[sflag:s22] =	ssyncadd.s32 s4;
	_ =	sdelay $0x1  }
0xa1: {  	s23 =	simm.s32 $0x1B8B  }
0xa2: {  	_ =	swait.ge [sflag:s23], $0x1  }
0xa3: {  	[sflag:s23] =	ssyncset.done $0x0  }
0xa4: {  	s25 =	simm.s32 $0x1B8E;
	s24 =	sld [smem:$0x3FFE];
	[sflag:s23] =	ssyncadd.s32 $0xFFFFFFFF  }
0xa5: {  	s26 =	simm.s32 $execute0_lowered;
	[smem:$0x3FD2] =	sst s25  }
0xa6: {  	s5 =	sshll.u32 s26, $0x1;
	_ =	strace $0x8000004C;
	[dreg:$0x1] =	wrdreg $0xFFFFFFFF  }
0xa7: {  	s28 =	simm.s32 $_size_execute0_lowered;
	s3 =	sadd.s32 s3, s5;
	[dreg:$0x0] =	wrdreg $0x0  }
0xa8: {  	s5 =	sshll.u32 s28, $0x1;
	[dreg:$0x2] =	wrdreg s3  }
0xa9: {  	[dreg:$0x3] =	wrdreg s5  }
0xaa: {  	[dreg:$0x4] =	wrdreg $0xC0  }
0xab: {  	_ =	task [dreg:s7], $0x5FFFF  }
0xac: {  	[dreg:$0x1] =	wrdreg $0xFFFFFFFF  }
0xad: {  	[dreg:$0x0] =	wrdreg $0x60  }
0xae: {  	[dreg:$0x2] =	wrdreg s24  }
0xaf: {  	[dreg:$0x3] =	wrdreg s2  }
0xb0: {  	[dreg:$0x4] =	wrdreg $0x82000  }
0xb1: {  	[dreg:$0x5] =	wrdreg $0x9  }
0xb2: {  	_ =	task.clear_ibuf [dreg:s7], $0x6FFFF;
	_ =	strace $0x9000004C  }
0xb3: {  	s29 =	simm.s32 $0x9;
	_ =	strace $0x8000004E  }
0xb4: {  	_ =	swait.ge [sflag:s29], $0x1  }
0xb5: {  	[sflag:s29] =	ssyncadd.s32 $0xFFFFFFFF  }
0xb6: {  	_ =	strace $0x9000004E  }
0xb7: {  	_ =	sfence  }
0xb8: {  	s30 =	sld [smem:$0x0];
	_ =	sdelay $0x2  }
0xb9: {  	s31 =	sshll.u32 s1, $0xD;
	s1 =	sshrl.u32 s1, $0x2  }
0xba: {  	s3 =	sand.u32 $0x4000, s31;
	s1 =	sadd.s32 s1, s30  }
0xbb: {  	s0 =	sor.u32 s3, s0;
	s1 =	sshll.u32 s1, $0x11  }
0xbc: {  	s0 =	sor.u32 s1, s0  }
0xbd: {  	s0 =	sadd.s32 $0x8F2B, s0  }
0xbe: {  	[sflag:s0] =	ssyncadd.remote.s32 $0x1  }
0xbf: {  	_ =	sfence.sel $0xFFFF  }
0xc0: {  	[dreg:$0x0] =	wrdreg $0xFFFFFFFF;
	(pc) =	sbr.abs _section_cstart, $3  }
0xc1: {  	[dreg:$0x1] =	wrdreg $0xFFFFFFFF  }
0xc2: {  	_ =	task.clear_ibuf [dreg:s7], $0x2FFFF;
	_ =	strace $0x9FFFFFFF  }
0xc3: {  	(tm) =	ssettm $0x7FFFFFFF  }
tec
execute0_lowered:
.L_overlay_start_1:
0x0: {  	(tag) =	ssettag $0x1  }
0x1: {  	s5 =	rddreg [dreg:$0x0]  }
0x2: {  	s8 =	rddreg [dreg:$0x1]  }
0x3: {  	s2 =	rddreg [dreg:$0x2]  }
0x4: {  	s0 =	rddreg [dreg:$0x3]  }
0x5: {  	s3 =	simm.s32 $0x0;
	s4 =	srdreg.scid;
	s1 =	stileid.u32  }
0x6: {  	s18 =	simm.s32 $0x200;
	s19 =	simm.s32 $0x100;
	s20 =	simm.s32 $0x180  }
0x7: {  	s21 =	simm.s32 $0x4200;
	s22 =	simm.s32 $0x1;
	s23 =	simm.s32 $0x2  }
0x8: {  	[smem:$0x7FF] =	sst s3;
	s6 =	sand.u32 $0x1, s4;
	s7 =	smul.u32 $0x50000, s1  }
0x9: {  	s14 =	sadd.s32 $0x3800, s5;
	s13 =	sadd.s32 $0x8800, s5;
	s11 =	smul.u32 $0x28, s1  }
0xa: {  	s4 =	sadd.s32 $0x10800, s5;
	s5 =	sadd.s32 $0xE000, s5;
	s24 =	smul.u32 $0x14000, s1  }
0xb: {  	s16 =	sshll.u32 s1, $0x6;
	s25 =	smul.u32 $0x1400, s1;
	p0 =	seq.s32 s1, $0xF  }
0xc: {  	_ =	strace $0x8000004D;
	s9 =	smul.u32 $0x280, s6;
	s10 =	ssub.s32 $0x2, s6  }
0xd: {  	s15 =	smul.u32 $0x138800, s6;
	s12 =	sshrl.u32 s10, $0x1;
	s7 =	sshrl.u32 s7, $0x2  }
0xe: {  	s17 =	smul.u32 $0x14000, s6;
	s10 =	ssub.s32 s10, s12;
	s6 =	sadd.s32 s7, s2  }
0xf: {  	s7 =	sor.u32 $0x1C03, s16;
	s11 =	sadd.s32 s11, s9;
	s26 =	sadd.s32 s24, s15  }
0x10: {  	s28 =	sshrl.u32 s15, $0x3;
	s29 =	sadd.s32 s25, s17;
	s16 =	simm.s32 $0x3  }
0x11: {  	s17 =	simm.s32 $0x80;
	s24 =	simm.s32 $0x0;
	s9 =	sshrl.u32 s26, $0x3  }
0x12: {  	s12 =	sadd.s32 s8, s28;
	s30 =	sor.u32 $0x80, s29;
	s10 =	smax.u32 s10, $0x1  }
0x13: {  	s8 =	sadd.s32 s8, s9;
	s9 =	sadd.s32 $0x25800, s12;
	s12 =	sshrl.u32 s30, $0x3  }
0x14: {  	s31 =	sshll.u32 s11, $0x4;
	s15 =	sshrl.u32 s6, $0x3;
	s11 =	sadd.s32 s12, s13  }
0x15: {  	s12 =	sadd.s32 s12, s14;
	s13 =	sadd.s32 s31, s13;
	s14 =	sadd.s32 s31, s14  }
.LBB2_1:
0x16: {  	[spmem:s15], [sflag:s7] =	dma.local [hbm:s5], $0x2800  }
0x17: {  	_ =	swait.ge [sflag:s16], $0x2800  }
0x18: {  	[sflag:s16] =	ssyncset.done $0x0  }
0x19: {  	[sflag:s16] =	ssyncadd.s32 $0xFFFFD800  }
0x1a: {  	s25 =	sadd.s32 $0x0, s14;
	[bflag:$0x0] =	sbarrier.arrive $0xFFFF  }
0x1b: {  	[tilespmem:s3], [sflag:$0x3] =	stream.linear.gather [hbm4b:s25+s3], $0x80, $0x38;
	[tilespmem:$0x1C200] =	vst v63  }
0x1c: {  	_ =	swait.ge [sflag:s16], $0x80  }
0x1d: {  	[sflag:s16] =	ssyncset.done $0x0  }
0x1e: {  	s29 =	sadd.s32 $0x0, s13;
	[sflag:s16] =	ssyncadd.s32 $0xFFFFFF80  }
0x1f: {  	[tilespmem:s17], [sflag:$0x3] =	stream.linear.gather [hbm4b:s29+s3], $0x80, $0x38;
	[tilespmem:$0x1C200] =	vst v63  }
0x20: {  	_ =	swait.ge [sflag:s16], $0x80  }
0x21: {  	[sflag:s16] =	ssyncset.done $0x0  }
0x22: {  	[sflag:s16] =	ssyncadd.s32 $0xFFFFFF80  }
0x23: {  	[tilespmem:s18], [sflag:$0x1] =	stream.indirect.gather [hbm4b:s4+s17], $0x80, s3, s17, $0xb8;
	[tilespmem:$0x1C200] =	vst v63  }
0x24: {  	s30 =	sadd.s32 $0x0, s12  }
0x25: {  	[tilespmem:s19], [sflag:$0x3] =	stream.linear.gather [hbm4b:s30+s3], $0x80, $0x38;
	[tilespmem:$0x1C200] =	vst v63  }
0x26: {  	_ =	swait.ge [sflag:s16], $0x80  }
0x27: {  	[sflag:s16] =	ssyncset.done $0x0  }
0x28: {  	s31 =	sadd.s32 $0x0, s11;
	[sflag:s16] =	ssyncadd.s32 $0xFFFFFF80  }
0x29: {  	[tilespmem:s20], [sflag:$0x3] =	stream.linear.gather [hbm4b:s31+s3], $0x80, $0x38;
	[tilespmem:$0x1C200] =	vst v63  }
0x2a: {  	_ =	swait.ge [sflag:s16], $0x80  }
0x2b: {  	[sflag:s16] =	ssyncset.done $0x0  }
0x2c: {  	[sflag:s16] =	ssyncadd.s32 $0xFFFFFF80  }
0x2d: {  	[tilespmem:s21], [sflag:$0x2] =	stream.indirect.gather [hbm4b:s4+s17], $0x80, s19, s17, $0xb8;
	[tilespmem:$0x1C200] =	vst v63  }
0x2e: {  	_ =	swait.ge [sflag:s22], $0x4000  }
0x2f: {  	[sflag:s22] =	ssyncset.done $0x0  }
0x30: {  	[sflag:s22] =	ssyncadd.s32 $0xFFFFC000  }
0x31: {  	[spmem:s2] =	stream.indirect.scatter.add.f32 [tilespmem:s18], [sflag:$0x3], $0x80, s17, s17, $0xb8;
	[tilespmem:$0x1C200] =	vst v63  }
0x32: {  	_ =	swait.ge [sflag:s16], $0x4000  }
0x33: {  	[sflag:s16] =	ssyncset.done $0x0  }
0x34: {  	[sflag:s16] =	ssyncadd.s32 $0xFFFFC000  }
0x35: {  	_ =	swait.ge [sflag:s23], $0x4000  }
0x36: {  	[sflag:s23] =	ssyncset.done $0x0  }
0x37: {  	[sflag:s23] =	ssyncadd.s32 $0xFFFFC000  }
0x38: {  	[spmem:s2] =	stream.indirect.scatter.add.f32 [tilespmem:s21], [sflag:$0x3], $0x80, s20, s17, $0xb8;
	[tilespmem:$0x1C200] =	vst v63  }
0x39: {  	_ =	swait.ge [sflag:s16], $0x4000  }
0x3a: {  	s28 =	simm.s32 $0x40;
	s25 =	simm.s32 $0x20;
	[sflag:s16] =	ssyncset.done $0x0  }
.LBB2_2:
0x3b: {  	s29 =	sadd.s32 s25, s14  }
0x3c: {  	[sflag:s16] =	ssyncadd.s32 $0xFFFFC000;
	s30 =	smov.u32 s28;
	s26 =	sadd.s32 $0x20, s28  }
0x3d: {  	[tilespmem:s3], [sflag:$0x3] =	stream.linear.gather [hbm4b:s29+s3], $0x80, $0x38;
	[tilespmem:$0x1C200] =	vst v63  }
0x3e: {  	p1 =	sne.s32 s28, $0x260;
	_ =	swait.ge [sflag:s16], $0x80  }
0x3f: {  	[sflag:s16] =	ssyncset.done $0x0  }
0x40: {  	s28 =	sadd.s32 s25, s13;
	[sflag:s16] =	ssyncadd.s32 $0xFFFFFF80  }
0x41: {  	[tilespmem:s17], [sflag:$0x3] =	stream.linear.gather [hbm4b:s28+s3], $0x80, $0x38;
	[tilespmem:$0x1C200] =	vst v63  }
0x42: {  	_ =	swait.ge [sflag:s16], $0x80  }
0x43: {  	[sflag:s16] =	ssyncset.done $0x0  }
0x44: {  	[sflag:s16] =	ssyncadd.s32 $0xFFFFFF80  }
0x45: {  	[tilespmem:s18], [sflag:$0x1] =	stream.indirect.gather [hbm4b:s4+s17], $0x80, s3, s17, $0xb8;
	[tilespmem:$0x1C200] =	vst v63  }
0x46: {  	s28 =	sadd.s32 s25, s12  }
0x47: {  	[tilespmem:s19], [sflag:$0x3] =	stream.linear.gather [hbm4b:s28+s3], $0x80, $0x38;
	[tilespmem:$0x1C200] =	vst v63  }
0x48: {  	_ =	swait.ge [sflag:s16], $0x80  }
0x49: {  	[sflag:s16] =	ssyncset.done $0x0  }
0x4a: {  	s28 =	sadd.s32 s25, s11;
	s25 =	smov.u32 s30;
	[sflag:s16] =	ssyncadd.s32 $0xFFFFFF80  }
0x4b: {  	[tilespmem:s20], [sflag:$0x3] =	stream.linear.gather [hbm4b:s28+s3], $0x80, $0x38;
	[tilespmem:$0x1C200] =	vst v63  }
0x4c: {  	_ =	swait.ge [sflag:s16], $0x80  }
0x4d: {  	[sflag:s16] =	ssyncset.done $0x0  }
0x4e: {  	[sflag:s16] =	ssyncadd.s32 $0xFFFFFF80  }
0x4f: {  	[tilespmem:s21], [sflag:$0x2] =	stream.indirect.gather [hbm4b:s4+s17], $0x80, s19, s17, $0xb8;
	[tilespmem:$0x1C200] =	vst v63  }
0x50: {  	_ =	swait.ge [sflag:s22], $0x4000  }
0x51: {  	[sflag:s22] =	ssyncset.done $0x0  }
0x52: {  	[sflag:s22] =	ssyncadd.s32 $0xFFFFC000  }
0x53: {  	[spmem:s2] =	stream.indirect.scatter.add.f32 [tilespmem:s18], [sflag:$0x3], $0x80, s17, s17, $0xb8;
	[tilespmem:$0x1C200] =	vst v63  }
0x54: {  	_ =	swait.ge [sflag:s16], $0x4000  }
0x55: {  	[sflag:s16] =	ssyncset.done $0x0  }
0x56: {  	[sflag:s16] =	ssyncadd.s32 $0xFFFFC000  }
0x57: {  	_ =	swait.ge [sflag:s23], $0x4000  }
.Ltmp0:
0x58: {  	[sflag:s23] =	ssyncset.done $0x0;
	(pc) =	sbr.rel @p1 .LBB2_2-.Ltmp0, $4  }
0x59: {  	[sflag:s23] =	ssyncadd.s32 $0xFFFFC000  }
0x5a: {  	[spmem:s2] =	stream.indirect.scatter.add.f32 [tilespmem:s21], [sflag:$0x3], $0x80, s20, s17, $0xb8;
	[tilespmem:$0x1C200] =	vst v63  }
0x5b: {  	_ =	swait.ge [sflag:s16], $0x4000  }
0x5c: {  	s28 =	smov.u32 s26;
	[sflag:s16] =	ssyncset.done $0x0  }
0x5d: {  	s26 =	sadd.s32 s25, s14;
	[sflag:s16] =	ssyncadd.s32 $0xFFFFC000  }
0x5e: {  	[tilespmem:s3], [sflag:$0x3] =	stream.linear.gather [hbm4b:s26+s3], $0x80, $0x38;
	[tilespmem:$0x1C200] =	vst v63  }
0x5f: {  	_ =	swait.ge [sflag:s16], $0x80  }
0x60: {  	[sflag:s16] =	ssyncset.done $0x0  }
0x61: {  	s29 =	sadd.s32 s25, s13;
	[sflag:s16] =	ssyncadd.s32 $0xFFFFFF80  }
0x62: {  	[tilespmem:s17], [sflag:$0x3] =	stream.linear.gather [hbm4b:s29+s3], $0x80, $0x38;
	[tilespmem:$0x1C200] =	vst v63  }
0x63: {  	_ =	swait.ge [sflag:s16], $0x80  }
0x64: {  	[sflag:s16] =	ssyncset.done $0x0  }
0x65: {  	[sflag:s16] =	ssyncadd.s32 $0xFFFFFF80  }
0x66: {  	[tilespmem:s18], [sflag:$0x1] =	stream.indirect.gather [hbm4b:s4+s17], $0x80, s3, s17, $0xb8;
	[tilespmem:$0x1C200] =	vst v63  }
0x67: {  	s30 =	sadd.s32 s25, s12  }
0x68: {  	[tilespmem:s19], [sflag:$0x3] =	stream.linear.gather [hbm4b:s30+s3], $0x80, $0x38;
	[tilespmem:$0x1C200] =	vst v63  }
0x69: {  	_ =	swait.ge [sflag:s16], $0x80  }
0x6a: {  	[sflag:s16] =	ssyncset.done $0x0  }
0x6b: {  	s31 =	sadd.s32 s25, s11;
	[sflag:s16] =	ssyncadd.s32 $0xFFFFFF80  }
0x6c: {  	[tilespmem:s20], [sflag:$0x3] =	stream.linear.gather [hbm4b:s31+s3], $0x80, $0x38;
	[tilespmem:$0x1C200] =	vst v63  }
0x6d: {  	_ =	swait.ge [sflag:s16], $0x80  }
0x6e: {  	[sflag:s16] =	ssyncset.done $0x0  }
0x6f: {  	[sflag:s16] =	ssyncadd.s32 $0xFFFFFF80  }
0x70: {  	[tilespmem:s21], [sflag:$0x2] =	stream.indirect.gather [hbm4b:s4+s17], $0x80, s19, s17, $0xb8;
	[tilespmem:$0x1C200] =	vst v63  }
0x71: {  	_ =	swait.ge [sflag:s22], $0x4000  }
0x72: {  	[sflag:s22] =	ssyncset.done $0x0  }
0x73: {  	[sflag:s22] =	ssyncadd.s32 $0xFFFFC000  }
0x74: {  	[spmem:s2] =	stream.indirect.scatter.add.f32 [tilespmem:s18], [sflag:$0x3], $0x80, s17, s17, $0xb8;
	[tilespmem:$0x1C200] =	vst v63  }
0x75: {  	_ =	swait.ge [sflag:s16], $0x4000  }
0x76: {  	[sflag:s16] =	ssyncset.done $0x0  }
0x77: {  	[sflag:s16] =	ssyncadd.s32 $0xFFFFC000  }
0x78: {  	_ =	swait.ge [sflag:s23], $0x4000  }
0x79: {  	[sflag:s23] =	ssyncset.done $0x0  }
0x7a: {  	[sflag:s23] =	ssyncadd.s32 $0xFFFFC000  }
0x7b: {  	[spmem:s2] =	stream.indirect.scatter.add.f32 [tilespmem:s21], [sflag:$0x3], $0x80, s20, s17, $0xb8;
	[tilespmem:$0x1C200] =	vst v63  }
0x7c: {  	_ =	swait.ge [sflag:s16], $0x4000  }
0x7d: {  	[sflag:s16] =	ssyncset.done $0x0  }
0x7e: {  	[sflag:s16] =	ssyncadd.s32 $0xFFFFC000  }
0x7f: {  	s25 =	sshrl.u32 @p0 s6, $0x3;
	[bflag:$0x0] =	sbarrier.arrive $0xFFFF  }
0x80: {  	[hbm:s9], [sflag:s7] =	dma.local @p0 [spmem:s25], $0x1900  }
0x81: {  	s25 =	simm.s32 @p0 $0x3  }
0x82: {  	_ =	swait.ge @p0 [sflag:s25], $0x1900  }
0x83: {  	s24 =	sadd.s32 $0x1, s24;
	[sflag:s25] =	ssyncset.done @p0 $0x0  }
0x84: {  	p1 =	sne.s32 s24, s10;
	[sflag:s25] =	ssyncadd.s32 @p0 $0xFFFFE700;
	s25 =	sshrl.u32 @!p0 s6, $0x3  }
0x85: {  	[hbm:s8], [sflag:s7] =	dma.local @!p0 [spmem:s25], $0x2800  }
.Ltmp1:
0x86: {  	_ = 	snop;
	(pc) =	sbr.rel @p1 .LBB2_1-.Ltmp1, $4  }
0x87: {  	s25 =	simm.s32 @!p0 $0x3  }
0x88: {  	_ =	swait.ge @!p0 [sflag:s25], $0x2800  }
0x89: {  	[sflag:s25] =	ssyncset.done @!p0 $0x0  }
0x8a: {  	[sflag:s25] =	ssyncadd.s32 @!p0 $0xFFFFD800  }
0x8b: {  	_ =	sfence.sel $0x180000  }
0x8c: {  	[bflag:$0x0] =	sbarrier.arrive $0xFFFF  }
0x8d: {  	p0 =	sne.s32 s1, $0x0;
	_ =	strace $0x9000004D  }
0x8e: {  	s0 =	sadd.s32 @!p0 $0x100000, s0;
	[bflag:$0x2] =	sbarrier.arrive $0xFFFF  }
0x8f: {  	[sflag:s0] =	ssyncadd.tile.s32 @!p0 $0x1;
	_ =	shalt  }
.Lfunc_end2:
_tile_overlayer_lowered:
.L_overlay_start_2:
0x90: {  	(tag) =	ssettag $0x2  }
0x91: {  	s0 =	rddreg [dreg:$0x0];
	s2 =	stileid.u32  }
0x92: {  	s1 =	rddreg [dreg:$0x1];
	p0 =	sne.s32 s2, $0x0  }
0x93: {  	s3 =	rddreg [dreg:$0x2];
	[bflag:$0x3] =	sbarrier.arrive $0xFFFF;
	s2 =	simm.s32 @!p0 $0x1C03  }
0x94: {  	[timem:s3], [sflag:s2] =	dma.local @!p0 [hbm:s0], s1  }
0x95: {  	s0 =	simm.s32 @!p0 $0x3  }
0x96: {  	_ =	swait.ge @!p0 [sflag:s0], s1  }
0x97: {  	s1 =	ssub.s32 @!p0 $0x0, s1;
	[sflag:s0] =	ssyncset.done @!p0 $0x0  }
0x98: {  	[sflag:s0] =	ssyncadd.s32 @!p0 s1  }
0x99: {  	[bflag:$0x3] =	sbarrier.arrive $0xFFFF  }
0x9a: {  	_ =	shalt  }

// kernel: kernel.21.cloned.1.call-start
scs
__scs_entry_jumppad:
0x0: {  	(pc) =	sbr.rel $0x88, $3  }
0x1: {  	(tag) =	ssettag $0x0;
	lr =	simm.s32 $0x1  }
0x2: {  	[smem:$0x3F97] =	sst lr;
	_ =	strace $0xD0000000  }
0x3: {  	_ = 	snop  }
0x4: {  	_ = 	snop  }
0x5: {  	_ = 	snop  }
0x6: {  	_ = 	snop  }
0x7: {  	_ = 	snop  }
__scs_overlays_trampoline_lowered:
0x8: {  	[smem:$0x3FA6] =	sst s0  }
0x9: {  	[smem:$0x3FA7] =	sst s1  }
0xa: {  	[smem:$0x3FA8] =	sst s2  }
0xb: {  	[smem:$0x3FA9] =	sst s3  }
0xc: {  	[smem:$0x3FAA] =	sst s4  }
0xd: {  	[smem:$0x3FAB] =	sst s5  }
0xe: {  	[smem:$0x3FAC] =	sst s6  }
0xf: {  	[smem:$0x3FAD] =	sst s7  }
0x10: {  	[smem:$0x3FAE] =	sst s8  }
0x11: {  	[smem:$0x3FAF] =	sst s9;
	s0 =	simm.s32 @!p0 $0x0  }
0x12: {  	s1 =	sld [smem:$0x3F95];
	s0 =	simm.s32 @p0 $0x1  }
0x13: {  	[smem:$0x3FB0] =	sst s0;
	s0 =	simm.s32 @!p1 $0x0  }
0x14: {  	s2 =	sld [smem:$0x3F94];
	s0 =	simm.s32 @p1 $0x1  }
0x15: {  	[smem:$0x3FB1] =	sst s0;
	s0 =	simm.s32 @!p2 $0x0  }
0x16: {  	s3 =	sld [smem:$0x3FDB];
	s0 =	simm.s32 @p2 $0x1  }
0x17: {  	s4 =	simm.s32 $0x1BF5;
	[smem:$0x3FB3] =	sst s0  }
0x18: {  	s0 =	sld [smem:$0x3F96];
	_ =	swait.ge [sflag:s4], $0x0  }
0x19: {  	s7 =	sld [smem:$0x3F97]  }
0x1a: {  	s8 =	sadd.s32 $0xFFFFE003, lr  }
0x1b: {  	s9 =	sadd.s32 $0xFFFFFEF7, lr;
	s5 =	simm.s32 $0xFFFFFFFF;
	p2 =	slt.u32 s8, $0xFFFFF086  }
0x1c: {  	p1 =	slt.u32 s9, $0xF7A;
	s5 =	simm.s32 @!p2 $0x0  }
0x1d: {  	s5 =	simm.s32 @p1 $0x1;
	p0 =	seq.s32 s7, s2  }
0x1e: {  	s7 =	smul.u32 @!p0 $0xF7A, s2;
	p2 =	seq.s32 @!p0 s5, $0x0  }
0x1f: {  	s9 =	smul.u32 $0xF7A, s1;
	s8 =	simm.s32 @!p0 $0x1BF5;
	p2 =	por !p2, p0  }
0x20: {  	[sflag:s8] =	ssyncset.s32 @!p0 $0xFFFFF086;
	s6 =	sadd.s32 @!p0 s3, s7;
	s7 =	simm.s32 @!p0 $0x108  }
0x21: {  	s3 =	sadd.s32 s3, s9;
	s6 =	sadd.s32 @!p0 $0x88, s6;
	s7 =	simm.s32 @p2 $0x1082  }
0x22: {  	[simem:s7], [sflag:s8] =	dma.local @!p0 [hbm:s6], $0xF7A  }
0x23: {  	s9 =	sor.u32 $0xD0000000, s2;
	s6 =	simm.s32 $0x108;
	_ =	swait.ge @!p0 [sflag:s8], $0x0  }
0x24: {  	s3 =	sadd.s32 $0x88, s3;
	s6 =	simm.s32 @!p1 $0x1082;
	[sflag:s4] =	ssyncset.s32 $0xFFFFF086  }
0x25: {  	[simem:s6], [sflag:s4] =	dma.local [hbm:s3], $0xF7A  }
0x26: {  	[smem:$0x3F97] =	sst s1;
	(tag) =	ssettag s2;
	_ =	strace s9  }
0x27: {  	s1 =	sld [smem:$0x3FA7]  }
0x28: {  	s2 =	sld [smem:$0x3FA8]  }
0x29: {  	s4 =	sld [smem:$0x3FAA]  }
0x2a: {  	p0 =	seq.s32 s5, $0x0;
	s5 =	sld [smem:$0x3FAB]  }
0x2b: {  	s6 =	sld [smem:$0x3FAC]  }
0x2c: {  	s7 =	sld [smem:$0x3FAD]  }
0x2d: {  	s3 =	simm.s32 $0x108;
	s8 =	sld [smem:$0x3FAE]  }
0x2e: {  	s3 =	simm.s32 @!p0 $0x1082;
	s9 =	sld [smem:$0x3FAF]  }
0x2f: {  	lr =	sadd.s32 s0, s3;
	s0 =	sld [smem:$0x3FA6]  }
0x30: {  	s3 =	sld [smem:$0x3FA9]  }
0x31: {  	[smem:$0x3FB2] =	sst s10  }
0x32: {  	s10 =	sld [smem:$0x3FB0];
	_ =	sdelay $0x3  }
0x33: {  	p0 =	seq.s32 s10, $0x1;
	s10 =	sld [smem:$0x3FB2];
	_ =	sdelay $0x3  }
0x34: {  	[smem:$0x3FB2] =	sst s10  }
0x35: {  	s10 =	sld [smem:$0x3FB1];
	_ =	sdelay $0x3  }
0x36: {  	p1 =	seq.s32 s10, $0x1;
	s10 =	sld [smem:$0x3FB2];
	_ =	sdelay $0x3  }
0x37: {  	[smem:$0x3FB2] =	sst s10  }
0x38: {  	s10 =	sld [smem:$0x3FB3]  }
0x39: {  	_ = 	snop;
	(pc) =	sbr.ind lr, $3  }
0x3a: {  	_ = 	snop  }
0x3b: {  	_ = 	snop  }
0x3c: {  	p2 =	seq.s32 s10, $0x1;
	s10 =	sld [smem:$0x3FB2]  }
0x3d: {  	_ =	shalt  }
0x3e: {  	_ =	shalt  }
0x3f: {  	_ =	shalt  }
0x40: {  	_ =	shalt  }
0x41: {  	_ =	shalt  }
0x42: {  	_ =	shalt  }
0x43: {  	_ =	shalt  }
0x44: {  	_ =	shalt  }
0x45: {  	_ =	shalt  }
0x46: {  	_ =	shalt  }
0x47: {  	_ =	shalt  }
0x48: {  	_ =	shalt  }
0x49: {  	_ =	shalt  }
0x4a: {  	_ =	shalt  }
0x4b: {  	_ =	shalt  }
0x4c: {  	_ =	shalt  }
0x4d: {  	_ =	shalt  }
0x4e: {  	_ =	shalt  }
0x4f: {  	_ =	shalt  }
0x50: {  	_ =	shalt  }
0x51: {  	_ =	shalt  }
0x52: {  	_ =	shalt  }
0x53: {  	_ =	shalt  }
0x54: {  	_ =	shalt  }
0x55: {  	_ =	shalt  }
0x56: {  	_ =	shalt  }
0x57: {  	_ =	shalt  }
0x58: {  	_ =	shalt  }
0x59: {  	_ =	shalt  }
0x5a: {  	_ =	shalt  }
0x5b: {  	_ =	shalt  }
0x5c: {  	_ =	shalt  }
0x5d: {  	_ =	shalt  }
0x5e: {  	_ =	shalt  }
0x5f: {  	_ =	shalt  }
0x60: {  	_ =	shalt  }
0x61: {  	_ =	shalt  }
0x62: {  	_ =	shalt  }
0x63: {  	_ =	shalt  }
0x64: {  	_ =	shalt  }
0x65: {  	_ =	shalt  }
0x66: {  	_ =	shalt  }
0x67: {  	_ =	shalt  }
0x68: {  	_ =	shalt  }
0x69: {  	_ =	shalt  }
0x6a: {  	_ =	shalt  }
0x6b: {  	_ =	shalt  }
0x6c: {  	_ =	shalt  }
0x6d: {  	_ =	shalt  }
0x6e: {  	_ =	shalt  }
0x6f: {  	_ =	shalt  }
0x70: {  	_ =	shalt  }
0x71: {  	_ =	shalt  }
0x72: {  	_ =	shalt  }
0x73: {  	_ =	shalt  }
0x74: {  	_ =	shalt  }
0x75: {  	_ =	shalt  }
0x76: {  	_ =	shalt  }
0x77: {  	_ =	shalt  }
0x78: {  	_ =	shalt  }
0x79: {  	_ =	shalt  }
0x7a: {  	_ =	shalt  }
0x7b: {  	_ =	shalt  }
0x7c: {  	_ =	shalt  }
0x7d: {  	_ =	shalt  }
0x7e: {  	_ =	shalt  }
0x7f: {  	_ =	shalt  }
0x80: {  	_ =	shalt  }
0x81: {  	_ =	shalt  }
0x82: {  	_ =	shalt  }
0x83: {  	_ =	shalt  }
0x84: {  	_ =	shalt  }
0x85: {  	_ =	shalt  }
0x86: {  	_ =	shalt  }
0x87: {  	_ =	shalt  }
.Lfunc_end0:
.L_simem_size_0:
called_computation.3_lowered:
.L_overlay_start_0:
0x88: {  	s2 =	sld [smem:$0x3FD9]  }
0x89: {  	s3 =	sld [smem:$0x3FFE];
	_ =	sdelay $0x1  }
0x8a: {  	s1 =	srdreg.scid  }
0x8b: {  	s0 =	sand.u32 $0x1, s1  }
0x8c: {  	s17 =	sshll.u32 s0, $0xA;
	s2 =	sadd.s32 s3, s2  }
0x8d: {  	s2 =	sadd.s32 s2, s17  }
0x8e: {  	[smem:$0x3FBE] =	sst s2  }
0x8f: {  	_ = 	snop  }
0x90: {  	s2 =	sld [smem:$0x3FD0];
	(tm) =	ssettm $0x1  }
0x91: {  	s18 =	sld [smem:$0x3FFB];
	_ =	sdelay $0x3  }
0x92: {  	_ =	strace s18  }
0x93: {  	s3 =	sld [smem:$0x3FFC];
	_ =	sdelay $0x3  }
0x94: {  	_ =	strace s3  }
0x95: {  	s3 =	sld [smem:$0x3FFD];
	_ =	sdelay $0x3  }
0x96: {  	_ =	strace s3  }
0x97: {  	_ =	strace $0x8FFFFFFF  }
0x98: {  	s19 =	sld [smem:$0x3FDB];
	_ =	sdelay $0x1  }
0x99: {  	s4 =	simm.s32 $_scs_section_size  }
0x9a: {  	s5 =	simm.s32 $_size__tile_overlayer_lowered;
	s6 =	simm.s32 $_tile_overlayer_lowered  }
0x9b: {  	s22 =	simm.s32 $0x1BFF;
	s21 =	sshll.u32 s6, $0x1;
	s3 =	sadd.s32 s4, s19  }
0x9c: {  	s7 =	simm.s32 $0x0;
	s20 =	sshll.u32 s5, $0x1;
	s5 =	sadd.s32 s21, s3  }
0x9d: {  	[timem:s7], [sflag:s22] =	dma.local [hbm:s5], s20  }
0x9e: {  	_ =	swait.ge [sflag:s22], s20  }
0x9f: {  	s4 =	ssub.s32 $0x0, s20;
	[sflag:s22] =	ssyncset.done $0x0  }
0xa0: {  	[sflag:s22] =	ssyncadd.s32 s4;
	_ =	sdelay $0x1  }
0xa1: {  	s23 =	simm.s32 $0x1B8B  }
0xa2: {  	_ =	swait.ge [sflag:s23], $0x1  }
0xa3: {  	[sflag:s23] =	ssyncset.done $0x0  }
0xa4: {  	s25 =	simm.s32 $0x1B8E;
	s24 =	sld [smem:$0x3FFE];
	[sflag:s23] =	ssyncadd.s32 $0xFFFFFFFF  }
0xa5: {  	s26 =	simm.s32 $execute0_lowered;
	[smem:$0x3FD2] =	sst s25  }
0xa6: {  	s5 =	sshll.u32 s26, $0x1;
	_ =	strace $0x8000004F;
	[dreg:$0x1] =	wrdreg $0xFFFFFFFF  }
0xa7: {  	s28 =	simm.s32 $_size_execute0_lowered;
	s3 =	sadd.s32 s3, s5;
	[dreg:$0x0] =	wrdreg $0x0  }
0xa8: {  	s5 =	sshll.u32 s28, $0x1;
	[dreg:$0x2] =	wrdreg s3  }
0xa9: {  	[dreg:$0x3] =	wrdreg s5  }
0xaa: {  	[dreg:$0x4] =	wrdreg $0xC0  }
0xab: {  	_ =	task [dreg:s7], $0x5FFFF  }
0xac: {  	[dreg:$0x1] =	wrdreg $0xFFFFFFFF  }
0xad: {  	[dreg:$0x0] =	wrdreg $0x60  }
0xae: {  	[dreg:$0x2] =	wrdreg s24  }
0xaf: {  	[dreg:$0x3] =	wrdreg s2  }
0xb0: {  	[dreg:$0x4] =	wrdreg $0x82000  }
0xb1: {  	[dreg:$0x5] =	wrdreg $0x9  }
0xb2: {  	_ =	task.clear_ibuf [dreg:s7], $0x6FFFF;
	_ =	strace $0x9000004F  }
0xb3: {  	s29 =	simm.s32 $0x9;
	_ =	strace $0x80000051  }
0xb4: {  	_ =	swait.ge [sflag:s29], $0x1  }
0xb5: {  	[sflag:s29] =	ssyncadd.s32 $0xFFFFFFFF  }
0xb6: {  	_ =	strace $0x90000051  }
0xb7: {  	_ =	sfence  }
0xb8: {  	s30 =	sld [smem:$0x0];
	_ =	sdelay $0x2  }
0xb9: {  	s31 =	sshll.u32 s1, $0xD;
	s1 =	sshrl.u32 s1, $0x2  }
0xba: {  	s3 =	sand.u32 $0x4000, s31;
	s1 =	sadd.s32 s1, s30  }
0xbb: {  	s0 =	sor.u32 s3, s0;
	s1 =	sshll.u32 s1, $0x11  }
0xbc: {  	s0 =	sor.u32 s1, s0  }
0xbd: {  	s0 =	sadd.s32 $0x8F2B, s0  }
0xbe: {  	[sflag:s0] =	ssyncadd.remote.s32 $0x1  }
0xbf: {  	_ =	sfence.sel $0xFFFF  }
0xc0: {  	[dreg:$0x0] =	wrdreg $0xFFFFFFFF;
	(pc) =	sbr.abs _section_cstart, $3  }
0xc1: {  	[dreg:$0x1] =	wrdreg $0xFFFFFFFF  }
0xc2: {  	_ =	task.clear_ibuf [dreg:s7], $0x2FFFF;
	_ =	strace $0x9FFFFFFF  }
0xc3: {  	(tm) =	ssettm $0x7FFFFFFF  }
tec
execute0_lowered:
.L_overlay_start_1:
0x0: {  	(tag) =	ssettag $0x1  }
0x1: {  	s5 =	rddreg [dreg:$0x0]  }
0x2: {  	s8 =	rddreg [dreg:$0x1]  }
0x3: {  	s2 =	rddreg [dreg:$0x2]  }
0x4: {  	s0 =	rddreg [dreg:$0x3]  }
0x5: {  	s3 =	simm.s32 $0x0;
	s4 =	srdreg.scid;
	s1 =	stileid.u32  }
0x6: {  	s18 =	simm.s32 $0x200;
	s19 =	simm.s32 $0x100;
	s20 =	simm.s32 $0x180  }
0x7: {  	s21 =	simm.s32 $0x4200;
	s22 =	simm.s32 $0x1;
	s23 =	simm.s32 $0x2  }
0x8: {  	[smem:$0x7FF] =	sst s3;
	s6 =	sand.u32 $0x1, s4;
	s7 =	smul.u32 $0x50000, s1  }
0x9: {  	s14 =	sadd.s32 $0x3800, s5;
	s13 =	sadd.s32 $0x8800, s5;
	s11 =	smul.u32 $0x28, s1  }
0xa: {  	s4 =	sadd.s32 $0x10800, s5;
	s5 =	sadd.s32 $0xE000, s5;
	s24 =	smul.u32 $0x14000, s1  }
0xb: {  	s16 =	sshll.u32 s1, $0x6;
	s25 =	smul.u32 $0x1400, s1;
	p0 =	seq.s32 s1, $0xF  }
0xc: {  	_ =	strace $0x80000050;
	s9 =	smul.u32 $0x280, s6;
	s10 =	ssub.s32 $0x2, s6  }
0xd: {  	s15 =	smul.u32 $0x138800, s6;
	s12 =	sshrl.u32 s10, $0x1;
	s7 =	sshrl.u32 s7, $0x2  }
0xe: {  	s17 =	smul.u32 $0x14000, s6;
	s10 =	ssub.s32 s10, s12;
	s6 =	sadd.s32 s7, s2  }
0xf: {  	s7 =	sor.u32 $0x1C03, s16;
	s11 =	sadd.s32 s11, s9;
	s26 =	sadd.s32 s24, s15  }
0x10: {  	s28 =	sshrl.u32 s15, $0x3;
	s29 =	sadd.s32 s25, s17;
	s16 =	simm.s32 $0x3  }
0x11: {  	s17 =	simm.s32 $0x80;
	s24 =	simm.s32 $0x0;
	s9 =	sshrl.u32 s26, $0x3  }
0x12: {  	s12 =	sadd.s32 s8, s28;
	s30 =	sor.u32 $0x80, s29;
	s10 =	smax.u32 s10, $0x1  }
0x13: {  	s8 =	sadd.s32 s8, s9;
	s9 =	sadd.s32 $0x25800, s12;
	s12 =	sshrl.u32 s30, $0x3  }
0x14: {  	s31 =	sshll.u32 s11, $0x4;
	s15 =	sshrl.u32 s6, $0x3;
	s11 =	sadd.s32 s12, s13  }
0x15: {  	s12 =	sadd.s32 s12, s14;
	s13 =	sadd.s32 s31, s13;
	s14 =	sadd.s32 s31, s14  }
.LBB2_1:
0x16: {  	[spmem:s15], [sflag:s7] =	dma.local [hbm:s5], $0x2800  }
0x17: {  	_ =	swait.ge [sflag:s16], $0x2800  }
0x18: {  	[sflag:s16] =	ssyncset.done $0x0  }
0x19: {  	[sflag:s16] =	ssyncadd.s32 $0xFFFFD800  }
0x1a: {  	s25 =	sadd.s32 $0x0, s14;
	[bflag:$0x0] =	sbarrier.arrive $0xFFFF  }
0x1b: {  	[tilespmem:s3], [sflag:$0x3] =	stream.linear.gather [hbm4b:s25+s3], $0x80, $0x38;
	[tilespmem:$0x1C200] =	vst v63  }
0x1c: {  	_ =	swait.ge [sflag:s16], $0x80  }
0x1d: {  	[sflag:s16] =	ssyncset.done $0x0  }
0x1e: {  	s29 =	sadd.s32 $0x0, s13;
	[sflag:s16] =	ssyncadd.s32 $0xFFFFFF80  }
0x1f: {  	[tilespmem:s17], [sflag:$0x3] =	stream.linear.gather [hbm4b:s29+s3], $0x80, $0x38;
	[tilespmem:$0x1C200] =	vst v63  }
0x20: {  	_ =	swait.ge [sflag:s16], $0x80  }
0x21: {  	[sflag:s16] =	ssyncset.done $0x0  }
0x22: {  	[sflag:s16] =	ssyncadd.s32 $0xFFFFFF80  }
0x23: {  	[tilespmem:s18], [sflag:$0x1] =	stream.indirect.gather [hbm4b:s4+s17], $0x80, s3, s17, $0xb8;
	[tilespmem:$0x1C200] =	vst v63  }
0x24: {  	s30 =	sadd.s32 $0x0, s12  }
0x25: {  	[tilespmem:s19], [sflag:$0x3] =	stream.linear.gather [hbm4b:s30+s3], $0x80, $0x38;
	[tilespmem:$0x1C200] =	vst v63  }
0x26: {  	_ =	swait.ge [sflag:s16], $0x80  }
0x27: {  	[sflag:s16] =	ssyncset.done $0x0  }
0x28: {  	s31 =	sadd.s32 $0x0, s11;
	[sflag:s16] =	ssyncadd.s32 $0xFFFFFF80  }
0x29: {  	[tilespmem:s20], [sflag:$0x3] =	stream.linear.gather [hbm4b:s31+s3], $0x80, $0x38;
	[tilespmem:$0x1C200] =	vst v63  }
0x2a: {  	_ =	swait.ge [sflag:s16], $0x80  }
0x2b: {  	[sflag:s16] =	ssyncset.done $0x0  }
0x2c: {  	[sflag:s16] =	ssyncadd.s32 $0xFFFFFF80  }
0x2d: {  	[tilespmem:s21], [sflag:$0x2] =	stream.indirect.gather [hbm4b:s4+s17], $0x80, s19, s17, $0xb8;
	[tilespmem:$0x1C200] =	vst v63  }
0x2e: {  	_ =	swait.ge [sflag:s22], $0x4000  }
0x2f: {  	[sflag:s22] =	ssyncset.done $0x0  }
0x30: {  	[sflag:s22] =	ssyncadd.s32 $0xFFFFC000  }
0x31: {  	[spmem:s2] =	stream.indirect.scatter.add.f32 [tilespmem:s18], [sflag:$0x3], $0x80, s17, s17, $0xb8;
	[tilespmem:$0x1C200] =	vst v63  }
0x32: {  	_ =	swait.ge [sflag:s16], $0x4000  }
0x33: {  	[sflag:s16] =	ssyncset.done $0x0  }
0x34: {  	[sflag:s16] =	ssyncadd.s32 $0xFFFFC000  }
0x35: {  	_ =	swait.ge [sflag:s23], $0x4000  }
0x36: {  	[sflag:s23] =	ssyncset.done $0x0  }
0x37: {  	[sflag:s23] =	ssyncadd.s32 $0xFFFFC000  }
0x38: {  	[spmem:s2] =	stream.indirect.scatter.add.f32 [tilespmem:s21], [sflag:$0x3], $0x80, s20, s17, $0xb8;
	[tilespmem:$0x1C200] =	vst v63  }
0x39: {  	_ =	swait.ge [sflag:s16], $0x4000  }
0x3a: {  	s28 =	simm.s32 $0x40;
	s25 =	simm.s32 $0x20;
	[sflag:s16] =	ssyncset.done $0x0  }
.LBB2_2:
0x3b: {  	s29 =	sadd.s32 s25, s14  }
0x3c: {  	[sflag:s16] =	ssyncadd.s32 $0xFFFFC000;
	s30 =	smov.u32 s28;
	s26 =	sadd.s32 $0x20, s28  }
0x3d: {  	[tilespmem:s3], [sflag:$0x3] =	stream.linear.gather [hbm4b:s29+s3], $0x80, $0x38;
	[tilespmem:$0x1C200] =	vst v63  }
0x3e: {  	p1 =	sne.s32 s28, $0x260;
	_ =	swait.ge [sflag:s16], $0x80  }
0x3f: {  	[sflag:s16] =	ssyncset.done $0x0  }
0x40: {  	s28 =	sadd.s32 s25, s13;
	[sflag:s16] =	ssyncadd.s32 $0xFFFFFF80  }
0x41: {  	[tilespmem:s17], [sflag:$0x3] =	stream.linear.gather [hbm4b:s28+s3], $0x80, $0x38;
	[tilespmem:$0x1C200] =	vst v63  }
0x42: {  	_ =	swait.ge [sflag:s16], $0x80  }
0x43: {  	[sflag:s16] =	ssyncset.done $0x0  }
0x44: {  	[sflag:s16] =	ssyncadd.s32 $0xFFFFFF80  }
0x45: {  	[tilespmem:s18], [sflag:$0x1] =	stream.indirect.gather [hbm4b:s4+s17], $0x80, s3, s17, $0xb8;
	[tilespmem:$0x1C200] =	vst v63  }
0x46: {  	s28 =	sadd.s32 s25, s12  }
0x47: {  	[tilespmem:s19], [sflag:$0x3] =	stream.linear.gather [hbm4b:s28+s3], $0x80, $0x38;
	[tilespmem:$0x1C200] =	vst v63  }
0x48: {  	_ =	swait.ge [sflag:s16], $0x80  }
0x49: {  	[sflag:s16] =	ssyncset.done $0x0  }
0x4a: {  	s28 =	sadd.s32 s25, s11;
	s25 =	smov.u32 s30;
	[sflag:s16] =	ssyncadd.s32 $0xFFFFFF80  }
0x4b: {  	[tilespmem:s20], [sflag:$0x3] =	stream.linear.gather [hbm4b:s28+s3], $0x80, $0x38;
	[tilespmem:$0x1C200] =	vst v63  }
0x4c: {  	_ =	swait.ge [sflag:s16], $0x80  }
0x4d: {  	[sflag:s16] =	ssyncset.done $0x0  }
0x4e: {  	[sflag:s16] =	ssyncadd.s32 $0xFFFFFF80  }
0x4f: {  	[tilespmem:s21], [sflag:$0x2] =	stream.indirect.gather [hbm4b:s4+s17], $0x80, s19, s17, $0xb8;
	[tilespmem:$0x1C200] =	vst v63  }
0x50: {  	_ =	swait.ge [sflag:s22], $0x4000  }
0x51: {  	[sflag:s22] =	ssyncset.done $0x0  }
0x52: {  	[sflag:s22] =	ssyncadd.s32 $0xFFFFC000  }
0x53: {  	[spmem:s2] =	stream.indirect.scatter.add.f32 [tilespmem:s18], [sflag:$0x3], $0x80, s17, s17, $0xb8;
	[tilespmem:$0x1C200] =	vst v63  }
0x54: {  	_ =	swait.ge [sflag:s16], $0x4000  }
0x55: {  	[sflag:s16] =	ssyncset.done $0x0  }
0x56: {  	[sflag:s16] =	ssyncadd.s32 $0xFFFFC000  }
0x57: {  	_ =	swait.ge [sflag:s23], $0x4000  }
.Ltmp0:
0x58: {  	[sflag:s23] =	ssyncset.done $0x0;
	(pc) =	sbr.rel @p1 .LBB2_2-.Ltmp0, $4  }
0x59: {  	[sflag:s23] =	ssyncadd.s32 $0xFFFFC000  }
0x5a: {  	[spmem:s2] =	stream.indirect.scatter.add.f32 [tilespmem:s21], [sflag:$0x3], $0x80, s20, s17, $0xb8;
	[tilespmem:$0x1C200] =	vst v63  }
0x5b: {  	_ =	swait.ge [sflag:s16], $0x4000  }
0x5c: {  	s28 =	smov.u32 s26;
	[sflag:s16] =	ssyncset.done $0x0  }
0x5d: {  	s26 =	sadd.s32 s25, s14;
	[sflag:s16] =	ssyncadd.s32 $0xFFFFC000  }
0x5e: {  	[tilespmem:s3], [sflag:$0x3] =	stream.linear.gather [hbm4b:s26+s3], $0x80, $0x38;
	[tilespmem:$0x1C200] =	vst v63  }
0x5f: {  	_ =	swait.ge [sflag:s16], $0x80  }
0x60: {  	[sflag:s16] =	ssyncset.done $0x0  }
0x61: {  	s29 =	sadd.s32 s25, s13;
	[sflag:s16] =	ssyncadd.s32 $0xFFFFFF80  }
0x62: {  	[tilespmem:s17], [sflag:$0x3] =	stream.linear.gather [hbm4b:s29+s3], $0x80, $0x38;
	[tilespmem:$0x1C200] =	vst v63  }
0x63: {  	_ =	swait.ge [sflag:s16], $0x80  }
0x64: {  	[sflag:s16] =	ssyncset.done $0x0  }
0x65: {  	[sflag:s16] =	ssyncadd.s32 $0xFFFFFF80  }
0x66: {  	[tilespmem:s18], [sflag:$0x1] =	stream.indirect.gather [hbm4b:s4+s17], $0x80, s3, s17, $0xb8;
	[tilespmem:$0x1C200] =	vst v63  }
0x67: {  	s30 =	sadd.s32 s25, s12  }
0x68: {  	[tilespmem:s19], [sflag:$0x3] =	stream.linear.gather [hbm4b:s30+s3], $0x80, $0x38;
	[tilespmem:$0x1C200] =	vst v63  }
0x69: {  	_ =	swait.ge [sflag:s16], $0x80  }
0x6a: {  	[sflag:s16] =	ssyncset.done $0x0  }
0x6b: {  	s31 =	sadd.s32 s25, s11;
	[sflag:s16] =	ssyncadd.s32 $0xFFFFFF80  }
0x6c: {  	[tilespmem:s20], [sflag:$0x3] =	stream.linear.gather [hbm4b:s31+s3], $0x80, $0x38;
	[tilespmem:$0x1C200] =	vst v63  }
0x6d: {  	_ =	swait.ge [sflag:s16], $0x80  }
0x6e: {  	[sflag:s16] =	ssyncset.done $0x0  }
0x6f: {  	[sflag:s16] =	ssyncadd.s32 $0xFFFFFF80  }
0x70: {  	[tilespmem:s21], [sflag:$0x2] =	stream.indirect.gather [hbm4b:s4+s17], $0x80, s19, s17, $0xb8;
	[tilespmem:$0x1C200] =	vst v63  }
0x71: {  	_ =	swait.ge [sflag:s22], $0x4000  }
0x72: {  	[sflag:s22] =	ssyncset.done $0x0  }
0x73: {  	[sflag:s22] =	ssyncadd.s32 $0xFFFFC000  }
0x74: {  	[spmem:s2] =	stream.indirect.scatter.add.f32 [tilespmem:s18], [sflag:$0x3], $0x80, s17, s17, $0xb8;
	[tilespmem:$0x1C200] =	vst v63  }
0x75: {  	_ =	swait.ge [sflag:s16], $0x4000  }
0x76: {  	[sflag:s16] =	ssyncset.done $0x0  }
0x77: {  	[sflag:s16] =	ssyncadd.s32 $0xFFFFC000  }
0x78: {  	_ =	swait.ge [sflag:s23], $0x4000  }
0x79: {  	[sflag:s23] =	ssyncset.done $0x0  }
0x7a: {  	[sflag:s23] =	ssyncadd.s32 $0xFFFFC000  }
0x7b: {  	[spmem:s2] =	stream.indirect.scatter.add.f32 [tilespmem:s21], [sflag:$0x3], $0x80, s20, s17, $0xb8;
	[tilespmem:$0x1C200] =	vst v63  }
0x7c: {  	_ =	swait.ge [sflag:s16], $0x4000  }
0x7d: {  	[sflag:s16] =	ssyncset.done $0x0  }
0x7e: {  	[sflag:s16] =	ssyncadd.s32 $0xFFFFC000  }
0x7f: {  	s25 =	sshrl.u32 @p0 s6, $0x3;
	[bflag:$0x0] =	sbarrier.arrive $0xFFFF  }
0x80: {  	[hbm:s9], [sflag:s7] =	dma.local @p0 [spmem:s25], $0x1900  }
0x81: {  	s25 =	simm.s32 @p0 $0x3  }
0x82: {  	_ =	swait.ge @p0 [sflag:s25], $0x1900  }
0x83: {  	s24 =	sadd.s32 $0x1, s24;
	[sflag:s25] =	ssyncset.done @p0 $0x0  }
0x84: {  	p1 =	sne.s32 s24, s10;
	[sflag:s25] =	ssyncadd.s32 @p0 $0xFFFFE700;
	s25 =	sshrl.u32 @!p0 s6, $0x3  }
0x85: {  	[hbm:s8], [sflag:s7] =	dma.local @!p0 [spmem:s25], $0x2800  }
.Ltmp1:
0x86: {  	_ = 	snop;
	(pc) =	sbr.rel @p1 .LBB2_1-.Ltmp1, $4  }
0x87: {  	s25 =	simm.s32 @!p0 $0x3  }
0x88: {  	_ =	swait.ge @!p0 [sflag:s25], $0x2800  }
0x89: {  	[sflag:s25] =	ssyncset.done @!p0 $0x0  }
0x8a: {  	[sflag:s25] =	ssyncadd.s32 @!p0 $0xFFFFD800  }
0x8b: {  	_ =	sfence.sel $0x180000  }
0x8c: {  	[bflag:$0x0] =	sbarrier.arrive $0xFFFF  }
0x8d: {  	p0 =	sne.s32 s1, $0x0;
	_ =	strace $0x90000050  }
0x8e: {  	s0 =	sadd.s32 @!p0 $0x100000, s0;
	[bflag:$0x2] =	sbarrier.arrive $0xFFFF  }
0x8f: {  	[sflag:s0] =	ssyncadd.tile.s32 @!p0 $0x1;
	_ =	shalt  }
.Lfunc_end2:
_tile_overlayer_lowered:
.L_overlay_start_2:
0x90: {  	(tag) =	ssettag $0x2  }
0x91: {  	s0 =	rddreg [dreg:$0x0];
	s2 =	stileid.u32  }
0x92: {  	s1 =	rddreg [dreg:$0x1];
	p0 =	sne.s32 s2, $0x0  }
0x93: {  	s3 =	rddreg [dreg:$0x2];
	[bflag:$0x3] =	sbarrier.arrive $0xFFFF;
	s2 =	simm.s32 @!p0 $0x1C03  }
0x94: {  	[timem:s3], [sflag:s2] =	dma.local @!p0 [hbm:s0], s1  }
0x95: {  	s0 =	simm.s32 @!p0 $0x3  }
0x96: {  	_ =	swait.ge @!p0 [sflag:s0], s1  }
0x97: {  	s1 =	ssub.s32 @!p0 $0x0, s1;
	[sflag:s0] =	ssyncset.done @!p0 $0x0  }
0x98: {  	[sflag:s0] =	ssyncadd.s32 @!p0 s1  }
0x99: {  	[bflag:$0x3] =	sbarrier.arrive $0xFFFF  }
0x9a: {  	_ =	shalt  }

// kernel: kernel.24.cloned.1.call-start
scs
__scs_entry_jumppad:
0x0: {  	(pc) =	sbr.rel $0x88, $3  }
0x1: {  	(tag) =	ssettag $0x0;
	lr =	simm.s32 $0x1  }
0x2: {  	[smem:$0x3F97] =	sst lr;
	_ =	strace $0xD0000000  }
0x3: {  	_ = 	snop  }
0x4: {  	_ = 	snop  }
0x5: {  	_ = 	snop  }
0x6: {  	_ = 	snop  }
0x7: {  	_ = 	snop  }
__scs_overlays_trampoline_lowered:
0x8: {  	[smem:$0x3FA6] =	sst s0  }
0x9: {  	[smem:$0x3FA7] =	sst s1  }
0xa: {  	[smem:$0x3FA8] =	sst s2  }
0xb: {  	[smem:$0x3FA9] =	sst s3  }
0xc: {  	[smem:$0x3FAA] =	sst s4  }
0xd: {  	[smem:$0x3FAB] =	sst s5  }
0xe: {  	[smem:$0x3FAC] =	sst s6  }
0xf: {  	[smem:$0x3FAD] =	sst s7  }
0x10: {  	[smem:$0x3FAE] =	sst s8  }
0x11: {  	[smem:$0x3FAF] =	sst s9;
	s0 =	simm.s32 @!p0 $0x0  }
0x12: {  	s1 =	sld [smem:$0x3F95];
	s0 =	simm.s32 @p0 $0x1  }
0x13: {  	[smem:$0x3FB0] =	sst s0;
	s0 =	simm.s32 @!p1 $0x0  }
0x14: {  	s2 =	sld [smem:$0x3F94];
	s0 =	simm.s32 @p1 $0x1  }
0x15: {  	[smem:$0x3FB1] =	sst s0;
	s0 =	simm.s32 @!p2 $0x0  }
0x16: {  	s3 =	sld [smem:$0x3FDB];
	s0 =	simm.s32 @p2 $0x1  }
0x17: {  	s4 =	simm.s32 $0x1BF5;
	[smem:$0x3FB3] =	sst s0  }
0x18: {  	s0 =	sld [smem:$0x3F96];
	_ =	swait.ge [sflag:s4], $0x0  }
0x19: {  	s7 =	sld [smem:$0x3F97]  }
0x1a: {  	s8 =	sadd.s32 $0xFFFFE003, lr  }
0x1b: {  	s9 =	sadd.s32 $0xFFFFFEF7, lr;
	s5 =	simm.s32 $0xFFFFFFFF;
	p2 =	slt.u32 s8, $0xFFFFF086  }
0x1c: {  	p1 =	slt.u32 s9, $0xF7A;
	s5 =	simm.s32 @!p2 $0x0  }
0x1d: {  	s5 =	simm.s32 @p1 $0x1;
	p0 =	seq.s32 s7, s2  }
0x1e: {  	s7 =	smul.u32 @!p0 $0xF7A, s2;
	p2 =	seq.s32 @!p0 s5, $0x0  }
0x1f: {  	s9 =	smul.u32 $0xF7A, s1;
	s8 =	simm.s32 @!p0 $0x1BF5;
	p2 =	por !p2, p0  }
0x20: {  	[sflag:s8] =	ssyncset.s32 @!p0 $0xFFFFF086;
	s6 =	sadd.s32 @!p0 s3, s7;
	s7 =	simm.s32 @!p0 $0x108  }
0x21: {  	s3 =	sadd.s32 s3, s9;
	s6 =	sadd.s32 @!p0 $0x88, s6;
	s7 =	simm.s32 @p2 $0x1082  }
0x22: {  	[simem:s7], [sflag:s8] =	dma.local @!p0 [hbm:s6], $0xF7A  }
0x23: {  	s9 =	sor.u32 $0xD0000000, s2;
	s6 =	simm.s32 $0x108;
	_ =	swait.ge @!p0 [sflag:s8], $0x0  }
0x24: {  	s3 =	sadd.s32 $0x88, s3;
	s6 =	simm.s32 @!p1 $0x1082;
	[sflag:s4] =	ssyncset.s32 $0xFFFFF086  }
0x25: {  	[simem:s6], [sflag:s4] =	dma.local [hbm:s3], $0xF7A  }
0x26: {  	[smem:$0x3F97] =	sst s1;
	(tag) =	ssettag s2;
	_ =	strace s9  }
0x27: {  	s1 =	sld [smem:$0x3FA7]  }
0x28: {  	s2 =	sld [smem:$0x3FA8]  }
0x29: {  	s4 =	sld [smem:$0x3FAA]  }
0x2a: {  	p0 =	seq.s32 s5, $0x0;
	s5 =	sld [smem:$0x3FAB]  }
0x2b: {  	s6 =	sld [smem:$0x3FAC]  }
0x2c: {  	s7 =	sld [smem:$0x3FAD]  }
0x2d: {  	s3 =	simm.s32 $0x108;
	s8 =	sld [smem:$0x3FAE]  }
0x2e: {  	s3 =	simm.s32 @!p0 $0x1082;
	s9 =	sld [smem:$0x3FAF]  }
0x2f: {  	lr =	sadd.s32 s0, s3;
	s0 =	sld [smem:$0x3FA6]  }
0x30: {  	s3 =	sld [smem:$0x3FA9]  }
0x31: {  	[smem:$0x3FB2] =	sst s10  }
0x32: {  	s10 =	sld [smem:$0x3FB0];
	_ =	sdelay $0x3  }
0x33: {  	p0 =	seq.s32 s10, $0x1;
	s10 =	sld [smem:$0x3FB2];
	_ =	sdelay $0x3  }
0x34: {  	[smem:$0x3FB2] =	sst s10  }
0x35: {  	s10 =	sld [smem:$0x3FB1];
	_ =	sdelay $0x3  }
0x36: {  	p1 =	seq.s32 s10, $0x1;
	s10 =	sld [smem:$0x3FB2];
	_ =	sdelay $0x3  }
0x37: {  	[smem:$0x3FB2] =	sst s10  }
0x38: {  	s10 =	sld [smem:$0x3FB3]  }
0x39: {  	_ = 	snop;
	(pc) =	sbr.ind lr, $3  }
0x3a: {  	_ = 	snop  }
0x3b: {  	_ = 	snop  }
0x3c: {  	p2 =	seq.s32 s10, $0x1;
	s10 =	sld [smem:$0x3FB2]  }
0x3d: {  	_ =	shalt  }
0x3e: {  	_ =	shalt  }
0x3f: {  	_ =	shalt  }
0x40: {  	_ =	shalt  }
0x41: {  	_ =	shalt  }
0x42: {  	_ =	shalt  }
0x43: {  	_ =	shalt  }
0x44: {  	_ =	shalt  }
0x45: {  	_ =	shalt  }
0x46: {  	_ =	shalt  }
0x47: {  	_ =	shalt  }
0x48: {  	_ =	shalt  }
0x49: {  	_ =	shalt  }
0x4a: {  	_ =	shalt  }
0x4b: {  	_ =	shalt  }
0x4c: {  	_ =	shalt  }
0x4d: {  	_ =	shalt  }
0x4e: {  	_ =	shalt  }
0x4f: {  	_ =	shalt  }
0x50: {  	_ =	shalt  }
0x51: {  	_ =	shalt  }
0x52: {  	_ =	shalt  }
0x53: {  	_ =	shalt  }
0x54: {  	_ =	shalt  }
0x55: {  	_ =	shalt  }
0x56: {  	_ =	shalt  }
0x57: {  	_ =	shalt  }
0x58: {  	_ =	shalt  }
0x59: {  	_ =	shalt  }
0x5a: {  	_ =	shalt  }
0x5b: {  	_ =	shalt  }
0x5c: {  	_ =	shalt  }
0x5d: {  	_ =	shalt  }
0x5e: {  	_ =	shalt  }
0x5f: {  	_ =	shalt  }
0x60: {  	_ =	shalt  }
0x61: {  	_ =	shalt  }
0x62: {  	_ =	shalt  }
0x63: {  	_ =	shalt  }
0x64: {  	_ =	shalt  }
0x65: {  	_ =	shalt  }
0x66: {  	_ =	shalt  }
0x67: {  	_ =	shalt  }
0x68: {  	_ =	shalt  }
0x69: {  	_ =	shalt  }
0x6a: {  	_ =	shalt  }
0x6b: {  	_ =	shalt  }
0x6c: {  	_ =	shalt  }
0x6d: {  	_ =	shalt  }
0x6e: {  	_ =	shalt  }
0x6f: {  	_ =	shalt  }
0x70: {  	_ =	shalt  }
0x71: {  	_ =	shalt  }
0x72: {  	_ =	shalt  }
0x73: {  	_ =	shalt  }
0x74: {  	_ =	shalt  }
0x75: {  	_ =	shalt  }
0x76: {  	_ =	shalt  }
0x77: {  	_ =	shalt  }
0x78: {  	_ =	shalt  }
0x79: {  	_ =	shalt  }
0x7a: {  	_ =	shalt  }
0x7b: {  	_ =	shalt  }
0x7c: {  	_ =	shalt  }
0x7d: {  	_ =	shalt  }
0x7e: {  	_ =	shalt  }
0x7f: {  	_ =	shalt  }
0x80: {  	_ =	shalt  }
0x81: {  	_ =	shalt  }
0x82: {  	_ =	shalt  }
0x83: {  	_ =	shalt  }
0x84: {  	_ =	shalt  }
0x85: {  	_ =	shalt  }
0x86: {  	_ =	shalt  }
0x87: {  	_ =	shalt  }
.Lfunc_end0:
.L_simem_size_0:
called_computation.4_lowered:
.L_overlay_start_0:
0x88: {  	s2 =	sld [smem:$0x3FD9]  }
0x89: {  	s3 =	sld [smem:$0x3FFE];
	_ =	sdelay $0x1  }
0x8a: {  	s1 =	srdreg.scid  }
0x8b: {  	s0 =	sand.u32 $0x1, s1  }
0x8c: {  	s17 =	sshll.u32 s0, $0xA;
	s2 =	sadd.s32 s3, s2  }
0x8d: {  	s2 =	sadd.s32 s2, s17  }
0x8e: {  	[smem:$0x3FBE] =	sst s2  }
0x8f: {  	_ = 	snop  }
0x90: {  	s2 =	sld [smem:$0x3FD0];
	(tm) =	ssettm $0x1  }
0x91: {  	s18 =	sld [smem:$0x3FFB];
	_ =	sdelay $0x3  }
0x92: {  	_ =	strace s18  }
0x93: {  	s3 =	sld [smem:$0x3FFC];
	_ =	sdelay $0x3  }
0x94: {  	_ =	strace s3  }
0x95: {  	s3 =	sld [smem:$0x3FFD];
	_ =	sdelay $0x3  }
0x96: {  	_ =	strace s3  }
0x97: {  	_ =	strace $0x8FFFFFFF  }
0x98: {  	s19 =	sld [smem:$0x3FDB];
	_ =	sdelay $0x1  }
0x99: {  	s4 =	simm.s32 $_scs_section_size  }
0x9a: {  	s5 =	simm.s32 $_size__tile_overlayer_lowered;
	s6 =	simm.s32 $_tile_overlayer_lowered  }
0x9b: {  	s22 =	simm.s32 $0x1BFF;
	s21 =	sshll.u32 s6, $0x1;
	s3 =	sadd.s32 s4, s19  }
0x9c: {  	s7 =	simm.s32 $0x0;
	s20 =	sshll.u32 s5, $0x1;
	s5 =	sadd.s32 s21, s3  }
0x9d: {  	[timem:s7], [sflag:s22] =	dma.local [hbm:s5], s20  }
0x9e: {  	_ =	swait.ge [sflag:s22], s20  }
0x9f: {  	s4 =	ssub.s32 $0x0, s20;
	[sflag:s22] =	ssyncset.done $0x0  }
0xa0: {  	[sflag:s22] =	ssyncadd.s32 s4;
	_ =	sdelay $0x1  }
0xa1: {  	s23 =	simm.s32 $0x1B8B  }
0xa2: {  	_ =	swait.ge [sflag:s23], $0x1  }
0xa3: {  	[sflag:s23] =	ssyncset.done $0x0  }
0xa4: {  	s25 =	simm.s32 $0x1B8E;
	s24 =	sld [smem:$0x3FFE];
	[sflag:s23] =	ssyncadd.s32 $0xFFFFFFFF  }
0xa5: {  	s26 =	simm.s32 $execute0_lowered;
	[smem:$0x3FD2] =	sst s25  }
0xa6: {  	s5 =	sshll.u32 s26, $0x1;
	_ =	strace $0x80000052;
	[dreg:$0x1] =	wrdreg $0xFFFFFFFF  }
0xa7: {  	s28 =	simm.s32 $_size_execute0_lowered;
	s3 =	sadd.s32 s3, s5;
	[dreg:$0x0] =	wrdreg $0x0  }
0xa8: {  	s5 =	sshll.u32 s28, $0x1;
	[dreg:$0x2] =	wrdreg s3  }
0xa9: {  	[dreg:$0x3] =	wrdreg s5  }
0xaa: {  	[dreg:$0x4] =	wrdreg $0xC0  }
0xab: {  	_ =	task [dreg:s7], $0x5FFFF  }
0xac: {  	[dreg:$0x1] =	wrdreg $0xFFFFFFFF  }
0xad: {  	[dreg:$0x0] =	wrdreg $0x60  }
0xae: {  	[dreg:$0x2] =	wrdreg s24  }
0xaf: {  	[dreg:$0x3] =	wrdreg s2  }
0xb0: {  	[dreg:$0x4] =	wrdreg $0x82000  }
0xb1: {  	[dreg:$0x5] =	wrdreg $0x9  }
0xb2: {  	_ =	task.clear_ibuf [dreg:s7], $0x6FFFF;
	_ =	strace $0x90000052  }
0xb3: {  	s29 =	simm.s32 $0x9;
	_ =	strace $0x80000054  }
0xb4: {  	_ =	swait.ge [sflag:s29], $0x1  }
0xb5: {  	[sflag:s29] =	ssyncadd.s32 $0xFFFFFFFF  }
0xb6: {  	_ =	strace $0x90000054  }
0xb7: {  	_ =	sfence  }
0xb8: {  	s30 =	sld [smem:$0x0];
	_ =	sdelay $0x2  }
0xb9: {  	s31 =	sshll.u32 s1, $0xD;
	s1 =	sshrl.u32 s1, $0x2  }
0xba: {  	s3 =	sand.u32 $0x4000, s31;
	s1 =	sadd.s32 s1, s30  }
0xbb: {  	s0 =	sor.u32 s3, s0;
	s1 =	sshll.u32 s1, $0x11  }
0xbc: {  	s0 =	sor.u32 s1, s0  }
0xbd: {  	s0 =	sadd.s32 $0x8F2B, s0  }
0xbe: {  	[sflag:s0] =	ssyncadd.remote.s32 $0x1  }
0xbf: {  	_ =	sfence.sel $0xFFFF  }
0xc0: {  	[dreg:$0x0] =	wrdreg $0xFFFFFFFF;
	(pc) =	sbr.abs _section_cstart, $3  }
0xc1: {  	[dreg:$0x1] =	wrdreg $0xFFFFFFFF  }
0xc2: {  	_ =	task.clear_ibuf [dreg:s7], $0x2FFFF;
	_ =	strace $0x9FFFFFFF  }
0xc3: {  	(tm) =	ssettm $0x7FFFFFFF  }
tec
execute0_lowered:
.L_overlay_start_1:
0x0: {  	(tag) =	ssettag $0x1  }
0x1: {  	s5 =	rddreg [dreg:$0x0]  }
0x2: {  	s8 =	rddreg [dreg:$0x1]  }
0x3: {  	s2 =	rddreg [dreg:$0x2]  }
0x4: {  	s0 =	rddreg [dreg:$0x3]  }
0x5: {  	s3 =	simm.s32 $0x0;
	s4 =	srdreg.scid;
	s1 =	stileid.u32  }
0x6: {  	s18 =	simm.s32 $0x200;
	s19 =	simm.s32 $0x100;
	s20 =	simm.s32 $0x180  }
0x7: {  	s21 =	simm.s32 $0x4200;
	s22 =	simm.s32 $0x1;
	s23 =	simm.s32 $0x2  }
0x8: {  	[smem:$0x7FF] =	sst s3;
	s6 =	sand.u32 $0x1, s4;
	s7 =	smul.u32 $0x50000, s1  }
0x9: {  	s14 =	sadd.s32 $0x3800, s5;
	s13 =	sadd.s32 $0x8800, s5;
	s11 =	smul.u32 $0x28, s1  }
0xa: {  	s4 =	sadd.s32 $0x10800, s5;
	s5 =	sadd.s32 $0xE000, s5;
	s24 =	smul.u32 $0x14000, s1  }
0xb: {  	s16 =	sshll.u32 s1, $0x6;
	s25 =	smul.u32 $0x1400, s1;
	p0 =	seq.s32 s1, $0xF  }
0xc: {  	_ =	strace $0x80000053;
	s9 =	smul.u32 $0x280, s6;
	s10 =	ssub.s32 $0x2, s6  }
0xd: {  	s15 =	smul.u32 $0x138800, s6;
	s12 =	sshrl.u32 s10, $0x1;
	s7 =	sshrl.u32 s7, $0x2  }
0xe: {  	s17 =	smul.u32 $0x14000, s6;
	s10 =	ssub.s32 s10, s12;
	s6 =	sadd.s32 s7, s2  }
0xf: {  	s7 =	sor.u32 $0x1C03, s16;
	s11 =	sadd.s32 s11, s9;
	s26 =	sadd.s32 s24, s15  }
0x10: {  	s28 =	sshrl.u32 s15, $0x3;
	s29 =	sadd.s32 s25, s17;
	s16 =	simm.s32 $0x3  }
0x11: {  	s17 =	simm.s32 $0x80;
	s24 =	simm.s32 $0x0;
	s9 =	sshrl.u32 s26, $0x3  }
0x12: {  	s12 =	sadd.s32 s8, s28;
	s30 =	sor.u32 $0x80, s29;
	s10 =	smax.u32 s10, $0x1  }
0x13: {  	s8 =	sadd.s32 s8, s9;
	s9 =	sadd.s32 $0x25800, s12;
	s12 =	sshrl.u32 s30, $0x3  }
0x14: {  	s31 =	sshll.u32 s11, $0x4;
	s15 =	sshrl.u32 s6, $0x3;
	s11 =	sadd.s32 s12, s13  }
0x15: {  	s12 =	sadd.s32 s12, s14;
	s13 =	sadd.s32 s31, s13;
	s14 =	sadd.s32 s31, s14  }
.LBB2_1:
0x16: {  	[spmem:s15], [sflag:s7] =	dma.local [hbm:s5], $0x2800  }
0x17: {  	_ =	swait.ge [sflag:s16], $0x2800  }
0x18: {  	[sflag:s16] =	ssyncset.done $0x0  }
0x19: {  	[sflag:s16] =	ssyncadd.s32 $0xFFFFD800  }
0x1a: {  	s25 =	sadd.s32 $0x0, s14;
	[bflag:$0x0] =	sbarrier.arrive $0xFFFF  }
0x1b: {  	[tilespmem:s3], [sflag:$0x3] =	stream.linear.gather [hbm4b:s25+s3], $0x80, $0x38;
	[tilespmem:$0x1C200] =	vst v63  }
0x1c: {  	_ =	swait.ge [sflag:s16], $0x80  }
0x1d: {  	[sflag:s16] =	ssyncset.done $0x0  }
0x1e: {  	s29 =	sadd.s32 $0x0, s13;
	[sflag:s16] =	ssyncadd.s32 $0xFFFFFF80  }
0x1f: {  	[tilespmem:s17], [sflag:$0x3] =	stream.linear.gather [hbm4b:s29+s3], $0x80, $0x38;
	[tilespmem:$0x1C200] =	vst v63  }
0x20: {  	_ =	swait.ge [sflag:s16], $0x80  }
0x21: {  	[sflag:s16] =	ssyncset.done $0x0  }
0x22: {  	[sflag:s16] =	ssyncadd.s32 $0xFFFFFF80  }
0x23: {  	[tilespmem:s18], [sflag:$0x1] =	stream.indirect.gather [hbm4b:s4+s17], $0x80, s3, s17, $0xb8;
	[tilespmem:$0x1C200] =	vst v63  }
0x24: {  	s30 =	sadd.s32 $0x0, s12  }
0x25: {  	[tilespmem:s19], [sflag:$0x3] =	stream.linear.gather [hbm4b:s30+s3], $0x80, $0x38;
	[tilespmem:$0x1C200] =	vst v63  }
0x26: {  	_ =	swait.ge [sflag:s16], $0x80  }
0x27: {  	[sflag:s16] =	ssyncset.done $0x0  }
0x28: {  	s31 =	sadd.s32 $0x0, s11;
	[sflag:s16] =	ssyncadd.s32 $0xFFFFFF80  }
0x29: {  	[tilespmem:s20], [sflag:$0x3] =	stream.linear.gather [hbm4b:s31+s3], $0x80, $0x38;
	[tilespmem:$0x1C200] =	vst v63  }
0x2a: {  	_ =	swait.ge [sflag:s16], $0x80  }
0x2b: {  	[sflag:s16] =	ssyncset.done $0x0  }
0x2c: {  	[sflag:s16] =	ssyncadd.s32 $0xFFFFFF80  }
0x2d: {  	[tilespmem:s21], [sflag:$0x2] =	stream.indirect.gather [hbm4b:s4+s17], $0x80, s19, s17, $0xb8;
	[tilespmem:$0x1C200] =	vst v63  }
0x2e: {  	_ =	swait.ge [sflag:s22], $0x4000  }
0x2f: {  	[sflag:s22] =	ssyncset.done $0x0  }
0x30: {  	[sflag:s22] =	ssyncadd.s32 $0xFFFFC000  }
0x31: {  	[spmem:s2] =	stream.indirect.scatter.add.f32 [tilespmem:s18], [sflag:$0x3], $0x80, s17, s17, $0xb8;
	[tilespmem:$0x1C200] =	vst v63  }
0x32: {  	_ =	swait.ge [sflag:s16], $0x4000  }
0x33: {  	[sflag:s16] =	ssyncset.done $0x0  }
0x34: {  	[sflag:s16] =	ssyncadd.s32 $0xFFFFC000  }
0x35: {  	_ =	swait.ge [sflag:s23], $0x4000  }
0x36: {  	[sflag:s23] =	ssyncset.done $0x0  }
0x37: {  	[sflag:s23] =	ssyncadd.s32 $0xFFFFC000  }
0x38: {  	[spmem:s2] =	stream.indirect.scatter.add.f32 [tilespmem:s21], [sflag:$0x3], $0x80, s20, s17, $0xb8;
	[tilespmem:$0x1C200] =	vst v63  }
0x39: {  	_ =	swait.ge [sflag:s16], $0x4000  }
0x3a: {  	s28 =	simm.s32 $0x40;
	s25 =	simm.s32 $0x20;
	[sflag:s16] =	ssyncset.done $0x0  }
.LBB2_2:
0x3b: {  	s29 =	sadd.s32 s25, s14  }
0x3c: {  	[sflag:s16] =	ssyncadd.s32 $0xFFFFC000;
	s30 =	smov.u32 s28;
	s26 =	sadd.s32 $0x20, s28  }
0x3d: {  	[tilespmem:s3], [sflag:$0x3] =	stream.linear.gather [hbm4b:s29+s3], $0x80, $0x38;
	[tilespmem:$0x1C200] =	vst v63  }
0x3e: {  	p1 =	sne.s32 s28, $0x260;
	_ =	swait.ge [sflag:s16], $0x80  }
0x3f: {  	[sflag:s16] =	ssyncset.done $0x0  }
0x40: {  	s28 =	sadd.s32 s25, s13;
	[sflag:s16] =	ssyncadd.s32 $0xFFFFFF80  }
0x41: {  	[tilespmem:s17], [sflag:$0x3] =	stream.linear.gather [hbm4b:s28+s3], $0x80, $0x38;
	[tilespmem:$0x1C200] =	vst v63  }
0x42: {  	_ =	swait.ge [sflag:s16], $0x80  }
0x43: {  	[sflag:s16] =	ssyncset.done $0x0  }
0x44: {  	[sflag:s16] =	ssyncadd.s32 $0xFFFFFF80  }
0x45: {  	[tilespmem:s18], [sflag:$0x1] =	stream.indirect.gather [hbm4b:s4+s17], $0x80, s3, s17, $0xb8;
	[tilespmem:$0x1C200] =	vst v63  }
0x46: {  	s28 =	sadd.s32 s25, s12  }
0x47: {  	[tilespmem:s19], [sflag:$0x3] =	stream.linear.gather [hbm4b:s28+s3], $0x80, $0x38;
	[tilespmem:$0x1C200] =	vst v63  }
0x48: {  	_ =	swait.ge [sflag:s16], $0x80  }
0x49: {  	[sflag:s16] =	ssyncset.done $0x0  }
0x4a: {  	s28 =	sadd.s32 s25, s11;
	s25 =	smov.u32 s30;
	[sflag:s16] =	ssyncadd.s32 $0xFFFFFF80  }
0x4b: {  	[tilespmem:s20], [sflag:$0x3] =	stream.linear.gather [hbm4b:s28+s3], $0x80, $0x38;
	[tilespmem:$0x1C200] =	vst v63  }
0x4c: {  	_ =	swait.ge [sflag:s16], $0x80  }
0x4d: {  	[sflag:s16] =	ssyncset.done $0x0  }
0x4e: {  	[sflag:s16] =	ssyncadd.s32 $0xFFFFFF80  }
0x4f: {  	[tilespmem:s21], [sflag:$0x2] =	stream.indirect.gather [hbm4b:s4+s17], $0x80, s19, s17, $0xb8;
	[tilespmem:$0x1C200] =	vst v63  }
0x50: {  	_ =	swait.ge [sflag:s22], $0x4000  }
0x51: {  	[sflag:s22] =	ssyncset.done $0x0  }
0x52: {  	[sflag:s22] =	ssyncadd.s32 $0xFFFFC000  }
0x53: {  	[spmem:s2] =	stream.indirect.scatter.add.f32 [tilespmem:s18], [sflag:$0x3], $0x80, s17, s17, $0xb8;
	[tilespmem:$0x1C200] =	vst v63  }
0x54: {  	_ =	swait.ge [sflag:s16], $0x4000  }
0x55: {  	[sflag:s16] =	ssyncset.done $0x0  }
0x56: {  	[sflag:s16] =	ssyncadd.s32 $0xFFFFC000  }
0x57: {  	_ =	swait.ge [sflag:s23], $0x4000  }
.Ltmp0:
0x58: {  	[sflag:s23] =	ssyncset.done $0x0;
	(pc) =	sbr.rel @p1 .LBB2_2-.Ltmp0, $4  }
0x59: {  	[sflag:s23] =	ssyncadd.s32 $0xFFFFC000  }
0x5a: {  	[spmem:s2] =	stream.indirect.scatter.add.f32 [tilespmem:s21], [sflag:$0x3], $0x80, s20, s17, $0xb8;
	[tilespmem:$0x1C200] =	vst v63  }
0x5b: {  	_ =	swait.ge [sflag:s16], $0x4000  }
0x5c: {  	s28 =	smov.u32 s26;
	[sflag:s16] =	ssyncset.done $0x0  }
0x5d: {  	s26 =	sadd.s32 s25, s14;
	[sflag:s16] =	ssyncadd.s32 $0xFFFFC000  }
0x5e: {  	[tilespmem:s3], [sflag:$0x3] =	stream.linear.gather [hbm4b:s26+s3], $0x80, $0x38;
	[tilespmem:$0x1C200] =	vst v63  }
0x5f: {  	_ =	swait.ge [sflag:s16], $0x80  }
0x60: {  	[sflag:s16] =	ssyncset.done $0x0  }
0x61: {  	s29 =	sadd.s32 s25, s13;
	[sflag:s16] =	ssyncadd.s32 $0xFFFFFF80  }
0x62: {  	[tilespmem:s17], [sflag:$0x3] =	stream.linear.gather [hbm4b:s29+s3], $0x80, $0x38;
	[tilespmem:$0x1C200] =	vst v63  }
0x63: {  	_ =	swait.ge [sflag:s16], $0x80  }
0x64: {  	[sflag:s16] =	ssyncset.done $0x0  }
0x65: {  	[sflag:s16] =	ssyncadd.s32 $0xFFFFFF80  }
0x66: {  	[tilespmem:s18], [sflag:$0x1] =	stream.indirect.gather [hbm4b:s4+s17], $0x80, s3, s17, $0xb8;
	[tilespmem:$0x1C200] =	vst v63  }
0x67: {  	s30 =	sadd.s32 s25, s12  }
0x68: {  	[tilespmem:s19], [sflag:$0x3] =	stream.linear.gather [hbm4b:s30+s3], $0x80, $0x38;
	[tilespmem:$0x1C200] =	vst v63  }
0x69: {  	_ =	swait.ge [sflag:s16], $0x80  }
0x6a: {  	[sflag:s16] =	ssyncset.done $0x0  }
0x6b: {  	s31 =	sadd.s32 s25, s11;
	[sflag:s16] =	ssyncadd.s32 $0xFFFFFF80  }
0x6c: {  	[tilespmem:s20], [sflag:$0x3] =	stream.linear.gather [hbm4b:s31+s3], $0x80, $0x38;
	[tilespmem:$0x1C200] =	vst v63  }
0x6d: {  	_ =	swait.ge [sflag:s16], $0x80  }
0x6e: {  	[sflag:s16] =	ssyncset.done $0x0  }
0x6f: {  	[sflag:s16] =	ssyncadd.s32 $0xFFFFFF80  }
0x70: {  	[tilespmem:s21], [sflag:$0x2] =	stream.indirect.gather [hbm4b:s4+s17], $0x80, s19, s17, $0xb8;
	[tilespmem:$0x1C200] =	vst v63  }
0x71: {  	_ =	swait.ge [sflag:s22], $0x4000  }
0x72: {  	[sflag:s22] =	ssyncset.done $0x0  }
0x73: {  	[sflag:s22] =	ssyncadd.s32 $0xFFFFC000  }
0x74: {  	[spmem:s2] =	stream.indirect.scatter.add.f32 [tilespmem:s18], [sflag:$0x3], $0x80, s17, s17, $0xb8;
	[tilespmem:$0x1C200] =	vst v63  }
0x75: {  	_ =	swait.ge [sflag:s16], $0x4000  }
0x76: {  	[sflag:s16] =	ssyncset.done $0x0  }
0x77: {  	[sflag:s16] =	ssyncadd.s32 $0xFFFFC000  }
0x78: {  	_ =	swait.ge [sflag:s23], $0x4000  }
0x79: {  	[sflag:s23] =	ssyncset.done $0x0  }
0x7a: {  	[sflag:s23] =	ssyncadd.s32 $0xFFFFC000  }
0x7b: {  	[spmem:s2] =	stream.indirect.scatter.add.f32 [tilespmem:s21], [sflag:$0x3], $0x80, s20, s17, $0xb8;
	[tilespmem:$0x1C200] =	vst v63  }
0x7c: {  	_ =	swait.ge [sflag:s16], $0x4000  }
0x7d: {  	[sflag:s16] =	ssyncset.done $0x0  }
0x7e: {  	[sflag:s16] =	ssyncadd.s32 $0xFFFFC000  }
0x7f: {  	s25 =	sshrl.u32 @p0 s6, $0x3;
	[bflag:$0x0] =	sbarrier.arrive $0xFFFF  }
0x80: {  	[hbm:s9], [sflag:s7] =	dma.local @p0 [spmem:s25], $0x1900  }
0x81: {  	s25 =	simm.s32 @p0 $0x3  }
0x82: {  	_ =	swait.ge @p0 [sflag:s25], $0x1900  }
0x83: {  	s24 =	sadd.s32 $0x1, s24;
	[sflag:s25] =	ssyncset.done @p0 $0x0  }
0x84: {  	p1 =	sne.s32 s24, s10;
	[sflag:s25] =	ssyncadd.s32 @p0 $0xFFFFE700;
	s25 =	sshrl.u32 @!p0 s6, $0x3  }
0x85: {  	[hbm:s8], [sflag:s7] =	dma.local @!p0 [spmem:s25], $0x2800  }
.Ltmp1:
0x86: {  	_ = 	snop;
	(pc) =	sbr.rel @p1 .LBB2_1-.Ltmp1, $4  }
0x87: {  	s25 =	simm.s32 @!p0 $0x3  }
0x88: {  	_ =	swait.ge @!p0 [sflag:s25], $0x2800  }
0x89: {  	[sflag:s25] =	ssyncset.done @!p0 $0x0  }
0x8a: {  	[sflag:s25] =	ssyncadd.s32 @!p0 $0xFFFFD800  }
0x8b: {  	_ =	sfence.sel $0x180000  }
0x8c: {  	[bflag:$0x0] =	sbarrier.arrive $0xFFFF  }
0x8d: {  	p0 =	sne.s32 s1, $0x0;
	_ =	strace $0x90000053  }
0x8e: {  	s0 =	sadd.s32 @!p0 $0x100000, s0;
	[bflag:$0x2] =	sbarrier.arrive $0xFFFF  }
0x8f: {  	[sflag:s0] =	ssyncadd.tile.s32 @!p0 $0x1;
	_ =	shalt  }
.Lfunc_end2:
_tile_overlayer_lowered:
.L_overlay_start_2:
0x90: {  	(tag) =	ssettag $0x2  }
0x91: {  	s0 =	rddreg [dreg:$0x0];
	s2 =	stileid.u32  }
0x92: {  	s1 =	rddreg [dreg:$0x1];
	p0 =	sne.s32 s2, $0x0  }
0x93: {  	s3 =	rddreg [dreg:$0x2];
	[bflag:$0x3] =	sbarrier.arrive $0xFFFF;
	s2 =	simm.s32 @!p0 $0x1C03  }
0x94: {  	[timem:s3], [sflag:s2] =	dma.local @!p0 [hbm:s0], s1  }
0x95: {  	s0 =	simm.s32 @!p0 $0x3  }
0x96: {  	_ =	swait.ge @!p0 [sflag:s0], s1  }
0x97: {  	s1 =	ssub.s32 @!p0 $0x0, s1;
	[sflag:s0] =	ssyncset.done @!p0 $0x0  }
0x98: {  	[sflag:s0] =	ssyncadd.s32 @!p0 s1  }
0x99: {  	[bflag:$0x3] =	sbarrier.arrive $0xFFFF  }
0x9a: {  	_ =	shalt  }

</sc_bundles>
